<compile_context>
chip_gen: v7x
topology: tpu7x:2x2x1
jax: 0.10.2.dev20260603
libtpu: 0.0.44.dev20260713+nightly
codegen_flags: <defaults>
</compile_context>

<pallas_src>
import functools

import jax
import jax.numpy as jnp
from jax import lax
from jax.experimental import pallas as pl
from jax.experimental.pallas import tpu as pltpu
from jax.experimental.pallas import tpu_sc as plsc

N = 10000
E = 320000
D = 128
DE = 4
NC = 2
NS = 16
L = 16
NW = NC * NS
EPW = E // NW
C = 80
NCHUNK = EPW // C
RPT = N // NS
CNT_W = 16

BE = 8000
BN = 2000

_HI = lax.Precision.HIGHEST


def _silu(v):
    return v * jax.nn.sigmoid(v)


def _dot(a, b):
    return jnp.dot(a, b, precision=_HI, preferred_element_type=jnp.float32)


def _gate_body(ea_ref, w1_ref, b1_ref, w2_ref, b2_ref, o_ref):
    eh = _silu(_dot(ea_ref[...], w1_ref[...]) + b1_ref[...])
    o_ref[...] = jax.nn.sigmoid(_dot(eh, w2_ref[...]) + b2_ref[...])


_gate = pl.pallas_call(
    _gate_body,
    grid=(E // BE,),
    in_specs=[
        pl.BlockSpec((BE, DE), lambda i: (i, 0)),
        pl.BlockSpec((DE, D), lambda i: (0, 0)),
        pl.BlockSpec((1, D), lambda i: (0, 0)),
        pl.BlockSpec((D, 1), lambda i: (0, 0)),
        pl.BlockSpec((1, 1), lambda i: (0, 0)),
    ],
    out_specs=pl.BlockSpec((BE, 1), lambda i: (i, 0)),
    out_shape=jax.ShapeDtypeStruct((E, 1), jnp.float32),
)


def _table_body(x_ref, w_ref, b_ref, o_ref):
    o_ref[...] = _silu(_dot(x_ref[...], w_ref[...]) + b_ref[...])


_table = pl.pallas_call(
    _table_body,
    grid=(N // BN,),
    in_specs=[
        pl.BlockSpec((BN, D), lambda i: (i, 0)),
        pl.BlockSpec((D, D), lambda i: (0, 0)),
        pl.BlockSpec((1, D), lambda i: (0, 0)),
    ],
    out_specs=pl.BlockSpec((BN, D), lambda i: (i, 0)),
    out_shape=jax.ShapeDtypeStruct((N, D), jnp.float32),
)


def _sc_body(y_hbm, src_hbm, dst_hbm, ew_hbm, out_hbm, cnt_hbm,
             src_v, dst_v, ew_v, ones_v, zc_v, rows_v, acc_sh, cnt_sh):
    cid = lax.axis_index("c")
    sid = lax.axis_index("s")
    wid = cid * NS + sid
    zero = jnp.zeros((L,), jnp.float32)
    one = jnp.ones((L,), jnp.float32)

    def _init(i, carry):
        for j in range(D // L):
            rows_v[i, pl.ds(j * L, L)] = zero
        return carry

    lax.fori_loop(0, C, _init, 0)
    for i in range(C // L):
        ones_v[pl.ds(i * L, L)] = one
        zc_v[pl.ds(i * L, L)] = zero

    nrch = N // C
    nown = (nrch + NS - 1) // NS

    def _over_owned(fn):
        def body(k, carry):
            j = sid + NS * k

            @pl.when(j < nrch)
            def _():
                fn(j * C)

            return carry

        lax.fori_loop(0, nown, body, 0)

    def _zero_at(r):
        pltpu.sync_copy(rows_v, acc_sh.at[pl.ds(r, C)])
        pltpu.sync_copy(zc_v, cnt_sh.at[pl.ds(r, C)])

    _over_owned(_zero_at)
    plsc.subcore_barrier()

    ebase = wid * EPW

    def _chunk(k, carry):
        base = ebase + k * C
        pltpu.sync_copy(src_hbm.at[pl.ds(base, C)], src_v)
        pltpu.sync_copy(dst_hbm.at[pl.ds(base, C)], dst_v)
        pltpu.sync_copy(ew_hbm.at[pl.ds(base, C)], ew_v)
        pltpu.sync_copy(y_hbm.at[src_v], rows_v)

        def _scale(g, cc):
            ewv = ew_v[pl.ds(g * L, L)]
            for r in range(L):
                w = jnp.take_along_axis(
                    ewv, jnp.full((L,), r, jnp.int32), axis=0,
                    mode="promise_in_bounds")
                i = g * L + r
                for j in range(D // L):
                    sl = pl.ds(j * L, L)
                    rows_v[i, sl] = rows_v[i, sl] * w
            return cc

        lax.fori_loop(0, C // L, _scale, 0)

        pltpu.sync_copy(rows_v, acc_sh.at[dst_v], add=True)
        pltpu.sync_copy(ones_v, cnt_sh.at[dst_v], add=True)
        return carry

    lax.fori_loop(0, NCHUNK, _chunk, 0)
    plsc.subcore_barrier()

    def _dump_at(r):
        pltpu.sync_copy(acc_sh.at[pl.ds(r, C)], rows_v)
        pltpu.sync_copy(rows_v, out_hbm.at[cid, pl.ds(r, C)])
        pltpu.sync_copy(cnt_sh.at[pl.ds(r, C)], zc_v)
        pltpu.sync_copy(zc_v, cnt_hbm.at[pl.ds(cid * N + r, C)])

    _over_owned(_dump_at)


@functools.cache
def _build_sc_scatter():
    return functools.partial(
        pl.kernel,
        out_type=[
            jax.ShapeDtypeStruct((NC, N, D), jnp.float32),
            jax.ShapeDtypeStruct((NC * N,), jnp.float32),
        ],
        mesh=plsc.VectorSubcoreMesh(
            core_axis_name="c", subcore_axis_name="s",
            num_cores=NC, num_subcores=NS),
        scratch_types=[
            pltpu.VMEM((C,), jnp.int32),
            pltpu.VMEM((C,), jnp.int32),
            pltpu.VMEM((C,), jnp.float32),
            pltpu.VMEM((C,), jnp.float32),
            pltpu.VMEM((C,), jnp.float32),
            pltpu.VMEM((C, D), jnp.float32),
            pltpu.VMEM_SHARED((N, D), jnp.float32),
            pltpu.VMEM_SHARED((N,), jnp.float32),
        ],
    )(_sc_body)


def _final_body(x_ref, p_ref, c_ref, w1x_ref, w1o_ref, b1_ref, w2_ref, b2_ref,
                rw_ref, g_ref, be_ref, o_ref):
    x = x_ref[...]
    p = p_ref[0] + p_ref[1]
    cs = c_ref[0] + c_ref[1]
    cnt = jnp.maximum(cs, 1.0)
    agg = p / cnt
    h1 = _silu(_dot(x, w1x_ref[...]) + _dot(agg, w1o_ref[...]) + b1_ref[...])
    h = _dot(h1, w2_ref[...]) + b2_ref[...] + _dot(x, rw_ref[...])
    mu = jnp.mean(h, axis=-1, keepdims=True)
    var = jnp.mean((h - mu) ** 2, axis=-1, keepdims=True)
    o_ref[...] = (h - mu) * lax.rsqrt(var + 1e-5) * g_ref[...] + be_ref[...]


_final = pl.pallas_call(
    _final_body,
    grid=(N // BN,),
    in_specs=[
        pl.BlockSpec((BN, D), lambda i: (i, 0)),
        pl.BlockSpec((NC, BN, D), lambda i: (0, i, 0)),
        pl.BlockSpec((NC, BN, 1), lambda i: (0, i, 0)),
        pl.BlockSpec((D, D), lambda i: (0, 0)),
        pl.BlockSpec((D, D), lambda i: (0, 0)),
        pl.BlockSpec((1, D), lambda i: (0, 0)),
        pl.BlockSpec((D, D), lambda i: (0, 0)),
        pl.BlockSpec((1, D), lambda i: (0, 0)),
        pl.BlockSpec((D, D), lambda i: (0, 0)),
        pl.BlockSpec((1, D), lambda i: (0, 0)),
        pl.BlockSpec((1, D), lambda i: (0, 0)),
    ],
    out_specs=pl.BlockSpec((BN, D), lambda i: (i, 0)),
    out_shape=jax.ShapeDtypeStruct((N, D), jnp.float32),
)


def kernel(x, edge_index, edge_attr, agg_W, agg_b, e_W1, e_b1, e_W2, e_b2,
           u_W1, u_b1, u_W2, u_b2, gamma, beta, res_W):
    src = jnp.asarray(edge_index[0], jnp.int32)
    dst = jnp.asarray(edge_index[1], jnp.int32)
    ew = _gate(edge_attr, e_W1, e_b1.reshape(1, D), e_W2, e_b2.reshape(1, 1))
    y = _table(x, agg_W, agg_b.reshape(1, D))
    out_p, cnt_p = _build_sc_scatter()(y, src, dst, ew.reshape(E))
    cnt_p = cnt_p.reshape(NC, N, 1)
    return _final(x, out_p, cnt_p, u_W1[:D], u_W1[D:], u_b1.reshape(1, D),
                  u_W2, u_b2.reshape(1, D), res_W, gamma.reshape(1, D),
                  beta.reshape(1, D))

# --- scband reference (transcript-rebuilt; emitter-appended) ---
"""Pipeline reference for scband-sageconv-62191126446612 (READ-ONLY COPY).

The authoritative reference and input builder live on the scoring server;
editing this copy changes nothing except your own understanding.
"""

import jax, jax.numpy as jnp
import numpy as np


def silu(v):
    return v * jax.nn.sigmoid(v)


def setup_inputs(seed: int = 0) -> dict:
    key = jax.random.key(seed)
    ks = jax.random.split(key, 16)
    N, E, D_IN, D_E, D_OUT = 10000, 320000, 128, 4, 128
    x = jax.random.normal(ks[0], (N, D_IN), dtype=jnp.float32)
    edge_index = jax.random.randint(ks[1], (2, E), 0, N)
    edge_attr = jax.random.normal(ks[2], (E, D_E), dtype=jnp.float32)
    # agg_mlp: Linear(in_dim, out_dim)
    agg_W = jax.random.normal(ks[3], (D_IN, D_OUT), dtype=jnp.float32) / np.sqrt(D_IN)
    agg_b = jnp.zeros((D_OUT,), dtype=jnp.float32)
    # edge_mlp: Linear(edge_dim, out_dim) -> SiLU -> Linear(out_dim, 1) -> Sigmoid
    e_W1 = jax.random.normal(ks[4], (D_E, D_OUT), dtype=jnp.float32) / np.sqrt(D_E)
    e_b1 = jnp.zeros((D_OUT,), dtype=jnp.float32)
    e_W2 = jax.random.normal(ks[5], (D_OUT, 1), dtype=jnp.float32) / np.sqrt(D_OUT)
    e_b2 = jnp.zeros((1,), dtype=jnp.float32)
    # update_mlp: Linear(in_dim+out_dim, out_dim) -> SiLU -> Linear(out_dim, out_dim)
    u_W1 = jax.random.normal(ks[6], (D_IN + D_OUT, D_OUT), dtype=jnp.float32) / np.sqrt(D_IN + D_OUT)
    u_b1 = jnp.zeros((D_OUT,), dtype=jnp.float32)
    u_W2 = jax.random.normal(ks[7], (D_OUT, D_OUT), dtype=jnp.float32) / np.sqrt(D_OUT)
    u_b2 = jnp.zeros((D_OUT,), dtype=jnp.float32)
    # LayerNorm params
    gamma = jnp.ones((D_OUT,), dtype=jnp.float32)
    beta = jnp.zeros((D_OUT,), dtype=jnp.float32)
    # residual: Linear(in_dim, out_dim, bias=False)
    res_W = jax.random.normal(ks[8], (D_IN, D_OUT), dtype=jnp.float32) / np.sqrt(D_IN)
    return {"x": x, "edge_index": edge_index, "edge_attr": edge_attr,
            "agg_W": agg_W, "agg_b": agg_b,
            "e_W1": e_W1, "e_b1": e_b1, "e_W2": e_W2, "e_b2": e_b2,
            "u_W1": u_W1, "u_b1": u_b1, "u_W2": u_W2, "u_b2": u_b2,
            "gamma": gamma, "beta": beta, "res_W": res_W}


def reference(x, edge_index, edge_attr, agg_W, agg_b, e_W1, e_b1, e_W2, e_b2,
              u_W1, u_b1, u_W2, u_b2, gamma, beta, res_W):
    N = x.shape[0]
    src = edge_index[0]
    dst = edge_index[1]
    # edge gate
    e_h = silu(edge_attr @ e_W1 + e_b1)
    e_w = jax.nn.sigmoid(e_h @ e_W2 + e_b2)  # (E, 1)
    # gather + transform source features
    x_src = jnp.take(x, src, axis=0)
    x_agg = silu(x_src @ agg_W + agg_b) * e_w
    # scatter-add mean aggregation by dst
    out = jnp.zeros((N, x_agg.shape[-1]), dtype=x.dtype).at[dst].add(x_agg)
    cnt = jnp.zeros((N, 1), dtype=x.dtype).at[dst].add(jnp.ones((dst.shape[0], 1), dtype=x.dtype))
    cnt = jnp.maximum(cnt, 1.0)
    out = out / cnt
    # update MLP + residual + layernorm (dropout is identity in eval)
    h = jnp.concatenate([x, out], axis=-1)
    h = silu(h @ u_W1 + u_b1) @ u_W2 + u_b2
    h = h + x @ res_W
    mean = jnp.mean(h, axis=-1, keepdims=True)
    var = jnp.var(h, axis=-1, keepdims=True)
    h = (h - mean) / jnp.sqrt(var + 1e-5) * gamma + beta
    return h

if __name__ == "__main__":
    import jax
    _d = setup_inputs()
    print(jax.jit(kernel)(*tuple(_d.values())))

</pallas_src>

<mosaic_0001>
#map = affine_map<(d0, d1) -> (0, 0)>
#map1 = affine_map<(d0, d1) -> (0)>
#map2 = affine_map<(d0, d1) -> (0, 0, 0)>
module attributes {stable_mosaic.version = 14 : i64} {
  func.func @_sc_body(%arg0: i32, %arg1: i32, %arg2: memref<10000x128xf32, #tpu.memory_space<hbm>>, %arg3: memref<320000xi32, #tpu.memory_space<hbm>>, %arg4: memref<320000xi32, #tpu.memory_space<hbm>>, %arg5: memref<320000xf32, #tpu.memory_space<hbm>>, %arg6: memref<2x10000x128xf32, #tpu.memory_space<hbm>>, %arg7: memref<20000xf32, #tpu.memory_space<hbm>>, %arg8: memref<80xi32, #tpu.memory_space<vmem>>, %arg9: memref<80xi32, #tpu.memory_space<vmem>>, %arg10: memref<80xf32, #tpu.memory_space<vmem>>, %arg11: memref<80xf32, #tpu.memory_space<vmem>>, %arg12: memref<80xf32, #tpu.memory_space<vmem>>, %arg13: memref<80x128xf32, #tpu.memory_space<vmem>>, %arg14: memref<10000x128xf32, #tpu.memory_space<vmem_shared>>, %arg15: memref<10000xf32, #tpu.memory_space<vmem_shared>>) attributes {dimension_semantics = [#tpu.dimension_semantics<core_parallel>, #tpu.dimension_semantics<subcore_parallel>], iteration_bounds = array<i64: 2, 16>, scalar_prefetch = 0 : i64, scratch_operands = 8 : i64, tpu.core_type = #tpu.core_type<sc_vector_subcore>, window_params = [{transform_indices = #map}, {transform_indices = #map1}, {transform_indices = #map1}, {transform_indices = #map1}, {transform_indices = #map2}, {transform_indices = #map1}]} {
    %mul3A = arith.constant 16 : i32
    %mul3A_0 = arith.muli %arg0, %mul3A : i32
    %add3A = arith.addi %mul3A_0, %arg1 : i32
    %broadcast_in_dim3A = arith.constant 0.000000e+00 : f32
    %broadcast_in_dim3A_1 = vector.broadcast %broadcast_in_dim3A : f32 to vector<16xf32>
    %broadcast_in_dim3A_2 = arith.constant 1.000000e+00 : f32
    %broadcast_in_dim3A_3 = vector.broadcast %broadcast_in_dim3A_2 : f32 to vector<16xf32>
    %scan3A = arith.constant 0 : i32
    %scan3A_4 = arith.constant 0 : i32
    %scan3A_5 = arith.constant 80 : i32
    %scan3A_6 = arith.addi %scan3A_4, %scan3A_5 : i32
    %scan3A_7 = arith.constant 1 : i32
    scf.for %scan3A_69 = %scan3A_4 to %scan3A_6 step %scan3A_7  : i32 {
      %swap3A_70 = arith.index_cast %scan3A_69 : i32 to index
      %swap3A_71 = arith.constant 0 : index
      %swap3A_72 = tpu.vector_load %arg13[%swap3A_70, %swap3A_71] {strides = array<i32>} : memref<80x128xf32, #tpu.memory_space<vmem>>, vector<1x16xf32>,
      %swap3A_73 = vector.shape_cast %swap3A_72 : vector<1x16xf32> to vector<16xf32>
      %swap3A_74 = vector.shape_cast %broadcast_in_dim3A_1 : vector<16xf32> to vector<1x16xf32>
      tpu.vector_store %arg13[%swap3A_70, %swap3A_71], %swap3A_74 {strides = array<i32>} : memref<80x128xf32, #tpu.memory_space<vmem>>, vector<1x16xf32>,
      %swap3A_75 = arith.index_cast %scan3A_69 : i32 to index
      %swap3A_76 = arith.constant 16 : index
      %swap3A_77 = tpu.vector_load %arg13[%swap3A_75, %swap3A_76] {strides = array<i32>} : memref<80x128xf32, #tpu.memory_space<vmem>>, vector<1x16xf32>,
      %swap3A_78 = vector.shape_cast %swap3A_77 : vector<1x16xf32> to vector<16xf32>
      %swap3A_79 = vector.shape_cast %broadcast_in_dim3A_1 : vector<16xf32> to vector<1x16xf32>
      tpu.vector_store %arg13[%swap3A_75, %swap3A_76], %swap3A_79 {strides = array<i32>} : memref<80x128xf32, #tpu.memory_space<vmem>>, vector<1x16xf32>,
      %swap3A_80 = arith.index_cast %scan3A_69 : i32 to index
      %swap3A_81 = arith.constant 32 : index
      %swap3A_82 = tpu.vector_load %arg13[%swap3A_80, %swap3A_81] {strides = array<i32>} : memref<80x128xf32, #tpu.memory_space<vmem>>, vector<1x16xf32>,
      %swap3A_83 = vector.shape_cast %swap3A_82 : vector<1x16xf32> to vector<16xf32>
      %swap3A_84 = vector.shape_cast %broadcast_in_dim3A_1 : vector<16xf32> to vector<1x16xf32>
      tpu.vector_store %arg13[%swap3A_80, %swap3A_81], %swap3A_84 {strides = array<i32>} : memref<80x128xf32, #tpu.memory_space<vmem>>, vector<1x16xf32>,
      %swap3A_85 = arith.index_cast %scan3A_69 : i32 to index
      %swap3A_86 = arith.constant 48 : index
      %swap3A_87 = tpu.vector_load %arg13[%swap3A_85, %swap3A_86] {strides = array<i32>} : memref<80x128xf32, #tpu.memory_space<vmem>>, vector<1x16xf32>,
      %swap3A_88 = vector.shape_cast %swap3A_87 : vector<1x16xf32> to vector<16xf32>
      %swap3A_89 = vector.shape_cast %broadcast_in_dim3A_1 : vector<16xf32> to vector<1x16xf32>
      tpu.vector_store %arg13[%swap3A_85, %swap3A_86], %swap3A_89 {strides = array<i32>} : memref<80x128xf32, #tpu.memory_space<vmem>>, vector<1x16xf32>,
      %swap3A_90 = arith.index_cast %scan3A_69 : i32 to index
      %swap3A_91 = arith.constant 64 : index
      %swap3A_92 = tpu.vector_load %arg13[%swap3A_90, %swap3A_91] {strides = array<i32>} : memref<80x128xf32, #tpu.memory_space<vmem>>, vector<1x16xf32>,
      %swap3A_93 = vector.shape_cast %swap3A_92 : vector<1x16xf32> to vector<16xf32>
      %swap3A_94 = vector.shape_cast %broadcast_in_dim3A_1 : vector<16xf32> to vector<1x16xf32>
      tpu.vector_store %arg13[%swap3A_90, %swap3A_91], %swap3A_94 {strides = array<i32>} : memref<80x128xf32, #tpu.memory_space<vmem>>, vector<1x16xf32>,
      %swap3A_95 = arith.index_cast %scan3A_69 : i32 to index
      %swap3A_96 = arith.constant 80 : index
      %swap3A_97 = tpu.vector_load %arg13[%swap3A_95, %swap3A_96] {strides = array<i32>} : memref<80x128xf32, #tpu.memory_space<vmem>>, vector<1x16xf32>,
      %swap3A_98 = vector.shape_cast %swap3A_97 : vector<1x16xf32> to vector<16xf32>
      %swap3A_99 = vector.shape_cast %broadcast_in_dim3A_1 : vector<16xf32> to vector<1x16xf32>
      tpu.vector_store %arg13[%swap3A_95, %swap3A_96], %swap3A_99 {strides = array<i32>} : memref<80x128xf32, #tpu.memory_space<vmem>>, vector<1x16xf32>,
      %swap3A_100 = arith.index_cast %scan3A_69 : i32 to index
      %swap3A_101 = arith.constant 96 : index
      %swap3A_102 = tpu.vector_load %arg13[%swap3A_100, %swap3A_101] {strides = array<i32>} : memref<80x128xf32, #tpu.memory_space<vmem>>, vector<1x16xf32>,
      %swap3A_103 = vector.shape_cast %swap3A_102 : vector<1x16xf32> to vector<16xf32>
      %swap3A_104 = vector.shape_cast %broadcast_in_dim3A_1 : vector<16xf32> to vector<1x16xf32>
      tpu.vector_store %arg13[%swap3A_100, %swap3A_101], %swap3A_104 {strides = array<i32>} : memref<80x128xf32, #tpu.memory_space<vmem>>, vector<1x16xf32>,
      %swap3A_105 = arith.index_cast %scan3A_69 : i32 to index
      %swap3A_106 = arith.constant 112 : index
      %swap3A_107 = tpu.vector_load %arg13[%swap3A_105, %swap3A_106] {strides = array<i32>} : memref<80x128xf32, #tpu.memory_space<vmem>>, vector<1x16xf32>,
      %swap3A_108 = vector.shape_cast %swap3A_107 : vector<1x16xf32> to vector<16xf32>
      %swap3A_109 = vector.shape_cast %broadcast_in_dim3A_1 : vector<16xf32> to vector<1x16xf32>
      tpu.vector_store %arg13[%swap3A_105, %swap3A_106], %swap3A_109 {strides = array<i32>} : memref<80x128xf32, #tpu.memory_space<vmem>>, vector<1x16xf32>,
    }
    %scan3A_8 = arith.constant 80 : i32
    %swap3A = arith.constant 0 : index
    %swap3A_9 = tpu.vector_load %arg11[%swap3A] {strides = array<i32>} : memref<80xf32, #tpu.memory_space<vmem>>, vector<16xf32>,
    %swap3A_10 = vector.shape_cast %swap3A_9 : vector<16xf32> to vector<16xf32>
    %swap3A_11 = vector.shape_cast %broadcast_in_dim3A_3 : vector<16xf32> to vector<16xf32>
    tpu.vector_store %arg11[%swap3A], %swap3A_11 {strides = array<i32>} : memref<80xf32, #tpu.memory_space<vmem>>, vector<16xf32>,
    %swap3A_12 = arith.constant 0 : index
    %swap3A_13 = tpu.vector_load %arg12[%swap3A_12] {strides = array<i32>} : memref<80xf32, #tpu.memory_space<vmem>>, vector<16xf32>,
    %swap3A_14 = vector.shape_cast %swap3A_13 : vector<16xf32> to vector<16xf32>
    %swap3A_15 = vector.shape_cast %broadcast_in_dim3A_1 : vector<16xf32> to vector<16xf32>
    tpu.vector_store %arg12[%swap3A_12], %swap3A_15 {strides = array<i32>} : memref<80xf32, #tpu.memory_space<vmem>>, vector<16xf32>,
    %swap3A_16 = arith.constant 16 : index
    %swap3A_17 = tpu.vector_load %arg11[%swap3A_16] {strides = array<i32>} : memref<80xf32, #tpu.memory_space<vmem>>, vector<16xf32>,
    %swap3A_18 = vector.shape_cast %swap3A_17 : vector<16xf32> to vector<16xf32>
    %swap3A_19 = vector.shape_cast %broadcast_in_dim3A_3 : vector<16xf32> to vector<16xf32>
    tpu.vector_store %arg11[%swap3A_16], %swap3A_19 {strides = array<i32>} : memref<80xf32, #tpu.memory_space<vmem>>, vector<16xf32>,
    %swap3A_20 = arith.constant 16 : index
    %swap3A_21 = tpu.vector_load %arg12[%swap3A_20] {strides = array<i32>} : memref<80xf32, #tpu.memory_space<vmem>>, vector<16xf32>,
    %swap3A_22 = vector.shape_cast %swap3A_21 : vector<16xf32> to vector<16xf32>
    %swap3A_23 = vector.shape_cast %broadcast_in_dim3A_1 : vector<16xf32> to vector<16xf32>
    tpu.vector_store %arg12[%swap3A_20], %swap3A_23 {strides = array<i32>} : memref<80xf32, #tpu.memory_space<vmem>>, vector<16xf32>,
    %swap3A_24 = arith.constant 32 : index
    %swap3A_25 = tpu.vector_load %arg11[%swap3A_24] {strides = array<i32>} : memref<80xf32, #tpu.memory_space<vmem>>, vector<16xf32>,
    %swap3A_26 = vector.shape_cast %swap3A_25 : vector<16xf32> to vector<16xf32>
    %swap3A_27 = vector.shape_cast %broadcast_in_dim3A_3 : vector<16xf32> to vector<16xf32>
    tpu.vector_store %arg11[%swap3A_24], %swap3A_27 {strides = array<i32>} : memref<80xf32, #tpu.memory_space<vmem>>, vector<16xf32>,
    %swap3A_28 = arith.constant 32 : index
    %swap3A_29 = tpu.vector_load %arg12[%swap3A_28] {strides = array<i32>} : memref<80xf32, #tpu.memory_space<vmem>>, vector<16xf32>,
    %swap3A_30 = vector.shape_cast %swap3A_29 : vector<16xf32> to vector<16xf32>
    %swap3A_31 = vector.shape_cast %broadcast_in_dim3A_1 : vector<16xf32> to vector<16xf32>
    tpu.vector_store %arg12[%swap3A_28], %swap3A_31 {strides = array<i32>} : memref<80xf32, #tpu.memory_space<vmem>>, vector<16xf32>,
    %swap3A_32 = arith.constant 48 : index
    %swap3A_33 = tpu.vector_load %arg11[%swap3A_32] {strides = array<i32>} : memref<80xf32, #tpu.memory_space<vmem>>, vector<16xf32>,
    %swap3A_34 = vector.shape_cast %swap3A_33 : vector<16xf32> to vector<16xf32>
    %swap3A_35 = vector.shape_cast %broadcast_in_dim3A_3 : vector<16xf32> to vector<16xf32>
    tpu.vector_store %arg11[%swap3A_32], %swap3A_35 {strides = array<i32>} : memref<80xf32, #tpu.memory_space<vmem>>, vector<16xf32>,
    %swap3A_36 = arith.constant 48 : index
    %swap3A_37 = tpu.vector_load %arg12[%swap3A_36] {strides = array<i32>} : memref<80xf32, #tpu.memory_space<vmem>>, vector<16xf32>,
    %swap3A_38 = vector.shape_cast %swap3A_37 : vector<16xf32> to vector<16xf32>
    %swap3A_39 = vector.shape_cast %broadcast_in_dim3A_1 : vector<16xf32> to vector<16xf32>
    tpu.vector_store %arg12[%swap3A_36], %swap3A_39 {strides = array<i32>} : memref<80xf32, #tpu.memory_space<vmem>>, vector<16xf32>,
    %swap3A_40 = arith.constant 64 : index
    %swap3A_41 = tpu.vector_load %arg11[%swap3A_40] {strides = array<i32>} : memref<80xf32, #tpu.memory_space<vmem>>, vector<16xf32>,
    %swap3A_42 = vector.shape_cast %swap3A_41 : vector<16xf32> to vector<16xf32>
    %swap3A_43 = vector.shape_cast %broadcast_in_dim3A_3 : vector<16xf32> to vector<16xf32>
    tpu.vector_store %arg11[%swap3A_40], %swap3A_43 {strides = array<i32>} : memref<80xf32, #tpu.memory_space<vmem>>, vector<16xf32>,
    %swap3A_44 = arith.constant 64 : index
    %swap3A_45 = tpu.vector_load %arg12[%swap3A_44] {strides = array<i32>} : memref<80xf32, #tpu.memory_space<vmem>>, vector<16xf32>,
    %swap3A_46 = vector.shape_cast %swap3A_45 : vector<16xf32> to vector<16xf32>
    %swap3A_47 = vector.shape_cast %broadcast_in_dim3A_1 : vector<16xf32> to vector<16xf32>
    tpu.vector_store %arg12[%swap3A_44], %swap3A_47 {strides = array<i32>} : memref<80xf32, #tpu.memory_space<vmem>>, vector<16xf32>,
    %scan3A_48 = arith.constant 0 : i32
    %scan3A_49 = arith.constant 0 : i32
    %scan3A_50 = arith.constant 8 : i32
    %scan3A_51 = arith.addi %scan3A_49, %scan3A_50 : i32
    %scan3A_52 = arith.constant 1 : i32
    scf.for %scan3A_69 = %scan3A_49 to %scan3A_51 step %scan3A_52  : i32 {
      %mul3A_70 = arith.constant 16 : i32
      %mul3A_71 = arith.muli %mul3A_70, %scan3A_69 : i32
      %add3A_72 = arith.addi %arg1, %mul3A_71 : i32
      %lt3A = arith.constant 125 : i32
      %lt3A_73 = arith.cmpi slt, %add3A_72, %lt3A : i32
      %convert_element_type3A = arith.extui %lt3A_73 : i1 to i32
      %cond3A = arith.constant 0 : i32
      %cond3A_74 = arith.cmpi ne, %convert_element_type3A, %cond3A : i32
      scf.if %cond3A_74 {
        %mul3A_75 = arith.constant 80 : i32
        %mul3A_76 = arith.muli %add3A_72, %mul3A_75 : i32
        "tpu.region"() ({
          %run_scoped3A = tpu.sem_alloc : memref<!tpu.dma_semaphore, #tpu.memory_space<semaphore_mem>>
          %dma_start3A = arith.constant 0 : i32
          %dma_start3A_77 = tpu.memref_slice %arg14[%mul3A_76, %dma_start3A] : memref<10000x128xf32, #tpu.memory_space<vmem_shared>> -> memref<80x128xf32, #tpu.memory_space<vmem_shared>>
          %dma_start3A_78 = arith.constant 0 : i32
          %dma_start3A_79 = tpu.memref_slice %arg14[%mul3A_76, %dma_start3A_78] : memref<10000x128xf32, #tpu.memory_space<vmem_shared>> -> memref<80x128xf32, #tpu.memory_space<vmem_shared>>
          tpu.enqueue_dma source(%arg13 : memref<80x128xf32, #tpu.memory_space<vmem>>) target(%dma_start3A_79 : memref<80x128xf32, #tpu.memory_space<vmem_shared>>) target_semaphore(%run_scoped3A : memref<!tpu.dma_semaphore, #tpu.memory_space<semaphore_mem>>)
          %dma_wait3A = arith.constant 0 : i32
          %dma_wait3A_80 = tpu.memref_slice %arg14[%mul3A_76, %dma_wait3A] : memref<10000x128xf32, #tpu.memory_space<vmem_shared>> -> memref<80x128xf32, #tpu.memory_space<vmem_shared>>
          %dma_wait3A_81 = arith.constant 0 : i32
          %dma_wait3A_82 = tpu.memref_slice %arg14[%mul3A_76, %dma_wait3A_81] : memref<10000x128xf32, #tpu.memory_space<vmem_shared>> -> memref<80x128xf32, #tpu.memory_space<vmem_shared>>
          tpu.wait_dma2 semaphore(%run_scoped3A : memref<!tpu.dma_semaphore, #tpu.memory_space<semaphore_mem>>) src(%arg13 : memref<80x128xf32, #tpu.memory_space<vmem>>) dst(%dma_wait3A_82 : memref<80x128xf32, #tpu.memory_space<vmem_shared>>)
          tpu.yield
        }) : () -> ()
        "tpu.region"() ({
          %run_scoped3A = tpu.sem_alloc : memref<!tpu.dma_semaphore, #tpu.memory_space<semaphore_mem>>
          %dma_start3A = tpu.memref_slice %arg15[%mul3A_76] : memref<10000xf32, #tpu.memory_space<vmem_shared>> -> memref<80xf32, #tpu.memory_space<vmem_shared>>
          %dma_start3A_77 = tpu.memref_slice %arg15[%mul3A_76] : memref<10000xf32, #tpu.memory_space<vmem_shared>> -> memref<80xf32, #tpu.memory_space<vmem_shared>>
          tpu.enqueue_dma source(%arg12 : memref<80xf32, #tpu.memory_space<vmem>>) target(%dma_start3A_77 : memref<80xf32, #tpu.memory_space<vmem_shared>>) target_semaphore(%run_scoped3A : memref<!tpu.dma_semaphore, #tpu.memory_space<semaphore_mem>>)
          %dma_wait3A = tpu.memref_slice %arg15[%mul3A_76] : memref<10000xf32, #tpu.memory_space<vmem_shared>> -> memref<80xf32, #tpu.memory_space<vmem_shared>>
          %dma_wait3A_78 = tpu.memref_slice %arg15[%mul3A_76] : memref<10000xf32, #tpu.memory_space<vmem_shared>> -> memref<80xf32, #tpu.memory_space<vmem_shared>>
          tpu.wait_dma2 semaphore(%run_scoped3A : memref<!tpu.dma_semaphore, #tpu.memory_space<semaphore_mem>>) src(%arg12 : memref<80xf32, #tpu.memory_space<vmem>>) dst(%dma_wait3A_78 : memref<80xf32, #tpu.memory_space<vmem_shared>>)
          tpu.yield
        }) : () -> ()
      } else {
      }
    }
    %scan3A_53 = arith.constant 8 : i32
    %barrier3A = arith.constant 0 : index
    tpu.barrier barrier_id(%barrier3A)
    %mul3A_54 = arith.constant 10000 : i32
    %mul3A_55 = arith.muli %add3A, %mul3A_54 : i32
    %scan3A_56 = arith.constant 0 : i32
    %scan3A_57 = arith.constant 0 : i32
    %scan3A_58 = arith.constant 125 : i32
    %scan3A_59 = arith.addi %scan3A_57, %scan3A_58 : i32
    %scan3A_60 = arith.constant 1 : i32
    scf.for %scan3A_69 = %scan3A_57 to %scan3A_59 step %scan3A_60  : i32 {
      %mul3A_70 = arith.constant 80 : i32
      %mul3A_71 = arith.muli %scan3A_69, %mul3A_70 : i32
      %add3A_72 = arith.addi %mul3A_55, %mul3A_71 : i32
      "tpu.region"() ({
        %run_scoped3A = tpu.sem_alloc : memref<!tpu.dma_semaphore, #tpu.memory_space<semaphore_mem>>
        %dma_start3A = tpu.memref_slice %arg3[%add3A_72] : memref<320000xi32, #tpu.memory_space<hbm>> -> memref<80xi32, #tpu.memory_space<hbm>>
        %dma_start3A_79 = tpu.memref_slice %arg3[%add3A_72] : memref<320000xi32, #tpu.memory_space<hbm>> -> memref<80xi32, #tpu.memory_space<hbm>>
        tpu.enqueue_dma source(%dma_start3A_79 : memref<80xi32, #tpu.memory_space<hbm>>) target(%arg8 : memref<80xi32, #tpu.memory_space<vmem>>) target_semaphore(%run_scoped3A : memref<!tpu.dma_semaphore, #tpu.memory_space<semaphore_mem>>)
        %dma_wait3A = tpu.memref_slice %arg3[%add3A_72] : memref<320000xi32, #tpu.memory_space<hbm>> -> memref<80xi32, #tpu.memory_space<hbm>>
        %dma_wait3A_80 = tpu.memref_slice %arg3[%add3A_72] : memref<320000xi32, #tpu.memory_space<hbm>> -> memref<80xi32, #tpu.memory_space<hbm>>
        tpu.wait_dma2 semaphore(%run_scoped3A : memref<!tpu.dma_semaphore, #tpu.memory_space<semaphore_mem>>) src(%dma_wait3A_80 : memref<80xi32, #tpu.memory_space<hbm>>) dst(%arg8 : memref<80xi32, #tpu.memory_space<vmem>>)
        tpu.yield
      }) : () -> ()
      "tpu.region"() ({
        %run_scoped3A = tpu.sem_alloc : memref<!tpu.dma_semaphore, #tpu.memory_space<semaphore_mem>>
        %dma_start3A = tpu.memref_slice %arg4[%add3A_72] : memref<320000xi32, #tpu.memory_space<hbm>> -> memref<80xi32, #tpu.memory_space<hbm>>
        %dma_start3A_79 = tpu.memref_slice %arg4[%add3A_72] : memref<320000xi32, #tpu.memory_space<hbm>> -> memref<80xi32, #tpu.memory_space<hbm>>
        tpu.enqueue_dma source(%dma_start3A_79 : memref<80xi32, #tpu.memory_space<hbm>>) target(%arg9 : memref<80xi32, #tpu.memory_space<vmem>>) target_semaphore(%run_scoped3A : memref<!tpu.dma_semaphore, #tpu.memory_space<semaphore_mem>>)
        %dma_wait3A = tpu.memref_slice %arg4[%add3A_72] : memref<320000xi32, #tpu.memory_space<hbm>> -> memref<80xi32, #tpu.memory_space<hbm>>
        %dma_wait3A_80 = tpu.memref_slice %arg4[%add3A_72] : memref<320000xi32, #tpu.memory_space<hbm>> -> memref<80xi32, #tpu.memory_space<hbm>>
        tpu.wait_dma2 semaphore(%run_scoped3A : memref<!tpu.dma_semaphore, #tpu.memory_space<semaphore_mem>>) src(%dma_wait3A_80 : memref<80xi32, #tpu.memory_space<hbm>>) dst(%arg9 : memref<80xi32, #tpu.memory_space<vmem>>)
        tpu.yield
      }) : () -> ()
      "tpu.region"() ({
        %run_scoped3A = tpu.sem_alloc : memref<!tpu.dma_semaphore, #tpu.memory_space<semaphore_mem>>
        %dma_start3A = tpu.memref_slice %arg5[%add3A_72] : memref<320000xf32, #tpu.memory_space<hbm>> -> memref<80xf32, #tpu.memory_space<hbm>>
        %dma_start3A_79 = tpu.memref_slice %arg5[%add3A_72] : memref<320000xf32, #tpu.memory_space<hbm>> -> memref<80xf32, #tpu.memory_space<hbm>>
        tpu.enqueue_dma source(%dma_start3A_79 : memref<80xf32, #tpu.memory_space<hbm>>) target(%arg10 : memref<80xf32, #tpu.memory_space<vmem>>) target_semaphore(%run_scoped3A : memref<!tpu.dma_semaphore, #tpu.memory_space<semaphore_mem>>)
        %dma_wait3A = tpu.memref_slice %arg5[%add3A_72] : memref<320000xf32, #tpu.memory_space<hbm>> -> memref<80xf32, #tpu.memory_space<hbm>>
        %dma_wait3A_80 = tpu.memref_slice %arg5[%add3A_72] : memref<320000xf32, #tpu.memory_space<hbm>> -> memref<80xf32, #tpu.memory_space<hbm>>
        tpu.wait_dma2 semaphore(%run_scoped3A : memref<!tpu.dma_semaphore, #tpu.memory_space<semaphore_mem>>) src(%dma_wait3A_80 : memref<80xf32, #tpu.memory_space<hbm>>) dst(%arg10 : memref<80xf32, #tpu.memory_space<vmem>>)
        tpu.yield
      }) : () -> ()
      "tpu.region"() ({
        %run_scoped3A = tpu.sem_alloc : memref<!tpu.dma_semaphore, #tpu.memory_space<semaphore_mem>>
        %dma_start3A = arith.constant 0 : i32
        %dma_start3A_79 = arith.constant 0 : i32
        %dma_start3A_80 = tpu.memref_slice %arg2[%dma_start3A, %dma_start3A_79] : memref<10000x128xf32, #tpu.memory_space<hbm>> -> memref<10000x128xf32, #tpu.memory_space<hbm>>
        tpu.enqueue_indirect_dma source(%dma_start3A_80 : memref<10000x128xf32, #tpu.memory_space<hbm>>) target(%arg13 : memref<80x128xf32, #tpu.memory_space<vmem>>) offsets(%arg8 : memref<80xi32, #tpu.memory_space<vmem>>) semaphore(%run_scoped3A : memref<!tpu.dma_semaphore, #tpu.memory_space<semaphore_mem>>)
        %dma_wait3A = arith.constant 0 : i32
        %dma_wait3A_81 = arith.constant 0 : i32
        %dma_wait3A_82 = tpu.memref_slice %arg2[%dma_wait3A, %dma_wait3A_81] : memref<10000x128xf32, #tpu.memory_space<hbm>> -> memref<10000x128xf32, #tpu.memory_space<hbm>>
        tpu.wait_indirect_dma semaphore(%run_scoped3A : memref<!tpu.dma_semaphore, #tpu.memory_space<semaphore_mem>>) src(%dma_wait3A_82 : memref<10000x128xf32, #tpu.memory_space<hbm>>) dst(%arg13 : memref<80x128xf32, #tpu.memory_space<vmem>>)
        tpu.yield
      }) : () -> ()
      %scan3A_73 = arith.constant 0 : i32
      %scan3A_74 = arith.constant 0 : i32
      %scan3A_75 = arith.constant 5 : i32
      %scan3A_76 = arith.addi %scan3A_74, %scan3A_75 : i32
      %scan3A_77 = arith.constant 1 : i32
      scf.for %scan3A_79 = %scan3A_74 to %scan3A_76 step %scan3A_77  : i32 {
        %mul3A_80 = arith.constant 16 : i32
        %mul3A_81 = arith.muli %scan3A_79, %mul3A_80 : i32
        %get3A = arith.index_cast %mul3A_81 : i32 to index
        %get3A_82 = tpu.vector_load %arg10[%get3A] {strides = array<i32>} : memref<80xf32, #tpu.memory_space<vmem>>, vector<16xf32>,
        %get3A_83 = vector.shape_cast %get3A_82 : vector<16xf32> to vector<16xf32>
        %broadcast_in_dim3A_84 = arith.constant 0 : i32
        %broadcast_in_dim3A_85 = vector.broadcast %broadcast_in_dim3A_84 : i32 to vector<16xi32>
        %reshape3A = vector.shape_cast %broadcast_in_dim3A_85 : vector<16xi32> to vector<16x1xi32>
        %gather3A = vector.shape_cast %reshape3A : vector<16x1xi32> to vector<16xi32>
        %gather3A_86 = tpu.dynamic_gather %get3A_83[%gather3A] in [0] : vector<16xf32>, vector<16xi32> -> vector<16xf32>
        %mul3A_87 = arith.constant 16 : i32
        %mul3A_88 = arith.muli %scan3A_79, %mul3A_87 : i32
        %add3A_89 = arith.constant 0 : i32
        %add3A_90 = arith.addi %mul3A_88, %add3A_89 : i32
        %get3A_91 = arith.index_cast %add3A_90 : i32 to index
        %get3A_92 = arith.constant 0 : index
        %get3A_93 = tpu.vector_load %arg13[%get3A_91, %get3A_92] {strides = array<i32>} : memref<80x128xf32, #tpu.memory_space<vmem>>, vector<1x16xf32>,
        %get3A_94 = vector.shape_cast %get3A_93 : vector<1x16xf32> to vector<16xf32>
        %mul3A_95 = arith.mulf %get3A_94, %gather3A_86 : vector<16xf32>
        %swap3A_96 = arith.index_cast %add3A_90 : i32 to index
        %swap3A_97 = arith.constant 0 : index
        %swap3A_98 = tpu.vector_load %arg13[%swap3A_96, %swap3A_97] {strides = array<i32>} : memref<80x128xf32, #tpu.memory_space<vmem>>, vector<1x16xf32>,
        %swap3A_99 = vector.shape_cast %swap3A_98 : vector<1x16xf32> to vector<16xf32>
        %swap3A_100 = vector.shape_cast %mul3A_95 : vector<16xf32> to vector<1x16xf32>
        tpu.vector_store %arg13[%swap3A_96, %swap3A_97], %swap3A_100 {strides = array<i32>} : memref<80x128xf32, #tpu.memory_space<vmem>>, vector<1x16xf32>,
        %get3A_101 = arith.index_cast %add3A_90 : i32 to index
        %get3A_102 = arith.constant 16 : index
        %get3A_103 = tpu.vector_load %arg13[%get3A_101, %get3A_102] {strides = array<i32>} : memref<80x128xf32, #tpu.memory_space<vmem>>, vector<1x16xf32>,
        %get3A_104 = vector.shape_cast %get3A_103 : vector<1x16xf32> to vector<16xf32>
        %mul3A_105 = arith.mulf %get3A_104, %gather3A_86 : vector<16xf32>
        %swap3A_106 = arith.index_cast %add3A_90 : i32 to index
        %swap3A_107 = arith.constant 16 : index
        %swap3A_108 = tpu.vector_load %arg13[%swap3A_106, %swap3A_107] {strides = array<i32>} : memref<80x128xf32, #tpu.memory_space<vmem>>, vector<1x16xf32>,
        %swap3A_109 = vector.shape_cast %swap3A_108 : vector<1x16xf32> to vector<16xf32>
        %swap3A_110 = vector.shape_cast %mul3A_105 : vector<16xf32> to vector<1x16xf32>
        tpu.vector_store %arg13[%swap3A_106, %swap3A_107], %swap3A_110 {strides = array<i32>} : memref<80x128xf32, #tpu.memory_space<vmem>>, vector<1x16xf32>,
        %get3A_111 = arith.index_cast %add3A_90 : i32 to index
        %get3A_112 = arith.constant 32 : index
        %get3A_113 = tpu.vector_load %arg13[%get3A_111, %get3A_112] {strides = array<i32>} : memref<80x128xf32, #tpu.memory_space<vmem>>, vector<1x16xf32>,
        %get3A_114 = vector.shape_cast %get3A_113 : vector<1x16xf32> to vector<16xf32>
        %mul3A_115 = arith.mulf %get3A_114, %gather3A_86 : vector<16xf32>
        %swap3A_116 = arith.index_cast %add3A_90 : i32 to index
        %swap3A_117 = arith.constant 32 : index
        %swap3A_118 = tpu.vector_load %arg13[%swap3A_116, %swap3A_117] {strides = array<i32>} : memref<80x128xf32, #tpu.memory_space<vmem>>, vector<1x16xf32>,
        %swap3A_119 = vector.shape_cast %swap3A_118 : vector<1x16xf32> to vector<16xf32>
        %swap3A_120 = vector.shape_cast %mul3A_115 : vector<16xf32> to vector<1x16xf32>
        tpu.vector_store %arg13[%swap3A_116, %swap3A_117], %swap3A_120 {strides = array<i32>} : memref<80x128xf32, #tpu.memory_space<vmem>>, vector<1x16xf32>,
        %get3A_121 = arith.index_cast %add3A_90 : i32 to index
        %get3A_122 = arith.constant 48 : index
        %get3A_123 = tpu.vector_load %arg13[%get3A_121, %get3A_122] {strides = array<i32>} : memref<80x128xf32, #tpu.memory_space<vmem>>, vector<1x16xf32>,
        %get3A_124 = vector.shape_cast %get3A_123 : vector<1x16xf32> to vector<16xf32>
        %mul3A_125 = arith.mulf %get3A_124, %gather3A_86 : vector<16xf32>
        %swap3A_126 = arith.index_cast %add3A_90 : i32 to index
        %swap3A_127 = arith.constant 48 : index
        %swap3A_128 = tpu.vector_load %arg13[%swap3A_126, %swap3A_127] {strides = array<i32>} : memref<80x128xf32, #tpu.memory_space<vmem>>, vector<1x16xf32>,
        %swap3A_129 = vector.shape_cast %swap3A_128 : vector<1x16xf32> to vector<16xf32>
        %swap3A_130 = vector.shape_cast %mul3A_125 : vector<16xf32> to vector<1x16xf32>
        tpu.vector_store %arg13[%swap3A_126, %swap3A_127], %swap3A_130 {strides = array<i32>} : memref<80x128xf32, #tpu.memory_space<vmem>>, vector<1x16xf32>,
        %get3A_131 = arith.index_cast %add3A_90 : i32 to index
        %get3A_132 = arith.constant 64 : index
        %get3A_133 = tpu.vector_load %arg13[%get3A_131, %get3A_132] {strides = array<i32>} : memref<80x128xf32, #tpu.memory_space<vmem>>, vector<1x16xf32>,
        %get3A_134 = vector.shape_cast %get3A_133 : vector<1x16xf32> to vector<16xf32>
        %mul3A_135 = arith.mulf %get3A_134, %gather3A_86 : vector<16xf32>
        %swap3A_136 = arith.index_cast %add3A_90 : i32 to index
        %swap3A_137 = arith.constant 64 : index
        %swap3A_138 = tpu.vector_load %arg13[%swap3A_136, %swap3A_137] {strides = array<i32>} : memref<80x128xf32, #tpu.memory_space<vmem>>, vector<1x16xf32>,
        %swap3A_139 = vector.shape_cast %swap3A_138 : vector<1x16xf32> to vector<16xf32>
        %swap3A_140 = vector.shape_cast %mul3A_135 : vector<16xf32> to vector<1x16xf32>
        tpu.vector_store %arg13[%swap3A_136, %swap3A_137], %swap3A_140 {strides = array<i32>} : memref<80x128xf32, #tpu.memory_space<vmem>>, vector<1x16xf32>,
        %get3A_141 = arith.index_cast %add3A_90 : i32 to index
        %get3A_142 = arith.constant 80 : index
        %get3A_143 = tpu.vector_load %arg13[%get3A_141, %get3A_142] {strides = array<i32>} : memref<80x128xf32, #tpu.memory_space<vmem>>, vector<1x16xf32>,
        %get3A_144 = vector.shape_cast %get3A_143 : vector<1x16xf32> to vector<16xf32>
        %mul3A_145 = arith.mulf %get3A_144, %gather3A_86 : vector<16xf32>
        %swap3A_146 = arith.index_cast %add3A_90 : i32 to index
        %swap3A_147 = arith.constant 80 : index
        %swap3A_148 = tpu.vector_load %arg13[%swap3A_146, %swap3A_147] {strides = array<i32>} : memref<80x128xf32, #tpu.memory_space<vmem>>, vector<1x16xf32>,
        %swap3A_149 = vector.shape_cast %swap3A_148 : vector<1x16xf32> to vector<16xf32>
        %swap3A_150 = vector.shape_cast %mul3A_145 : vector<16xf32> to vector<1x16xf32>
        tpu.vector_store %arg13[%swap3A_146, %swap3A_147], %swap3A_150 {strides = array<i32>} : memref<80x128xf32, #tpu.memory_space<vmem>>, vector<1x16xf32>,
        %get3A_151 = arith.index_cast %add3A_90 : i32 to index
        %get3A_152 = arith.constant 96 : index
        %get3A_153 = tpu.vector_load %arg13[%get3A_151, %get3A_152] {strides = array<i32>} : memref<80x128xf32, #tpu.memory_space<vmem>>, vector<1x16xf32>,
        %get3A_154 = vector.shape_cast %get3A_153 : vector<1x16xf32> to vector<16xf32>
        %mul3A_155 = arith.mulf %get3A_154, %gather3A_86 : vector<16xf32>
        %swap3A_156 = arith.index_cast %add3A_90 : i32 to index
        %swap3A_157 = arith.constant 96 : index
        %swap3A_158 = tpu.vector_load %arg13[%swap3A_156, %swap3A_157] {strides = array<i32>} : memref<80x128xf32, #tpu.memory_space<vmem>>, vector<1x16xf32>,
        %swap3A_159 = vector.shape_cast %swap3A_158 : vector<1x16xf32> to vector<16xf32>
        %swap3A_160 = vector.shape_cast %mul3A_155 : vector<16xf32> to vector<1x16xf32>
        tpu.vector_store %arg13[%swap3A_156, %swap3A_157], %swap3A_160 {strides = array<i32>} : memref<80x128xf32, #tpu.memory_space<vmem>>, vector<1x16xf32>,
        %get3A_161 = arith.index_cast %add3A_90 : i32 to index
        %get3A_162 = arith.constant 112 : index
        %get3A_163 = tpu.vector_load %arg13[%get3A_161, %get3A_162] {strides = array<i32>} : memref<80x128xf32, #tpu.memory_space<vmem>>, vector<1x16xf32>,
        %get3A_164 = vector.shape_cast %get3A_163 : vector<1x16xf32> to vector<16xf32>
        %mul3A_165 = arith.mulf %get3A_164, %gather3A_86 : vector<16xf32>
        %swap3A_166 = arith.index_cast %add3A_90 : i32 to index
        %swap3A_167 = arith.constant 112 : index
        %swap3A_168 = tpu.vector_load %arg13[%swap3A_166, %swap3A_167] {strides = array<i32>} : memref<80x128xf32, #tpu.memory_space<vmem>>, vector<1x16xf32>,
        %swap3A_169 = vector.shape_cast %swap3A_168 : vector<1x16xf32> to vector<16xf32>
        %swap3A_170 = vector.shape_cast %mul3A_165 : vector<16xf32> to vector<1x16xf32>
        tpu.vector_store %arg13[%swap3A_166, %swap3A_167], %swap3A_170 {strides = array<i32>} : memref<80x128xf32, #tpu.memory_space<vmem>>, vector<1x16xf32>,
        %broadcast_in_dim3A_171 = arith.constant 1 : i32
        %broadcast_in_dim3A_172 = vector.broadcast %broadcast_in_dim3A_171 : i32 to vector<16xi32>
        %reshape3A_173 = vector.shape_cast %broadcast_in_dim3A_172 : vector<16xi32> to vector<16x1xi32>
        %gather3A_174 = vector.shape_cast %reshape3A_173 : vector<16x1xi32> to vector<16xi32>
        %gather3A_175 = tpu.dynamic_gather %get3A_83[%gather3A_174] in [0] : vector<16xf32>, vector<16xi32> -> vector<16xf32>
        %mul3A_176 = arith.constant 16 : i32
        %mul3A_177 = arith.muli %scan3A_79, %mul3A_176 : i32
        %add3A_178 = arith.constant 1 : i32
        %add3A_179 = arith.addi %mul3A_177, %add3A_178 : i32
        %get3A_180 = arith.index_cast %add3A_179 : i32 to index
        %get3A_181 = arith.constant 0 : index
        %get3A_182 = tpu.vector_load %arg13[%get3A_180, %get3A_181] {strides = array<i32>} : memref<80x128xf32, #tpu.memory_space<vmem>>, vector<1x16xf32>,
        %get3A_183 = vector.shape_cast %get3A_182 : vector<1x16xf32> to vector<16xf32>
        %mul3A_184 = arith.mulf %get3A_183, %gather3A_175 : vector<16xf32>
        %swap3A_185 = arith.index_cast %add3A_179 : i32 to index
        %swap3A_186 = arith.constant 0 : index
        %swap3A_187 = tpu.vector_load %arg13[%swap3A_185, %swap3A_186] {strides = array<i32>} : memref<80x128xf32, #tpu.memory_space<vmem>>, vector<1x16xf32>,
        %swap3A_188 = vector.shape_cast %swap3A_187 : vector<1x16xf32> to vector<16xf32>
        %swap3A_189 = vector.shape_cast %mul3A_184 : vector<16xf32> to vector<1x16xf32>
        tpu.vector_store %arg13[%swap3A_185, %swap3A_186], %swap3A_189 {strides = array<i32>} : memref<80x128xf32, #tpu.memory_space<vmem>>, vector<1x16xf32>,
        %get3A_190 = arith.index_cast %add3A_179 : i32 to index
        %get3A_191 = arith.constant 16 : index
        %get3A_192 = tpu.vector_load %arg13[%get3A_190, %get3A_191] {strides = array<i32>} : memref<80x128xf32, #tpu.memory_space<vmem>>, vector<1x16xf32>,
        %get3A_193 = vector.shape_cast %get3A_192 : vector<1x16xf32> to vector<16xf32>
        %mul3A_194 = arith.mulf %get3A_193, %gather3A_175 : vector<16xf32>
        %swap3A_195 = arith.index_cast %add3A_179 : i32 to index
        %swap3A_196 = arith.constant 16 : index
        %swap3A_197 = tpu.vector_load %arg13[%swap3A_195, %swap3A_196] {strides = array<i32>} : memref<80x128xf32, #tpu.memory_space<vmem>>, vector<1x16xf32>,
        %swap3A_198 = vector.shape_cast %swap3A_197 : vector<1x16xf32> to vector<16xf32>
        %swap3A_199 = vector.shape_cast %mul3A_194 : vector<16xf32> to vector<1x16xf32>
        tpu.vector_store %arg13[%swap3A_195, %swap3A_196], %swap3A_199 {strides = array<i32>} : memref<80x128xf32, #tpu.memory_space<vmem>>, vector<1x16xf32>,
        %get3A_200 = arith.index_cast %add3A_179 : i32 to index
        %get3A_201 = arith.constant 32 : index
        %get3A_202 = tpu.vector_load %arg13[%get3A_200, %get3A_201] {strides = array<i32>} : memref<80x128xf32, #tpu.memory_space<vmem>>, vector<1x16xf32>,
        %get3A_203 = vector.shape_cast %get3A_202 : vector<1x16xf32> to vector<16xf32>
        %mul3A_204 = arith.mulf %get3A_203, %gather3A_175 : vector<16xf32>
        %swap3A_205 = arith.index_cast %add3A_179 : i32 to index
        %swap3A_206 = arith.constant 32 : index
        %swap3A_207 = tpu.vector_load %arg13[%swap3A_205, %swap3A_206] {strides = array<i32>} : memref<80x128xf32, #tpu.memory_space<vmem>>, vector<1x16xf32>,
        %swap3A_208 = vector.shape_cast %swap3A_207 : vector<1x16xf32> to vector<16xf32>
        %swap3A_209 = vector.shape_cast %mul3A_204 : vector<16xf32> to vector<1x16xf32>
        tpu.vector_store %arg13[%swap3A_205, %swap3A_206], %swap3A_209 {strides = array<i32>} : memref<80x128xf32, #tpu.memory_space<vmem>>, vector<1x16xf32>,
        %get3A_210 = arith.index_cast %add3A_179 : i32 to index
        %get3A_211 = arith.constant 48 : index
        %get3A_212 = tpu.vector_load %arg13[%get3A_210, %get3A_211] {strides = array<i32>} : memref<80x128xf32, #tpu.memory_space<vmem>>, vector<1x16xf32>,
        %get3A_213 = vector.shape_cast %get3A_212 : vector<1x16xf32> to vector<16xf32>
        %mul3A_214 = arith.mulf %get3A_213, %gather3A_175 : vector<16xf32>
        %swap3A_215 = arith.index_cast %add3A_179 : i32 to index
        %swap3A_216 = arith.constant 48 : index
        %swap3A_217 = tpu.vector_load %arg13[%swap3A_215, %swap3A_216] {strides = array<i32>} : memref<80x128xf32, #tpu.memory_space<vmem>>, vector<1x16xf32>,
        %swap3A_218 = vector.shape_cast %swap3A_217 : vector<1x16xf32> to vector<16xf32>
        %swap3A_219 = vector.shape_cast %mul3A_214 : vector<16xf32> to vector<1x16xf32>
        tpu.vector_store %arg13[%swap3A_215, %swap3A_216], %swap3A_219 {strides = array<i32>} : memref<80x128xf32, #tpu.memory_space<vmem>>, vector<1x16xf32>,
        %get3A_220 = arith.index_cast %add3A_179 : i32 to index
        %get3A_221 = arith.constant 64 : index
        %get3A_222 = tpu.vector_load %arg13[%get3A_220, %get3A_221] {strides = array<i32>} : memref<80x128xf32, #tpu.memory_space<vmem>>, vector<1x16xf32>,
        %get3A_223 = vector.shape_cast %get3A_222 : vector<1x16xf32> to vector<16xf32>
        %mul3A_224 = arith.mulf %get3A_223, %gather3A_175 : vector<16xf32>
        %swap3A_225 = arith.index_cast %add3A_179 : i32 to index
        %swap3A_226 = arith.constant 64 : index
        %swap3A_227 = tpu.vector_load %arg13[%swap3A_225, %swap3A_226] {strides = array<i32>} : memref<80x128xf32, #tpu.memory_space<vmem>>, vector<1x16xf32>,
        %swap3A_228 = vector.shape_cast %swap3A_227 : vector<1x16xf32> to vector<16xf32>
        %swap3A_229 = vector.shape_cast %mul3A_224 : vector<16xf32> to vector<1x16xf32>
        tpu.vector_store %arg13[%swap3A_225, %swap3A_226], %swap3A_229 {strides = array<i32>} : memref<80x128xf32, #tpu.memory_space<vmem>>, vector<1x16xf32>,
        %get3A_230 = arith.index_cast %add3A_179 : i32 to index
        %get3A_231 = arith.constant 80 : index
        %get3A_232 = tpu.vector_load %arg13[%get3A_230, %get3A_231] {strides = array<i32>} : memref<80x128xf32, #tpu.memory_space<vmem>>, vector<1x16xf32>,
        %get3A_233 = vector.shape_cast %get3A_232 : vector<1x16xf32> to vector<16xf32>
        %mul3A_234 = arith.mulf %get3A_233, %gather3A_175 : vector<16xf32>
        %swap3A_235 = arith.index_cast %add3A_179 : i32 to index
        %swap3A_236 = arith.constant 80 : index
        %swap3A_237 = tpu.vector_load %arg13[%swap3A_235, %swap3A_236] {strides = array<i32>} : memref<80x128xf32, #tpu.memory_space<vmem>>, vector<1x16xf32>,
        %swap3A_238 = vector.shape_cast %swap3A_237 : vector<1x16xf32> to vector<16xf32>
        %swap3A_239 = vector.shape_cast %mul3A_234 : vector<16xf32> to vector<1x16xf32>
        tpu.vector_store %arg13[%swap3A_235, %swap3A_236], %swap3A_239 {strides = array<i32>} : memref<80x128xf32, #tpu.memory_space<vmem>>, vector<1x16xf32>,
        %get3A_240 = arith.index_cast %add3A_179 : i32 to index
        %get3A_241 = arith.constant 96 : index
        %get3A_242 = tpu.vector_load %arg13[%get3A_240, %get3A_241] {strides = array<i32>} : memref<80x128xf32, #tpu.memory_space<vmem>>, vector<1x16xf32>,
        %get3A_243 = vector.shape_cast %get3A_242 : vector<1x16xf32> to vector<16xf32>
        %mul3A_244 = arith.mulf %get3A_243, %gather3A_175 : vector<16xf32>
        %swap3A_245 = arith.index_cast %add3A_179 : i32 to index
        %swap3A_246 = arith.constant 96 : index
        %swap3A_247 = tpu.vector_load %arg13[%swap3A_245, %swap3A_246] {strides = array<i32>} : memref<80x128xf32, #tpu.memory_space<vmem>>, vector<1x16xf32>,
        %swap3A_248 = vector.shape_cast %swap3A_247 : vector<1x16xf32> to vector<16xf32>
        %swap3A_249 = vector.shape_cast %mul3A_244 : vector<16xf32> to vector<1x16xf32>
        tpu.vector_store %arg13[%swap3A_245, %swap3A_246], %swap3A_249 {strides = array<i32>} : memref<80x128xf32, #tpu.memory_space<vmem>>, vector<1x16xf32>,
        %get3A_250 = arith.index_cast %add3A_179 : i32 to index
        %get3A_251 = arith.constant 112 : index
        %get3A_252 = tpu.vector_load %arg13[%get3A_250, %get3A_251] {strides = array<i32>} : memref<80x128xf32, #tpu.memory_space<vmem>>, vector<1x16xf32>,
        %get3A_253 = vector.shape_cast %get3A_252 : vector<1x16xf32> to vector<16xf32>
        %mul3A_254 = arith.mulf %get3A_253, %gather3A_175 : vector<16xf32>
        %swap3A_255 = arith.index_cast %add3A_179 : i32 to index
        %swap3A_256 = arith.constant 112 : index
        %swap3A_257 = tpu.vector_load %arg13[%swap3A_255, %swap3A_256] {strides = array<i32>} : memref<80x128xf32, #tpu.memory_space<vmem>>, vector<1x16xf32>,
        %swap3A_258 = vector.shape_cast %swap3A_257 : vector<1x16xf32> to vector<16xf32>
        %swap3A_259 = vector.shape_cast %mul3A_254 : vector<16xf32> to vector<1x16xf32>
        tpu.vector_store %arg13[%swap3A_255, %swap3A_256], %swap3A_259 {strides = array<i32>} : memref<80x128xf32, #tpu.memory_space<vmem>>, vector<1x16xf32>,
        %broadcast_in_dim3A_260 = arith.constant 2 : i32
        %broadcast_in_dim3A_261 = vector.broadcast %broadcast_in_dim3A_260 : i32 to vector<16xi32>
        %reshape3A_262 = vector.shape_cast %broadcast_in_dim3A_261 : vector<16xi32> to vector<16x1xi32>
        %gather3A_263 = vector.shape_cast %reshape3A_262 : vector<16x1xi32> to vector<16xi32>
        %gather3A_264 = tpu.dynamic_gather %get3A_83[%gather3A_263] in [0] : vector<16xf32>, vector<16xi32> -> vector<16xf32>
        %mul3A_265 = arith.constant 16 : i32
        %mul3A_266 = arith.muli %scan3A_79, %mul3A_265 : i32
        %add3A_267 = arith.constant 2 : i32
        %add3A_268 = arith.addi %mul3A_266, %add3A_267 : i32
        %get3A_269 = arith.index_cast %add3A_268 : i32 to index
        %get3A_270 = arith.constant 0 : index
        %get3A_271 = tpu.vector_load %arg13[%get3A_269, %get3A_270] {strides = array<i32>} : memref<80x128xf32, #tpu.memory_space<vmem>>, vector<1x16xf32>,
        %get3A_272 = vector.shape_cast %get3A_271 : vector<1x16xf32> to vector<16xf32>
        %mul3A_273 = arith.mulf %get3A_272, %gather3A_264 : vector<16xf32>
        %swap3A_274 = arith.index_cast %add3A_268 : i32 to index
        %swap3A_275 = arith.constant 0 : index
        %swap3A_276 = tpu.vector_load %arg13[%swap3A_274, %swap3A_275] {strides = array<i32>} : memref<80x128xf32, #tpu.memory_space<vmem>>, vector<1x16xf32>,
        %swap3A_277 = vector.shape_cast %swap3A_276 : vector<1x16xf32> to vector<16xf32>
        %swap3A_278 = vector.shape_cast %mul3A_273 : vector<16xf32> to vector<1x16xf32>
        tpu.vector_store %arg13[%swap3A_274, %swap3A_275], %swap3A_278 {strides = array<i32>} : memref<80x128xf32, #tpu.memory_space<vmem>>, vector<1x16xf32>,
        %get3A_279 = arith.index_cast %add3A_268 : i32 to index
        %get3A_280 = arith.constant 16 : index
        %get3A_281 = tpu.vector_load %arg13[%get3A_279, %get3A_280] {strides = array<i32>} : memref<80x128xf32, #tpu.memory_space<vmem>>, vector<1x16xf32>,
        %get3A_282 = vector.shape_cast %get3A_281 : vector<1x16xf32> to vector<16xf32>
        %mul3A_283 = arith.mulf %get3A_282, %gather3A_264 : vector<16xf32>
        %swap3A_284 = arith.index_cast %add3A_268 : i32 to index
        %swap3A_285 = arith.constant 16 : index
        %swap3A_286 = tpu.vector_load %arg13[%swap3A_284, %swap3A_285] {strides = array<i32>} : memref<80x128xf32, #tpu.memory_space<vmem>>, vector<1x16xf32>,
        %swap3A_287 = vector.shape_cast %swap3A_286 : vector<1x16xf32> to vector<16xf32>
        %swap3A_288 = vector.shape_cast %mul3A_283 : vector<16xf32> to vector<1x16xf32>
        tpu.vector_store %arg13[%swap3A_284, %swap3A_285], %swap3A_288 {strides = array<i32>} : memref<80x128xf32, #tpu.memory_space<vmem>>, vector<1x16xf32>,
        %get3A_289 = arith.index_cast %add3A_268 : i32 to index
        %get3A_290 = arith.constant 32 : index
        %get3A_291 = tpu.vector_load %arg13[%get3A_289, %get3A_290] {strides = array<i32>} : memref<80x128xf32, #tpu.memory_space<vmem>>, vector<1x16xf32>,
        %get3A_292 = vector.shape_cast %get3A_291 : vector<1x16xf32> to vector<16xf32>
        %mul3A_293 = arith.mulf %get3A_292, %gather3A_264 : vector<16xf32>
        %swap3A_294 = arith.index_cast %add3A_268 : i32 to index
        %swap3A_295 = arith.constant 32 : index
        %swap3A_296 = tpu.vector_load %arg13[%swap3A_294, %swap3A_295] {strides = array<i32>} : memref<80x128xf32, #tpu.memory_space<vmem>>, vector<1x16xf32>,
        %swap3A_297 = vector.shape_cast %swap3A_296 : vector<1x16xf32> to vector<16xf32>
        %swap3A_298 = vector.shape_cast %mul3A_293 : vector<16xf32> to vector<1x16xf32>
        tpu.vector_store %arg13[%swap3A_294, %swap3A_295], %swap3A_298 {strides = array<i32>} : memref<80x128xf32, #tpu.memory_space<vmem>>, vector<1x16xf32>,
        %get3A_299 = arith.index_cast %add3A_268 : i32 to index
        %get3A_300 = arith.constant 48 : index
        %get3A_301 = tpu.vector_load %arg13[%get3A_299, %get3A_300] {strides = array<i32>} : memref<80x128xf32, #tpu.memory_space<vmem>>, vector<1x16xf32>,
        %get3A_302 = vector.shape_cast %get3A_301 : vector<1x16xf32> to vector<16xf32>
        %mul3A_303 = arith.mulf %get3A_302, %gather3A_264 : vector<16xf32>
        %swap3A_304 = arith.index_cast %add3A_268 : i32 to index
        %swap3A_305 = arith.constant 48 : index
        %swap3A_306 = tpu.vector_load %arg13[%swap3A_304, %swap3A_305] {strides = array<i32>} : memref<80x128xf32, #tpu.memory_space<vmem>>, vector<1x16xf32>,
        %swap3A_307 = vector.shape_cast %swap3A_306 : vector<1x16xf32> to vector<16xf32>
        %swap3A_308 = vector.shape_cast %mul3A_303 : vector<16xf32> to vector<1x16xf32>
        tpu.vector_store %arg13[%swap3A_304, %swap3A_305], %swap3A_308 {strides = array<i32>} : memref<80x128xf32, #tpu.memory_space<vmem>>, vector<1x16xf32>,
        %get3A_309 = arith.index_cast %add3A_268 : i32 to index
        %get3A_310 = arith.constant 64 : index
        %get3A_311 = tpu.vector_load %arg13[%get3A_309, %get3A_310] {strides = array<i32>} : memref<80x128xf32, #tpu.memory_space<vmem>>, vector<1x16xf32>,
        %get3A_312 = vector.shape_cast %get3A_311 : vector<1x16xf32> to vector<16xf32>
        %mul3A_313 = arith.mulf %get3A_312, %gather3A_264 : vector<16xf32>
        %swap3A_314 = arith.index_cast %add3A_268 : i32 to index
        %swap3A_315 = arith.constant 64 : index
        %swap3A_316 = tpu.vector_load %arg13[%swap3A_314, %swap3A_315] {strides = array<i32>} : memref<80x128xf32, #tpu.memory_space<vmem>>, vector<1x16xf32>,
        %swap3A_317 = vector.shape_cast %swap3A_316 : vector<1x16xf32> to vector<16xf32>
        %swap3A_318 = vector.shape_cast %mul3A_313 : vector<16xf32> to vector<1x16xf32>
        tpu.vector_store %arg13[%swap3A_314, %swap3A_315], %swap3A_318 {strides = array<i32>} : memref<80x128xf32, #tpu.memory_space<vmem>>, vector<1x16xf32>,
        %get3A_319 = arith.index_cast %add3A_268 : i32 to index
        %get3A_320 = arith.constant 80 : index
        %get3A_321 = tpu.vector_load %arg13[%get3A_319, %get3A_320] {strides = array<i32>} : memref<80x128xf32, #tpu.memory_space<vmem>>, vector<1x16xf32>,
        %get3A_322 = vector.shape_cast %get3A_321 : vector<1x16xf32> to vector<16xf32>
        %mul3A_323 = arith.mulf %get3A_322, %gather3A_264 : vector<16xf32>
        %swap3A_324 = arith.index_cast %add3A_268 : i32 to index
        %swap3A_325 = arith.constant 80 : index
        %swap3A_326 = tpu.vector_load %arg13[%swap3A_324, %swap3A_325] {strides = array<i32>} : memref<80x128xf32, #tpu.memory_space<vmem>>, vector<1x16xf32>,
        %swap3A_327 = vector.shape_cast %swap3A_326 : vector<1x16xf32> to vector<16xf32>
        %swap3A_328 = vector.shape_cast %mul3A_323 : vector<16xf32> to vector<1x16xf32>
        tpu.vector_store %arg13[%swap3A_324, %swap3A_325], %swap3A_328 {strides = array<i32>} : memref<80x128xf32, #tpu.memory_space<vmem>>, vector<1x16xf32>,
        %get3A_329 = arith.index_cast %add3A_268 : i32 to index
        %get3A_330 = arith.constant 96 : index
        %get3A_331 = tpu.vector_load %arg13[%get3A_329, %get3A_330] {strides = array<i32>} : memref<80x128xf32, #tpu.memory_space<vmem>>, vector<1x16xf32>,
        %get3A_332 = vector.shape_cast %get3A_331 : vector<1x16xf32> to vector<16xf32>
        %mul3A_333 = arith.mulf %get3A_332, %gather3A_264 : vector<16xf32>
        %swap3A_334 = arith.index_cast %add3A_268 : i32 to index
        %swap3A_335 = arith.constant 96 : index
        %swap3A_336 = tpu.vector_load %arg13[%swap3A_334, %swap3A_335] {strides = array<i32>} : memref<80x128xf32, #tpu.memory_space<vmem>>, vector<1x16xf32>,
        %swap3A_337 = vector.shape_cast %swap3A_336 : vector<1x16xf32> to vector<16xf32>
        %swap3A_338 = vector.shape_cast %mul3A_333 : vector<16xf32> to vector<1x16xf32>
        tpu.vector_store %arg13[%swap3A_334, %swap3A_335], %swap3A_338 {strides = array<i32>} : memref<80x128xf32, #tpu.memory_space<vmem>>, vector<1x16xf32>,
        %get3A_339 = arith.index_cast %add3A_268 : i32 to index
        %get3A_340 = arith.constant 112 : index
        %get3A_341 = tpu.vector_load %arg13[%get3A_339, %get3A_340] {strides = array<i32>} : memref<80x128xf32, #tpu.memory_space<vmem>>, vector<1x16xf32>,
        %get3A_342 = vector.shape_cast %get3A_341 : vector<1x16xf32> to vector<16xf32>
        %mul3A_343 = arith.mulf %get3A_342, %gather3A_264 : vector<16xf32>
        %swap3A_344 = arith.index_cast %add3A_268 : i32 to index
        %swap3A_345 = arith.constant 112 : index
        %swap3A_346 = tpu.vector_load %arg13[%swap3A_344, %swap3A_345] {strides = array<i32>} : memref<80x128xf32, #tpu.memory_space<vmem>>, vector<1x16xf32>,
        %swap3A_347 = vector.shape_cast %swap3A_346 : vector<1x16xf32> to vector<16xf32>
        %swap3A_348 = vector.shape_cast %mul3A_343 : vector<16xf32> to vector<1x16xf32>
        tpu.vector_store %arg13[%swap3A_344, %swap3A_345], %swap3A_348 {strides = array<i32>} : memref<80x128xf32, #tpu.memory_space<vmem>>, vector<1x16xf32>,
        %broadcast_in_dim3A_349 = arith.constant 3 : i32
        %broadcast_in_dim3A_350 = vector.broadcast %broadcast_in_dim3A_349 : i32 to vector<16xi32>
        %reshape3A_351 = vector.shape_cast %broadcast_in_dim3A_350 : vector<16xi32> to vector<16x1xi32>
        %gather3A_352 = vector.shape_cast %reshape3A_351 : vector<16x1xi32> to vector<16xi32>
        %gather3A_353 = tpu.dynamic_gather %get3A_83[%gather3A_352] in [0] : vector<16xf32>, vector<16xi32> -> vector<16xf32>
        %mul3A_354 = arith.constant 16 : i32
        %mul3A_355 = arith.muli %scan3A_79, %mul3A_354 : i32
        %add3A_356 = arith.constant 3 : i32
        %add3A_357 = arith.addi %mul3A_355, %add3A_356 : i32
        %get3A_358 = arith.index_cast %add3A_357 : i32 to index
        %get3A_359 = arith.constant 0 : index
        %get3A_360 = tpu.vector_load %arg13[%get3A_358, %get3A_359] {strides = array<i32>} : memref<80x128xf32, #tpu.memory_space<vmem>>, vector<1x16xf32>,
        %get3A_361 = vector.shape_cast %get3A_360 : vector<1x16xf32> to vector<16xf32>
        %mul3A_362 = arith.mulf %get3A_361, %gather3A_353 : vector<16xf32>
        %swap3A_363 = arith.index_cast %add3A_357 : i32 to index
        %swap3A_364 = arith.constant 0 : index
        %swap3A_365 = tpu.vector_load %arg13[%swap3A_363, %swap3A_364] {strides = array<i32>} : memref<80x128xf32, #tpu.memory_space<vmem>>, vector<1x16xf32>,
        %swap3A_366 = vector.shape_cast %swap3A_365 : vector<1x16xf32> to vector<16xf32>
        %swap3A_367 = vector.shape_cast %mul3A_362 : vector<16xf32> to vector<1x16xf32>
        tpu.vector_store %arg13[%swap3A_363, %swap3A_364], %swap3A_367 {strides = array<i32>} : memref<80x128xf32, #tpu.memory_space<vmem>>, vector<1x16xf32>,
        %get3A_368 = arith.index_cast %add3A_357 : i32 to index
        %get3A_369 = arith.constant 16 : index
        %get3A_370 = tpu.vector_load %arg13[%get3A_368, %get3A_369] {strides = array<i32>} : memref<80x128xf32, #tpu.memory_space<vmem>>, vector<1x16xf32>,
        %get3A_371 = vector.shape_cast %get3A_370 : vector<1x16xf32> to vector<16xf32>
        %mul3A_372 = arith.mulf %get3A_371, %gather3A_353 : vector<16xf32>
        %swap3A_373 = arith.index_cast %add3A_357 : i32 to index
        %swap3A_374 = arith.constant 16 : index
        %swap3A_375 = tpu.vector_load %arg13[%swap3A_373, %swap3A_374] {strides = array<i32>} : memref<80x128xf32, #tpu.memory_space<vmem>>, vector<1x16xf32>,
        %swap3A_376 = vector.shape_cast %swap3A_375 : vector<1x16xf32> to vector<16xf32>
        %swap3A_377 = vector.shape_cast %mul3A_372 : vector<16xf32> to vector<1x16xf32>
        tpu.vector_store %arg13[%swap3A_373, %swap3A_374], %swap3A_377 {strides = array<i32>} : memref<80x128xf32, #tpu.memory_space<vmem>>, vector<1x16xf32>,
        %get3A_378 = arith.index_cast %add3A_357 : i32 to index
        %get3A_379 = arith.constant 32 : index
        %get3A_380 = tpu.vector_load %arg13[%get3A_378, %get3A_379] {strides = array<i32>} : memref<80x128xf32, #tpu.memory_space<vmem>>, vector<1x16xf32>,
        %get3A_381 = vector.shape_cast %get3A_380 : vector<1x16xf32> to vector<16xf32>
        %mul3A_382 = arith.mulf %get3A_381, %gather3A_353 : vector<16xf32>
        %swap3A_383 = arith.index_cast %add3A_357 : i32 to index
        %swap3A_384 = arith.constant 32 : index
        %swap3A_385 = tpu.vector_load %arg13[%swap3A_383, %swap3A_384] {strides = array<i32>} : memref<80x128xf32, #tpu.memory_space<vmem>>, vector<1x16xf32>,
        %swap3A_386 = vector.shape_cast %swap3A_385 : vector<1x16xf32> to vector<16xf32>
        %swap3A_387 = vector.shape_cast %mul3A_382 : vector<16xf32> to vector<1x16xf32>
        tpu.vector_store %arg13[%swap3A_383, %swap3A_384], %swap3A_387 {strides = array<i32>} : memref<80x128xf32, #tpu.memory_space<vmem>>, vector<1x16xf32>,
        %get3A_388 = arith.index_cast %add3A_357 : i32 to index
        %get3A_389 = arith.constant 48 : index
        %get3A_390 = tpu.vector_load %arg13[%get3A_388, %get3A_389] {strides = array<i32>} : memref<80x128xf32, #tpu.memory_space<vmem>>, vector<1x16xf32>,
        %get3A_391 = vector.shape_cast %get3A_390 : vector<1x16xf32> to vector<16xf32>
        %mul3A_392 = arith.mulf %get3A_391, %gather3A_353 : vector<16xf32>
        %swap3A_393 = arith.index_cast %add3A_357 : i32 to index
        %swap3A_394 = arith.constant 48 : index
        %swap3A_395 = tpu.vector_load %arg13[%swap3A_393, %swap3A_394] {strides = array<i32>} : memref<80x128xf32, #tpu.memory_space<vmem>>, vector<1x16xf32>,
        %swap3A_396 = vector.shape_cast %swap3A_395 : vector<1x16xf32> to vector<16xf32>
        %swap3A_397 = vector.shape_cast %mul3A_392 : vector<16xf32> to vector<1x16xf32>
        tpu.vector_store %arg13[%swap3A_393, %swap3A_394], %swap3A_397 {strides = array<i32>} : memref<80x128xf32, #tpu.memory_space<vmem>>, vector<1x16xf32>,
        %get3A_398 = arith.index_cast %add3A_357 : i32 to index
        %get3A_399 = arith.constant 64 : index
        %get3A_400 = tpu.vector_load %arg13[%get3A_398, %get3A_399] {strides = array<i32>} : memref<80x128xf32, #tpu.memory_space<vmem>>, vector<1x16xf32>,
        %get3A_401 = vector.shape_cast %get3A_400 : vector<1x16xf32> to vector<16xf32>
        %mul3A_402 = arith.mulf %get3A_401, %gather3A_353 : vector<16xf32>
        %swap3A_403 = arith.index_cast %add3A_357 : i32 to index
        %swap3A_404 = arith.constant 64 : index
        %swap3A_405 = tpu.vector_load %arg13[%swap3A_403, %swap3A_404] {strides = array<i32>} : memref<80x128xf32, #tpu.memory_space<vmem>>, vector<1x16xf32>,
        %swap3A_406 = vector.shape_cast %swap3A_405 : vector<1x16xf32> to vector<16xf32>
        %swap3A_407 = vector.shape_cast %mul3A_402 : vector<16xf32> to vector<1x16xf32>
        tpu.vector_store %arg13[%swap3A_403, %swap3A_404], %swap3A_407 {strides = array<i32>} : memref<80x128xf32, #tpu.memory_space<vmem>>, vector<1x16xf32>,
        %get3A_408 = arith.index_cast %add3A_357 : i32 to index
        %get3A_409 = arith.constant 80 : index
        %get3A_410 = tpu.vector_load %arg13[%get3A_408, %get3A_409] {strides = array<i32>} : memref<80x128xf32, #tpu.memory_space<vmem>>, vector<1x16xf32>,
        %get3A_411 = vector.shape_cast %get3A_410 : vector<1x16xf32> to vector<16xf32>
        %mul3A_412 = arith.mulf %get3A_411, %gather3A_353 : vector<16xf32>
        %swap3A_413 = arith.index_cast %add3A_357 : i32 to index
        %swap3A_414 = arith.constant 80 : index
        %swap3A_415 = tpu.vector_load %arg13[%swap3A_413, %swap3A_414] {strides = array<i32>} : memref<80x128xf32, #tpu.memory_space<vmem>>, vector<1x16xf32>,
        %swap3A_416 = vector.shape_cast %swap3A_415 : vector<1x16xf32> to vector<16xf32>
        %swap3A_417 = vector.shape_cast %mul3A_412 : vector<16xf32> to vector<1x16xf32>
        tpu.vector_store %arg13[%swap3A_413, %swap3A_414], %swap3A_417 {strides = array<i32>} : memref<80x128xf32, #tpu.memory_space<vmem>>, vector<1x16xf32>,
        %get3A_418 = arith.index_cast %add3A_357 : i32 to index
        %get3A_419 = arith.constant 96 : index
        %get3A_420 = tpu.vector_load %arg13[%get3A_418, %get3A_419] {strides = array<i32>} : memref<80x128xf32, #tpu.memory_space<vmem>>, vector<1x16xf32>,
        %get3A_421 = vector.shape_cast %get3A_420 : vector<1x16xf32> to vector<16xf32>
        %mul3A_422 = arith.mulf %get3A_421, %gather3A_353 : vector<16xf32>
        %swap3A_423 = arith.index_cast %add3A_357 : i32 to index
        %swap3A_424 = arith.constant 96 : index
        %swap3A_425 = tpu.vector_load %arg13[%swap3A_423, %swap3A_424] {strides = array<i32>} : memref<80x128xf32, #tpu.memory_space<vmem>>, vector<1x16xf32>,
        %swap3A_426 = vector.shape_cast %swap3A_425 : vector<1x16xf32> to vector<16xf32>
        %swap3A_427 = vector.shape_cast %mul3A_422 : vector<16xf32> to vector<1x16xf32>
        tpu.vector_store %arg13[%swap3A_423, %swap3A_424], %swap3A_427 {strides = array<i32>} : memref<80x128xf32, #tpu.memory_space<vmem>>, vector<1x16xf32>,
        %get3A_428 = arith.index_cast %add3A_357 : i32 to index
        %get3A_429 = arith.constant 112 : index
        %get3A_430 = tpu.vector_load %arg13[%get3A_428, %get3A_429] {strides = array<i32>} : memref<80x128xf32, #tpu.memory_space<vmem>>, vector<1x16xf32>,
        %get3A_431 = vector.shape_cast %get3A_430 : vector<1x16xf32> to vector<16xf32>
        %mul3A_432 = arith.mulf %get3A_431, %gather3A_353 : vector<16xf32>
        %swap3A_433 = arith.index_cast %add3A_357 : i32 to index
        %swap3A_434 = arith.constant 112 : index
        %swap3A_435 = tpu.vector_load %arg13[%swap3A_433, %swap3A_434] {strides = array<i32>} : memref<80x128xf32, #tpu.memory_space<vmem>>, vector<1x16xf32>,
        %swap3A_436 = vector.shape_cast %swap3A_435 : vector<1x16xf32> to vector<16xf32>
        %swap3A_437 = vector.shape_cast %mul3A_432 : vector<16xf32> to vector<1x16xf32>
        tpu.vector_store %arg13[%swap3A_433, %swap3A_434], %swap3A_437 {strides = array<i32>} : memref<80x128xf32, #tpu.memory_space<vmem>>, vector<1x16xf32>,
        %broadcast_in_dim3A_438 = arith.constant 4 : i32
        %broadcast_in_dim3A_439 = vector.broadcast %broadcast_in_dim3A_438 : i32 to vector<16xi32>
        %reshape3A_440 = vector.shape_cast %broadcast_in_dim3A_439 : vector<16xi32> to vector<16x1xi32>
        %gather3A_441 = vector.shape_cast %reshape3A_440 : vector<16x1xi32> to vector<16xi32>
        %gather3A_442 = tpu.dynamic_gather %get3A_83[%gather3A_441] in [0] : vector<16xf32>, vector<16xi32> -> vector<16xf32>
        %mul3A_443 = arith.constant 16 : i32
        %mul3A_444 = arith.muli %scan3A_79, %mul3A_443 : i32
        %add3A_445 = arith.constant 4 : i32
        %add3A_446 = arith.addi %mul3A_444, %add3A_445 : i32
        %get3A_447 = arith.index_cast %add3A_446 : i32 to index
        %get3A_448 = arith.constant 0 : index
        %get3A_449 = tpu.vector_load %arg13[%get3A_447, %get3A_448] {strides = array<i32>} : memref<80x128xf32, #tpu.memory_space<vmem>>, vector<1x16xf32>,
        %get3A_450 = vector.shape_cast %get3A_449 : vector<1x16xf32> to vector<16xf32>
        %mul3A_451 = arith.mulf %get3A_450, %gather3A_442 : vector<16xf32>
        %swap3A_452 = arith.index_cast %add3A_446 : i32 to index
        %swap3A_453 = arith.constant 0 : index
        %swap3A_454 = tpu.vector_load %arg13[%swap3A_452, %swap3A_453] {strides = array<i32>} : memref<80x128xf32, #tpu.memory_space<vmem>>, vector<1x16xf32>,
        %swap3A_455 = vector.shape_cast %swap3A_454 : vector<1x16xf32> to vector<16xf32>
        %swap3A_456 = vector.shape_cast %mul3A_451 : vector<16xf32> to vector<1x16xf32>
        tpu.vector_store %arg13[%swap3A_452, %swap3A_453], %swap3A_456 {strides = array<i32>} : memref<80x128xf32, #tpu.memory_space<vmem>>, vector<1x16xf32>,
        %get3A_457 = arith.index_cast %add3A_446 : i32 to index
        %get3A_458 = arith.constant 16 : index
        %get3A_459 = tpu.vector_load %arg13[%get3A_457, %get3A_458] {strides = array<i32>} : memref<80x128xf32, #tpu.memory_space<vmem>>, vector<1x16xf32>,
        %get3A_460 = vector.shape_cast %get3A_459 : vector<1x16xf32> to vector<16xf32>
        %mul3A_461 = arith.mulf %get3A_460, %gather3A_442 : vector<16xf32>
        %swap3A_462 = arith.index_cast %add3A_446 : i32 to index
        %swap3A_463 = arith.constant 16 : index
        %swap3A_464 = tpu.vector_load %arg13[%swap3A_462, %swap3A_463] {strides = array<i32>} : memref<80x128xf32, #tpu.memory_space<vmem>>, vector<1x16xf32>,
        %swap3A_465 = vector.shape_cast %swap3A_464 : vector<1x16xf32> to vector<16xf32>
        %swap3A_466 = vector.shape_cast %mul3A_461 : vector<16xf32> to vector<1x16xf32>
        tpu.vector_store %arg13[%swap3A_462, %swap3A_463], %swap3A_466 {strides = array<i32>} : memref<80x128xf32, #tpu.memory_space<vmem>>, vector<1x16xf32>,
        %get3A_467 = arith.index_cast %add3A_446 : i32 to index
        %get3A_468 = arith.constant 32 : index
        %get3A_469 = tpu.vector_load %arg13[%get3A_467, %get3A_468] {strides = array<i32>} : memref<80x128xf32, #tpu.memory_space<vmem>>, vector<1x16xf32>,
        %get3A_470 = vector.shape_cast %get3A_469 : vector<1x16xf32> to vector<16xf32>
        %mul3A_471 = arith.mulf %get3A_470, %gather3A_442 : vector<16xf32>
        %swap3A_472 = arith.index_cast %add3A_446 : i32 to index
        %swap3A_473 = arith.constant 32 : index
        %swap3A_474 = tpu.vector_load %arg13[%swap3A_472, %swap3A_473] {strides = array<i32>} : memref<80x128xf32, #tpu.memory_space<vmem>>, vector<1x16xf32>,
        %swap3A_475 = vector.shape_cast %swap3A_474 : vector<1x16xf32> to vector<16xf32>
        %swap3A_476 = vector.shape_cast %mul3A_471 : vector<16xf32> to vector<1x16xf32>
        tpu.vector_store %arg13[%swap3A_472, %swap3A_473], %swap3A_476 {strides = array<i32>} : memref<80x128xf32, #tpu.memory_space<vmem>>, vector<1x16xf32>,
        %get3A_477 = arith.index_cast %add3A_446 : i32 to index
        %get3A_478 = arith.constant 48 : index
        %get3A_479 = tpu.vector_load %arg13[%get3A_477, %get3A_478] {strides = array<i32>} : memref<80x128xf32, #tpu.memory_space<vmem>>, vector<1x16xf32>,
        %get3A_480 = vector.shape_cast %get3A_479 : vector<1x16xf32> to vector<16xf32>
        %mul3A_481 = arith.mulf %get3A_480, %gather3A_442 : vector<16xf32>
        %swap3A_482 = arith.index_cast %add3A_446 : i32 to index
        %swap3A_483 = arith.constant 48 : index
        %swap3A_484 = tpu.vector_load %arg13[%swap3A_482, %swap3A_483] {strides = array<i32>} : memref<80x128xf32, #tpu.memory_space<vmem>>, vector<1x16xf32>,
        %swap3A_485 = vector.shape_cast %swap3A_484 : vector<1x16xf32> to vector<16xf32>
        %swap3A_486 = vector.shape_cast %mul3A_481 : vector<16xf32> to vector<1x16xf32>
        tpu.vector_store %arg13[%swap3A_482, %swap3A_483], %swap3A_486 {strides = array<i32>} : memref<80x128xf32, #tpu.memory_space<vmem>>, vector<1x16xf32>,
        %get3A_487 = arith.index_cast %add3A_446 : i32 to index
        %get3A_488 = arith.constant 64 : index
        %get3A_489 = tpu.vector_load %arg13[%get3A_487, %get3A_488] {strides = array<i32>} : memref<80x128xf32, #tpu.memory_space<vmem>>, vector<1x16xf32>,
        %get3A_490 = vector.shape_cast %get3A_489 : vector<1x16xf32> to vector<16xf32>
        %mul3A_491 = arith.mulf %get3A_490, %gather3A_442 : vector<16xf32>
        %swap3A_492 = arith.index_cast %add3A_446 : i32 to index
        %swap3A_493 = arith.constant 64 : index
        %swap3A_494 = tpu.vector_load %arg13[%swap3A_492, %swap3A_493] {strides = array<i32>} : memref<80x128xf32, #tpu.memory_space<vmem>>, vector<1x16xf32>,
        %swap3A_495 = vector.shape_cast %swap3A_494 : vector<1x16xf32> to vector<16xf32>
        %swap3A_496 = vector.shape_cast %mul3A_491 : vector<16xf32> to vector<1x16xf32>
        tpu.vector_store %arg13[%swap3A_492, %swap3A_493], %swap3A_496 {strides = array<i32>} : memref<80x128xf32, #tpu.memory_space<vmem>>, vector<1x16xf32>,
        %get3A_497 = arith.index_cast %add3A_446 : i32 to index
        %get3A_498 = arith.constant 80 : index
        %get3A_499 = tpu.vector_load %arg13[%get3A_497, %get3A_498] {strides = array<i32>} : memref<80x128xf32, #tpu.memory_space<vmem>>, vector<1x16xf32>,
        %get3A_500 = vector.shape_cast %get3A_499 : vector<1x16xf32> to vector<16xf32>
        %mul3A_501 = arith.mulf %get3A_500, %gather3A_442 : vector<16xf32>
        %swap3A_502 = arith.index_cast %add3A_446 : i32 to index
        %swap3A_503 = arith.constant 80 : index
        %swap3A_504 = tpu.vector_load %arg13[%swap3A_502, %swap3A_503] {strides = array<i32>} : memref<80x128xf32, #tpu.memory_space<vmem>>, vector<1x16xf32>,
        %swap3A_505 = vector.shape_cast %swap3A_504 : vector<1x16xf32> to vector<16xf32>
        %swap3A_506 = vector.shape_cast %mul3A_501 : vector<16xf32> to vector<1x16xf32>
        tpu.vector_store %arg13[%swap3A_502, %swap3A_503], %swap3A_506 {strides = array<i32>} : memref<80x128xf32, #tpu.memory_space<vmem>>, vector<1x16xf32>,
        %get3A_507 = arith.index_cast %add3A_446 : i32 to index
        %get3A_508 = arith.constant 96 : index
        %get3A_509 = tpu.vector_load %arg13[%get3A_507, %get3A_508] {strides = array<i32>} : memref<80x128xf32, #tpu.memory_space<vmem>>, vector<1x16xf32>,
        %get3A_510 = vector.shape_cast %get3A_509 : vector<1x16xf32> to vector<16xf32>
        %mul3A_511 = arith.mulf %get3A_510, %gather3A_442 : vector<16xf32>
        %swap3A_512 = arith.index_cast %add3A_446 : i32 to index
        %swap3A_513 = arith.constant 96 : index
        %swap3A_514 = tpu.vector_load %arg13[%swap3A_512, %swap3A_513] {strides = array<i32>} : memref<80x128xf32, #tpu.memory_space<vmem>>, vector<1x16xf32>,
        %swap3A_515 = vector.shape_cast %swap3A_514 : vector<1x16xf32> to vector<16xf32>
        %swap3A_516 = vector.shape_cast %mul3A_511 : vector<16xf32> to vector<1x16xf32>
        tpu.vector_store %arg13[%swap3A_512, %swap3A_513], %swap3A_516 {strides = array<i32>} : memref<80x128xf32, #tpu.memory_space<vmem>>, vector<1x16xf32>,
        %get3A_517 = arith.index_cast %add3A_446 : i32 to index
        %get3A_518 = arith.constant 112 : index
        %get3A_519 = tpu.vector_load %arg13[%get3A_517, %get3A_518] {strides = array<i32>} : memref<80x128xf32, #tpu.memory_space<vmem>>, vector<1x16xf32>,
        %get3A_520 = vector.shape_cast %get3A_519 : vector<1x16xf32> to vector<16xf32>
        %mul3A_521 = arith.mulf %get3A_520, %gather3A_442 : vector<16xf32>
        %swap3A_522 = arith.index_cast %add3A_446 : i32 to index
        %swap3A_523 = arith.constant 112 : index
        %swap3A_524 = tpu.vector_load %arg13[%swap3A_522, %swap3A_523] {strides = array<i32>} : memref<80x128xf32, #tpu.memory_space<vmem>>, vector<1x16xf32>,
        %swap3A_525 = vector.shape_cast %swap3A_524 : vector<1x16xf32> to vector<16xf32>
        %swap3A_526 = vector.shape_cast %mul3A_521 : vector<16xf32> to vector<1x16xf32>
        tpu.vector_store %arg13[%swap3A_522, %swap3A_523], %swap3A_526 {strides = array<i32>} : memref<80x128xf32, #tpu.memory_space<vmem>>, vector<1x16xf32>,
        %broadcast_in_dim3A_527 = arith.constant 5 : i32
        %broadcast_in_dim3A_528 = vector.broadcast %broadcast_in_dim3A_527 : i32 to vector<16xi32>
        %reshape3A_529 = vector.shape_cast %broadcast_in_dim3A_528 : vector<16xi32> to vector<16x1xi32>
        %gather3A_530 = vector.shape_cast %reshape3A_529 : vector<16x1xi32> to vector<16xi32>
        %gather3A_531 = tpu.dynamic_gather %get3A_83[%gather3A_530] in [0] : vector<16xf32>, vector<16xi32> -> vector<16xf32>
        %mul3A_532 = arith.constant 16 : i32
        %mul3A_533 = arith.muli %scan3A_79, %mul3A_532 : i32
        %add3A_534 = arith.constant 5 : i32
        %add3A_535 = arith.addi %mul3A_533, %add3A_534 : i32
        %get3A_536 = arith.index_cast %add3A_535 : i32 to index
        %get3A_537 = arith.constant 0 : index
        %get3A_538 = tpu.vector_load %arg13[%get3A_536, %get3A_537] {strides = array<i32>} : memref<80x128xf32, #tpu.memory_space<vmem>>, vector<1x16xf32>,
        %get3A_539 = vector.shape_cast %get3A_538 : vector<1x16xf32> to vector<16xf32>
        %mul3A_540 = arith.mulf %get3A_539, %gather3A_531 : vector<16xf32>
        %swap3A_541 = arith.index_cast %add3A_535 : i32 to index
        %swap3A_542 = arith.constant 0 : index
        %swap3A_543 = tpu.vector_load %arg13[%swap3A_541, %swap3A_542] {strides = array<i32>} : memref<80x128xf32, #tpu.memory_space<vmem>>, vector<1x16xf32>,
        %swap3A_544 = vector.shape_cast %swap3A_543 : vector<1x16xf32> to vector<16xf32>
        %swap3A_545 = vector.shape_cast %mul3A_540 : vector<16xf32> to vector<1x16xf32>
        tpu.vector_store %arg13[%swap3A_541, %swap3A_542], %swap3A_545 {strides = array<i32>} : memref<80x128xf32, #tpu.memory_space<vmem>>, vector<1x16xf32>,
        %get3A_546 = arith.index_cast %add3A_535 : i32 to index
        %get3A_547 = arith.constant 16 : index
        %get3A_548 = tpu.vector_load %arg13[%get3A_546, %get3A_547] {strides = array<i32>} : memref<80x128xf32, #tpu.memory_space<vmem>>, vector<1x16xf32>,
        %get3A_549 = vector.shape_cast %get3A_548 : vector<1x16xf32> to vector<16xf32>
        %mul3A_550 = arith.mulf %get3A_549, %gather3A_531 : vector<16xf32>
        %swap3A_551 = arith.index_cast %add3A_535 : i32 to index
        %swap3A_552 = arith.constant 16 : index
        %swap3A_553 = tpu.vector_load %arg13[%swap3A_551, %swap3A_552] {strides = array<i32>} : memref<80x128xf32, #tpu.memory_space<vmem>>, vector<1x16xf32>,
        %swap3A_554 = vector.shape_cast %swap3A_553 : vector<1x16xf32> to vector<16xf32>
        %swap3A_555 = vector.shape_cast %mul3A_550 : vector<16xf32> to vector<1x16xf32>
        tpu.vector_store %arg13[%swap3A_551, %swap3A_552], %swap3A_555 {strides = array<i32>} : memref<80x128xf32, #tpu.memory_space<vmem>>, vector<1x16xf32>,
        %get3A_556 = arith.index_cast %add3A_535 : i32 to index
        %get3A_557 = arith.constant 32 : index
        %get3A_558 = tpu.vector_load %arg13[%get3A_556, %get3A_557] {strides = array<i32>} : memref<80x128xf32, #tpu.memory_space<vmem>>, vector<1x16xf32>,
        %get3A_559 = vector.shape_cast %get3A_558 : vector<1x16xf32> to vector<16xf32>
        %mul3A_560 = arith.mulf %get3A_559, %gather3A_531 : vector<16xf32>
        %swap3A_561 = arith.index_cast %add3A_535 : i32 to index
        %swap3A_562 = arith.constant 32 : index
        %swap3A_563 = tpu.vector_load %arg13[%swap3A_561, %swap3A_562] {strides = array<i32>} : memref<80x128xf32, #tpu.memory_space<vmem>>, vector<1x16xf32>,
        %swap3A_564 = vector.shape_cast %swap3A_563 : vector<1x16xf32> to vector<16xf32>
        %swap3A_565 = vector.shape_cast %mul3A_560 : vector<16xf32> to vector<1x16xf32>
        tpu.vector_store %arg13[%swap3A_561, %swap3A_562], %swap3A_565 {strides = array<i32>} : memref<80x128xf32, #tpu.memory_space<vmem>>, vector<1x16xf32>,
        %get3A_566 = arith.index_cast %add3A_535 : i32 to index
        %get3A_567 = arith.constant 48 : index
        %get3A_568 = tpu.vector_load %arg13[%get3A_566, %get3A_567] {strides = array<i32>} : memref<80x128xf32, #tpu.memory_space<vmem>>, vector<1x16xf32>,
        %get3A_569 = vector.shape_cast %get3A_568 : vector<1x16xf32> to vector<16xf32>
        %mul3A_570 = arith.mulf %get3A_569, %gather3A_531 : vector<16xf32>
        %swap3A_571 = arith.index_cast %add3A_535 : i32 to index
        %swap3A_572 = arith.constant 48 : index
        %swap3A_573 = tpu.vector_load %arg13[%swap3A_571, %swap3A_572] {strides = array<i32>} : memref<80x128xf32, #tpu.memory_space<vmem>>, vector<1x16xf32>,
        %swap3A_574 = vector.shape_cast %swap3A_573 : vector<1x16xf32> to vector<16xf32>
        %swap3A_575 = vector.shape_cast %mul3A_570 : vector<16xf32> to vector<1x16xf32>
        tpu.vector_store %arg13[%swap3A_571, %swap3A_572], %swap3A_575 {strides = array<i32>} : memref<80x128xf32, #tpu.memory_space<vmem>>, vector<1x16xf32>,
        %get3A_576 = arith.index_cast %add3A_535 : i32 to index
        %get3A_577 = arith.constant 64 : index
        %get3A_578 = tpu.vector_load %arg13[%get3A_576, %get3A_577] {strides = array<i32>} : memref<80x128xf32, #tpu.memory_space<vmem>>, vector<1x16xf32>,
        %get3A_579 = vector.shape_cast %get3A_578 : vector<1x16xf32> to vector<16xf32>
        %mul3A_580 = arith.mulf %get3A_579, %gather3A_531 : vector<16xf32>
        %swap3A_581 = arith.index_cast %add3A_535 : i32 to index
        %swap3A_582 = arith.constant 64 : index
        %swap3A_583 = tpu.vector_load %arg13[%swap3A_581, %swap3A_582] {strides = array<i32>} : memref<80x128xf32, #tpu.memory_space<vmem>>, vector<1x16xf32>,
        %swap3A_584 = vector.shape_cast %swap3A_583 : vector<1x16xf32> to vector<16xf32>
        %swap3A_585 = vector.shape_cast %mul3A_580 : vector<16xf32> to vector<1x16xf32>
        tpu.vector_store %arg13[%swap3A_581, %swap3A_582], %swap3A_585 {strides = array<i32>} : memref<80x128xf32, #tpu.memory_space<vmem>>, vector<1x16xf32>,
        %get3A_586 = arith.index_cast %add3A_535 : i32 to index
        %get3A_587 = arith.constant 80 : index
        %get3A_588 = tpu.vector_load %arg13[%get3A_586, %get3A_587] {strides = array<i32>} : memref<80x128xf32, #tpu.memory_space<vmem>>, vector<1x16xf32>,
        %get3A_589 = vector.shape_cast %get3A_588 : vector<1x16xf32> to vector<16xf32>
        %mul3A_590 = arith.mulf %get3A_589, %gather3A_531 : vector<16xf32>
        %swap3A_591 = arith.index_cast %add3A_535 : i32 to index
        %swap3A_592 = arith.constant 80 : index
        %swap3A_593 = tpu.vector_load %arg13[%swap3A_591, %swap3A_592] {strides = array<i32>} : memref<80x128xf32, #tpu.memory_space<vmem>>, vector<1x16xf32>,
        %swap3A_594 = vector.shape_cast %swap3A_593 : vector<1x16xf32> to vector<16xf32>
        %swap3A_595 = vector.shape_cast %mul3A_590 : vector<16xf32> to vector<1x16xf32>
        tpu.vector_store %arg13[%swap3A_591, %swap3A_592], %swap3A_595 {strides = array<i32>} : memref<80x128xf32, #tpu.memory_space<vmem>>, vector<1x16xf32>,
        %get3A_596 = arith.index_cast %add3A_535 : i32 to index
        %get3A_597 = arith.constant 96 : index
        %get3A_598 = tpu.vector_load %arg13[%get3A_596, %get3A_597] {strides = array<i32>} : memref<80x128xf32, #tpu.memory_space<vmem>>, vector<1x16xf32>,
        %get3A_599 = vector.shape_cast %get3A_598 : vector<1x16xf32> to vector<16xf32>
        %mul3A_600 = arith.mulf %get3A_599, %gather3A_531 : vector<16xf32>
        %swap3A_601 = arith.index_cast %add3A_535 : i32 to index
        %swap3A_602 = arith.constant 96 : index
        %swap3A_603 = tpu.vector_load %arg13[%swap3A_601, %swap3A_602] {strides = array<i32>} : memref<80x128xf32, #tpu.memory_space<vmem>>, vector<1x16xf32>,
        %swap3A_604 = vector.shape_cast %swap3A_603 : vector<1x16xf32> to vector<16xf32>
        %swap3A_605 = vector.shape_cast %mul3A_600 : vector<16xf32> to vector<1x16xf32>
        tpu.vector_store %arg13[%swap3A_601, %swap3A_602], %swap3A_605 {strides = array<i32>} : memref<80x128xf32, #tpu.memory_space<vmem>>, vector<1x16xf32>,
        %get3A_606 = arith.index_cast %add3A_535 : i32 to index
        %get3A_607 = arith.constant 112 : index
        %get3A_608 = tpu.vector_load %arg13[%get3A_606, %get3A_607] {strides = array<i32>} : memref<80x128xf32, #tpu.memory_space<vmem>>, vector<1x16xf32>,
        %get3A_609 = vector.shape_cast %get3A_608 : vector<1x16xf32> to vector<16xf32>
        %mul3A_610 = arith.mulf %get3A_609, %gather3A_531 : vector<16xf32>
        %swap3A_611 = arith.index_cast %add3A_535 : i32 to index
        %swap3A_612 = arith.constant 112 : index
        %swap3A_613 = tpu.vector_load %arg13[%swap3A_611, %swap3A_612] {strides = array<i32>} : memref<80x128xf32, #tpu.memory_space<vmem>>, vector<1x16xf32>,
        %swap3A_614 = vector.shape_cast %swap3A_613 : vector<1x16xf32> to vector<16xf32>
        %swap3A_615 = vector.shape_cast %mul3A_610 : vector<16xf32> to vector<1x16xf32>
        tpu.vector_store %arg13[%swap3A_611, %swap3A_612], %swap3A_615 {strides = array<i32>} : memref<80x128xf32, #tpu.memory_space<vmem>>, vector<1x16xf32>,
        %broadcast_in_dim3A_616 = arith.constant 6 : i32
        %broadcast_in_dim3A_617 = vector.broadcast %broadcast_in_dim3A_616 : i32 to vector<16xi32>
        %reshape3A_618 = vector.shape_cast %broadcast_in_dim3A_617 : vector<16xi32> to vector<16x1xi32>
        %gather3A_619 = vector.shape_cast %reshape3A_618 : vector<16x1xi32> to vector<16xi32>
        %gather3A_620 = tpu.dynamic_gather %get3A_83[%gather3A_619] in [0] : vector<16xf32>, vector<16xi32> -> vector<16xf32>
        %mul3A_621 = arith.constant 16 : i32
        %mul3A_622 = arith.muli %scan3A_79, %mul3A_621 : i32
        %add3A_623 = arith.constant 6 : i32
        %add3A_624 = arith.addi %mul3A_622, %add3A_623 : i32
        %get3A_625 = arith.index_cast %add3A_624 : i32 to index
        %get3A_626 = arith.constant 0 : index
        %get3A_627 = tpu.vector_load %arg13[%get3A_625, %get3A_626] {strides = array<i32>} : memref<80x128xf32, #tpu.memory_space<vmem>>, vector<1x16xf32>,
        %get3A_628 = vector.shape_cast %get3A_627 : vector<1x16xf32> to vector<16xf32>
        %mul3A_629 = arith.mulf %get3A_628, %gather3A_620 : vector<16xf32>
        %swap3A_630 = arith.index_cast %add3A_624 : i32 to index
        %swap3A_631 = arith.constant 0 : index
        %swap3A_632 = tpu.vector_load %arg13[%swap3A_630, %swap3A_631] {strides = array<i32>} : memref<80x128xf32, #tpu.memory_space<vmem>>, vector<1x16xf32>,
        %swap3A_633 = vector.shape_cast %swap3A_632 : vector<1x16xf32> to vector<16xf32>
        %swap3A_634 = vector.shape_cast %mul3A_629 : vector<16xf32> to vector<1x16xf32>
        tpu.vector_store %arg13[%swap3A_630, %swap3A_631], %swap3A_634 {strides = array<i32>} : memref<80x128xf32, #tpu.memory_space<vmem>>, vector<1x16xf32>,
        %get3A_635 = arith.index_cast %add3A_624 : i32 to index
        %get3A_636 = arith.constant 16 : index
        %get3A_637 = tpu.vector_load %arg13[%get3A_635, %get3A_636] {strides = array<i32>} : memref<80x128xf32, #tpu.memory_space<vmem>>, vector<1x16xf32>,
        %get3A_638 = vector.shape_cast %get3A_637 : vector<1x16xf32> to vector<16xf32>
        %mul3A_639 = arith.mulf %get3A_638, %gather3A_620 : vector<16xf32>
        %swap3A_640 = arith.index_cast %add3A_624 : i32 to index
        %swap3A_641 = arith.constant 16 : index
        %swap3A_642 = tpu.vector_load %arg13[%swap3A_640, %swap3A_641] {strides = array<i32>} : memref<80x128xf32, #tpu.memory_space<vmem>>, vector<1x16xf32>,
        %swap3A_643 = vector.shape_cast %swap3A_642 : vector<1x16xf32> to vector<16xf32>
        %swap3A_644 = vector.shape_cast %mul3A_639 : vector<16xf32> to vector<1x16xf32>
        tpu.vector_store %arg13[%swap3A_640, %swap3A_641], %swap3A_644 {strides = array<i32>} : memref<80x128xf32, #tpu.memory_space<vmem>>, vector<1x16xf32>,
        %get3A_645 = arith.index_cast %add3A_624 : i32 to index
        %get3A_646 = arith.constant 32 : index
        %get3A_647 = tpu.vector_load %arg13[%get3A_645, %get3A_646] {strides = array<i32>} : memref<80x128xf32, #tpu.memory_space<vmem>>, vector<1x16xf32>,
        %get3A_648 = vector.shape_cast %get3A_647 : vector<1x16xf32> to vector<16xf32>
        %mul3A_649 = arith.mulf %get3A_648, %gather3A_620 : vector<16xf32>
        %swap3A_650 = arith.index_cast %add3A_624 : i32 to index
        %swap3A_651 = arith.constant 32 : index
        %swap3A_652 = tpu.vector_load %arg13[%swap3A_650, %swap3A_651] {strides = array<i32>} : memref<80x128xf32, #tpu.memory_space<vmem>>, vector<1x16xf32>,
        %swap3A_653 = vector.shape_cast %swap3A_652 : vector<1x16xf32> to vector<16xf32>
        %swap3A_654 = vector.shape_cast %mul3A_649 : vector<16xf32> to vector<1x16xf32>
        tpu.vector_store %arg13[%swap3A_650, %swap3A_651], %swap3A_654 {strides = array<i32>} : memref<80x128xf32, #tpu.memory_space<vmem>>, vector<1x16xf32>,
        %get3A_655 = arith.index_cast %add3A_624 : i32 to index
        %get3A_656 = arith.constant 48 : index
        %get3A_657 = tpu.vector_load %arg13[%get3A_655, %get3A_656] {strides = array<i32>} : memref<80x128xf32, #tpu.memory_space<vmem>>, vector<1x16xf32>,
        %get3A_658 = vector.shape_cast %get3A_657 : vector<1x16xf32> to vector<16xf32>
        %mul3A_659 = arith.mulf %get3A_658, %gather3A_620 : vector<16xf32>
        %swap3A_660 = arith.index_cast %add3A_624 : i32 to index
        %swap3A_661 = arith.constant 48 : index
        %swap3A_662 = tpu.vector_load %arg13[%swap3A_660, %swap3A_661] {strides = array<i32>} : memref<80x128xf32, #tpu.memory_space<vmem>>, vector<1x16xf32>,
        %swap3A_663 = vector.shape_cast %swap3A_662 : vector<1x16xf32> to vector<16xf32>
        %swap3A_664 = vector.shape_cast %mul3A_659 : vector<16xf32> to vector<1x16xf32>
        tpu.vector_store %arg13[%swap3A_660, %swap3A_661], %swap3A_664 {strides = array<i32>} : memref<80x128xf32, #tpu.memory_space<vmem>>, vector<1x16xf32>,
        %get3A_665 = arith.index_cast %add3A_624 : i32 to index
        %get3A_666 = arith.constant 64 : index
        %get3A_667 = tpu.vector_load %arg13[%get3A_665, %get3A_666] {strides = array<i32>} : memref<80x128xf32, #tpu.memory_space<vmem>>, vector<1x16xf32>,
        %get3A_668 = vector.shape_cast %get3A_667 : vector<1x16xf32> to vector<16xf32>
        %mul3A_669 = arith.mulf %get3A_668, %gather3A_620 : vector<16xf32>
        %swap3A_670 = arith.index_cast %add3A_624 : i32 to index
        %swap3A_671 = arith.constant 64 : index
        %swap3A_672 = tpu.vector_load %arg13[%swap3A_670, %swap3A_671] {strides = array<i32>} : memref<80x128xf32, #tpu.memory_space<vmem>>, vector<1x16xf32>,
        %swap3A_673 = vector.shape_cast %swap3A_672 : vector<1x16xf32> to vector<16xf32>
        %swap3A_674 = vector.shape_cast %mul3A_669 : vector<16xf32> to vector<1x16xf32>
        tpu.vector_store %arg13[%swap3A_670, %swap3A_671], %swap3A_674 {strides = array<i32>} : memref<80x128xf32, #tpu.memory_space<vmem>>, vector<1x16xf32>,
        %get3A_675 = arith.index_cast %add3A_624 : i32 to index
        %get3A_676 = arith.constant 80 : index
        %get3A_677 = tpu.vector_load %arg13[%get3A_675, %get3A_676] {strides = array<i32>} : memref<80x128xf32, #tpu.memory_space<vmem>>, vector<1x16xf32>,
        %get3A_678 = vector.shape_cast %get3A_677 : vector<1x16xf32> to vector<16xf32>
        %mul3A_679 = arith.mulf %get3A_678, %gather3A_620 : vector<16xf32>
        %swap3A_680 = arith.index_cast %add3A_624 : i32 to index
        %swap3A_681 = arith.constant 80 : index
        %swap3A_682 = tpu.vector_load %arg13[%swap3A_680, %swap3A_681] {strides = array<i32>} : memref<80x128xf32, #tpu.memory_space<vmem>>, vector<1x16xf32>,
        %swap3A_683 = vector.shape_cast %swap3A_682 : vector<1x16xf32> to vector<16xf32>
        %swap3A_684 = vector.shape_cast %mul3A_679 : vector<16xf32> to vector<1x16xf32>
        tpu.vector_store %arg13[%swap3A_680, %swap3A_681], %swap3A_684 {strides = array<i32>} : memref<80x128xf32, #tpu.memory_space<vmem>>, vector<1x16xf32>,
        %get3A_685 = arith.index_cast %add3A_624 : i32 to index
        %get3A_686 = arith.constant 96 : index
        %get3A_687 = tpu.vector_load %arg13[%get3A_685, %get3A_686] {strides = array<i32>} : memref<80x128xf32, #tpu.memory_space<vmem>>, vector<1x16xf32>,
        %get3A_688 = vector.shape_cast %get3A_687 : vector<1x16xf32> to vector<16xf32>
        %mul3A_689 = arith.mulf %get3A_688, %gather3A_620 : vector<16xf32>
        %swap3A_690 = arith.index_cast %add3A_624 : i32 to index
        %swap3A_691 = arith.constant 96 : index
        %swap3A_692 = tpu.vector_load %arg13[%swap3A_690, %swap3A_691] {strides = array<i32>} : memref<80x128xf32, #tpu.memory_space<vmem>>, vector<1x16xf32>,
        %swap3A_693 = vector.shape_cast %swap3A_692 : vector<1x16xf32> to vector<16xf32>
        %swap3A_694 = vector.shape_cast %mul3A_689 : vector<16xf32> to vector<1x16xf32>
        tpu.vector_store %arg13[%swap3A_690, %swap3A_691], %swap3A_694 {strides = array<i32>} : memref<80x128xf32, #tpu.memory_space<vmem>>, vector<1x16xf32>,
        %get3A_695 = arith.index_cast %add3A_624 : i32 to index
        %get3A_696 = arith.constant 112 : index
        %get3A_697 = tpu.vector_load %arg13[%get3A_695, %get3A_696] {strides = array<i32>} : memref<80x128xf32, #tpu.memory_space<vmem>>, vector<1x16xf32>,
        %get3A_698 = vector.shape_cast %get3A_697 : vector<1x16xf32> to vector<16xf32>
        %mul3A_699 = arith.mulf %get3A_698, %gather3A_620 : vector<16xf32>
        %swap3A_700 = arith.index_cast %add3A_624 : i32 to index
        %swap3A_701 = arith.constant 112 : index
        %swap3A_702 = tpu.vector_load %arg13[%swap3A_700, %swap3A_701] {strides = array<i32>} : memref<80x128xf32, #tpu.memory_space<vmem>>, vector<1x16xf32>,
        %swap3A_703 = vector.shape_cast %swap3A_702 : vector<1x16xf32> to vector<16xf32>
        %swap3A_704 = vector.shape_cast %mul3A_699 : vector<16xf32> to vector<1x16xf32>
        tpu.vector_store %arg13[%swap3A_700, %swap3A_701], %swap3A_704 {strides = array<i32>} : memref<80x128xf32, #tpu.memory_space<vmem>>, vector<1x16xf32>,
        %broadcast_in_dim3A_705 = arith.constant 7 : i32
        %broadcast_in_dim3A_706 = vector.broadcast %broadcast_in_dim3A_705 : i32 to vector<16xi32>
        %reshape3A_707 = vector.shape_cast %broadcast_in_dim3A_706 : vector<16xi32> to vector<16x1xi32>
        %gather3A_708 = vector.shape_cast %reshape3A_707 : vector<16x1xi32> to vector<16xi32>
        %gather3A_709 = tpu.dynamic_gather %get3A_83[%gather3A_708] in [0] : vector<16xf32>, vector<16xi32> -> vector<16xf32>
        %mul3A_710 = arith.constant 16 : i32
        %mul3A_711 = arith.muli %scan3A_79, %mul3A_710 : i32
        %add3A_712 = arith.constant 7 : i32
        %add3A_713 = arith.addi %mul3A_711, %add3A_712 : i32
        %get3A_714 = arith.index_cast %add3A_713 : i32 to index
        %get3A_715 = arith.constant 0 : index
        %get3A_716 = tpu.vector_load %arg13[%get3A_714, %get3A_715] {strides = array<i32>} : memref<80x128xf32, #tpu.memory_space<vmem>>, vector<1x16xf32>,
        %get3A_717 = vector.shape_cast %get3A_716 : vector<1x16xf32> to vector<16xf32>
        %mul3A_718 = arith.mulf %get3A_717, %gather3A_709 : vector<16xf32>
        %swap3A_719 = arith.index_cast %add3A_713 : i32 to index
        %swap3A_720 = arith.constant 0 : index
        %swap3A_721 = tpu.vector_load %arg13[%swap3A_719, %swap3A_720] {strides = array<i32>} : memref<80x128xf32, #tpu.memory_space<vmem>>, vector<1x16xf32>,
        %swap3A_722 = vector.shape_cast %swap3A_721 : vector<1x16xf32> to vector<16xf32>
        %swap3A_723 = vector.shape_cast %mul3A_718 : vector<16xf32> to vector<1x16xf32>
        tpu.vector_store %arg13[%swap3A_719, %swap3A_720], %swap3A_723 {strides = array<i32>} : memref<80x128xf32, #tpu.memory_space<vmem>>, vector<1x16xf32>,
        %get3A_724 = arith.index_cast %add3A_713 : i32 to index
        %get3A_725 = arith.constant 16 : index
        %get3A_726 = tpu.vector_load %arg13[%get3A_724, %get3A_725] {strides = array<i32>} : memref<80x128xf32, #tpu.memory_space<vmem>>, vector<1x16xf32>,
        %get3A_727 = vector.shape_cast %get3A_726 : vector<1x16xf32> to vector<16xf32>
        %mul3A_728 = arith.mulf %get3A_727, %gather3A_709 : vector<16xf32>
        %swap3A_729 = arith.index_cast %add3A_713 : i32 to index
        %swap3A_730 = arith.constant 16 : index
        %swap3A_731 = tpu.vector_load %arg13[%swap3A_729, %swap3A_730] {strides = array<i32>} : memref<80x128xf32, #tpu.memory_space<vmem>>, vector<1x16xf32>,
        %swap3A_732 = vector.shape_cast %swap3A_731 : vector<1x16xf32> to vector<16xf32>
        %swap3A_733 = vector.shape_cast %mul3A_728 : vector<16xf32> to vector<1x16xf32>
        tpu.vector_store %arg13[%swap3A_729, %swap3A_730], %swap3A_733 {strides = array<i32>} : memref<80x128xf32, #tpu.memory_space<vmem>>, vector<1x16xf32>,
        %get3A_734 = arith.index_cast %add3A_713 : i32 to index
        %get3A_735 = arith.constant 32 : index
        %get3A_736 = tpu.vector_load %arg13[%get3A_734, %get3A_735] {strides = array<i32>} : memref<80x128xf32, #tpu.memory_space<vmem>>, vector<1x16xf32>,
        %get3A_737 = vector.shape_cast %get3A_736 : vector<1x16xf32> to vector<16xf32>
        %mul3A_738 = arith.mulf %get3A_737, %gather3A_709 : vector<16xf32>
        %swap3A_739 = arith.index_cast %add3A_713 : i32 to index
        %swap3A_740 = arith.constant 32 : index
        %swap3A_741 = tpu.vector_load %arg13[%swap3A_739, %swap3A_740] {strides = array<i32>} : memref<80x128xf32, #tpu.memory_space<vmem>>, vector<1x16xf32>,
        %swap3A_742 = vector.shape_cast %swap3A_741 : vector<1x16xf32> to vector<16xf32>
        %swap3A_743 = vector.shape_cast %mul3A_738 : vector<16xf32> to vector<1x16xf32>
        tpu.vector_store %arg13[%swap3A_739, %swap3A_740], %swap3A_743 {strides = array<i32>} : memref<80x128xf32, #tpu.memory_space<vmem>>, vector<1x16xf32>,
        %get3A_744 = arith.index_cast %add3A_713 : i32 to index
        %get3A_745 = arith.constant 48 : index
        %get3A_746 = tpu.vector_load %arg13[%get3A_744, %get3A_745] {strides = array<i32>} : memref<80x128xf32, #tpu.memory_space<vmem>>, vector<1x16xf32>,
        %get3A_747 = vector.shape_cast %get3A_746 : vector<1x16xf32> to vector<16xf32>
        %mul3A_748 = arith.mulf %get3A_747, %gather3A_709 : vector<16xf32>
        %swap3A_749 = arith.index_cast %add3A_713 : i32 to index
        %swap3A_750 = arith.constant 48 : index
        %swap3A_751 = tpu.vector_load %arg13[%swap3A_749, %swap3A_750] {strides = array<i32>} : memref<80x128xf32, #tpu.memory_space<vmem>>, vector<1x16xf32>,
        %swap3A_752 = vector.shape_cast %swap3A_751 : vector<1x16xf32> to vector<16xf32>
        %swap3A_753 = vector.shape_cast %mul3A_748 : vector<16xf32> to vector<1x16xf32>
        tpu.vector_store %arg13[%swap3A_749, %swap3A_750], %swap3A_753 {strides = array<i32>} : memref<80x128xf32, #tpu.memory_space<vmem>>, vector<1x16xf32>,
        %get3A_754 = arith.index_cast %add3A_713 : i32 to index
        %get3A_755 = arith.constant 64 : index
        %get3A_756 = tpu.vector_load %arg13[%get3A_754, %get3A_755] {strides = array<i32>} : memref<80x128xf32, #tpu.memory_space<vmem>>, vector<1x16xf32>,
        %get3A_757 = vector.shape_cast %get3A_756 : vector<1x16xf32> to vector<16xf32>
        %mul3A_758 = arith.mulf %get3A_757, %gather3A_709 : vector<16xf32>
        %swap3A_759 = arith.index_cast %add3A_713 : i32 to index
        %swap3A_760 = arith.constant 64 : index
        %swap3A_761 = tpu.vector_load %arg13[%swap3A_759, %swap3A_760] {strides = array<i32>} : memref<80x128xf32, #tpu.memory_space<vmem>>, vector<1x16xf32>,
        %swap3A_762 = vector.shape_cast %swap3A_761 : vector<1x16xf32> to vector<16xf32>
        %swap3A_763 = vector.shape_cast %mul3A_758 : vector<16xf32> to vector<1x16xf32>
        tpu.vector_store %arg13[%swap3A_759, %swap3A_760], %swap3A_763 {strides = array<i32>} : memref<80x128xf32, #tpu.memory_space<vmem>>, vector<1x16xf32>,
        %get3A_764 = arith.index_cast %add3A_713 : i32 to index
        %get3A_765 = arith.constant 80 : index
        %get3A_766 = tpu.vector_load %arg13[%get3A_764, %get3A_765] {strides = array<i32>} : memref<80x128xf32, #tpu.memory_space<vmem>>, vector<1x16xf32>,
        %get3A_767 = vector.shape_cast %get3A_766 : vector<1x16xf32> to vector<16xf32>
        %mul3A_768 = arith.mulf %get3A_767, %gather3A_709 : vector<16xf32>
        %swap3A_769 = arith.index_cast %add3A_713 : i32 to index
        %swap3A_770 = arith.constant 80 : index
        %swap3A_771 = tpu.vector_load %arg13[%swap3A_769, %swap3A_770] {strides = array<i32>} : memref<80x128xf32, #tpu.memory_space<vmem>>, vector<1x16xf32>,
        %swap3A_772 = vector.shape_cast %swap3A_771 : vector<1x16xf32> to vector<16xf32>
        %swap3A_773 = vector.shape_cast %mul3A_768 : vector<16xf32> to vector<1x16xf32>
        tpu.vector_store %arg13[%swap3A_769, %swap3A_770], %swap3A_773 {strides = array<i32>} : memref<80x128xf32, #tpu.memory_space<vmem>>, vector<1x16xf32>,
        %get3A_774 = arith.index_cast %add3A_713 : i32 to index
        %get3A_775 = arith.constant 96 : index
        %get3A_776 = tpu.vector_load %arg13[%get3A_774, %get3A_775] {strides = array<i32>} : memref<80x128xf32, #tpu.memory_space<vmem>>, vector<1x16xf32>,
        %get3A_777 = vector.shape_cast %get3A_776 : vector<1x16xf32> to vector<16xf32>
        %mul3A_778 = arith.mulf %get3A_777, %gather3A_709 : vector<16xf32>
        %swap3A_779 = arith.index_cast %add3A_713 : i32 to index
        %swap3A_780 = arith.constant 96 : index
        %swap3A_781 = tpu.vector_load %arg13[%swap3A_779, %swap3A_780] {strides = array<i32>} : memref<80x128xf32, #tpu.memory_space<vmem>>, vector<1x16xf32>,
        %swap3A_782 = vector.shape_cast %swap3A_781 : vector<1x16xf32> to vector<16xf32>
        %swap3A_783 = vector.shape_cast %mul3A_778 : vector<16xf32> to vector<1x16xf32>
        tpu.vector_store %arg13[%swap3A_779, %swap3A_780], %swap3A_783 {strides = array<i32>} : memref<80x128xf32, #tpu.memory_space<vmem>>, vector<1x16xf32>,
        %get3A_784 = arith.index_cast %add3A_713 : i32 to index
        %get3A_785 = arith.constant 112 : index
        %get3A_786 = tpu.vector_load %arg13[%get3A_784, %get3A_785] {strides = array<i32>} : memref<80x128xf32, #tpu.memory_space<vmem>>, vector<1x16xf32>,
        %get3A_787 = vector.shape_cast %get3A_786 : vector<1x16xf32> to vector<16xf32>
        %mul3A_788 = arith.mulf %get3A_787, %gather3A_709 : vector<16xf32>
        %swap3A_789 = arith.index_cast %add3A_713 : i32 to index
        %swap3A_790 = arith.constant 112 : index
        %swap3A_791 = tpu.vector_load %arg13[%swap3A_789, %swap3A_790] {strides = array<i32>} : memref<80x128xf32, #tpu.memory_space<vmem>>, vector<1x16xf32>,
        %swap3A_792 = vector.shape_cast %swap3A_791 : vector<1x16xf32> to vector<16xf32>
        %swap3A_793 = vector.shape_cast %mul3A_788 : vector<16xf32> to vector<1x16xf32>
        tpu.vector_store %arg13[%swap3A_789, %swap3A_790], %swap3A_793 {strides = array<i32>} : memref<80x128xf32, #tpu.memory_space<vmem>>, vector<1x16xf32>,
        %broadcast_in_dim3A_794 = arith.constant 8 : i32
        %broadcast_in_dim3A_795 = vector.broadcast %broadcast_in_dim3A_794 : i32 to vector<16xi32>
        %reshape3A_796 = vector.shape_cast %broadcast_in_dim3A_795 : vector<16xi32> to vector<16x1xi32>
        %gather3A_797 = vector.shape_cast %reshape3A_796 : vector<16x1xi32> to vector<16xi32>
        %gather3A_798 = tpu.dynamic_gather %get3A_83[%gather3A_797] in [0] : vector<16xf32>, vector<16xi32> -> vector<16xf32>
        %mul3A_799 = arith.constant 16 : i32
        %mul3A_800 = arith.muli %scan3A_79, %mul3A_799 : i32
        %add3A_801 = arith.constant 8 : i32
        %add3A_802 = arith.addi %mul3A_800, %add3A_801 : i32
        %get3A_803 = arith.index_cast %add3A_802 : i32 to index
        %get3A_804 = arith.constant 0 : index
        %get3A_805 = tpu.vector_load %arg13[%get3A_803, %get3A_804] {strides = array<i32>} : memref<80x128xf32, #tpu.memory_space<vmem>>, vector<1x16xf32>,
        %get3A_806 = vector.shape_cast %get3A_805 : vector<1x16xf32> to vector<16xf32>
        %mul3A_807 = arith.mulf %get3A_806, %gather3A_798 : vector<16xf32>
        %swap3A_808 = arith.index_cast %add3A_802 : i32 to index
        %swap3A_809 = arith.constant 0 : index
        %swap3A_810 = tpu.vector_load %arg13[%swap3A_808, %swap3A_809] {strides = array<i32>} : memref<80x128xf32, #tpu.memory_space<vmem>>, vector<1x16xf32>,
        %swap3A_811 = vector.shape_cast %swap3A_810 : vector<1x16xf32> to vector<16xf32>
        %swap3A_812 = vector.shape_cast %mul3A_807 : vector<16xf32> to vector<1x16xf32>
        tpu.vector_store %arg13[%swap3A_808, %swap3A_809], %swap3A_812 {strides = array<i32>} : memref<80x128xf32, #tpu.memory_space<vmem>>, vector<1x16xf32>,
        %get3A_813 = arith.index_cast %add3A_802 : i32 to index
        %get3A_814 = arith.constant 16 : index
        %get3A_815 = tpu.vector_load %arg13[%get3A_813, %get3A_814] {strides = array<i32>} : memref<80x128xf32, #tpu.memory_space<vmem>>, vector<1x16xf32>,
        %get3A_816 = vector.shape_cast %get3A_815 : vector<1x16xf32> to vector<16xf32>
        %mul3A_817 = arith.mulf %get3A_816, %gather3A_798 : vector<16xf32>
        %swap3A_818 = arith.index_cast %add3A_802 : i32 to index
        %swap3A_819 = arith.constant 16 : index
        %swap3A_820 = tpu.vector_load %arg13[%swap3A_818, %swap3A_819] {strides = array<i32>} : memref<80x128xf32, #tpu.memory_space<vmem>>, vector<1x16xf32>,
        %swap3A_821 = vector.shape_cast %swap3A_820 : vector<1x16xf32> to vector<16xf32>
        %swap3A_822 = vector.shape_cast %mul3A_817 : vector<16xf32> to vector<1x16xf32>
        tpu.vector_store %arg13[%swap3A_818, %swap3A_819], %swap3A_822 {strides = array<i32>} : memref<80x128xf32, #tpu.memory_space<vmem>>, vector<1x16xf32>,
        %get3A_823 = arith.index_cast %add3A_802 : i32 to index
        %get3A_824 = arith.constant 32 : index
        %get3A_825 = tpu.vector_load %arg13[%get3A_823, %get3A_824] {strides = array<i32>} : memref<80x128xf32, #tpu.memory_space<vmem>>, vector<1x16xf32>,
        %get3A_826 = vector.shape_cast %get3A_825 : vector<1x16xf32> to vector<16xf32>
        %mul3A_827 = arith.mulf %get3A_826, %gather3A_798 : vector<16xf32>
        %swap3A_828 = arith.index_cast %add3A_802 : i32 to index
        %swap3A_829 = arith.constant 32 : index
        %swap3A_830 = tpu.vector_load %arg13[%swap3A_828, %swap3A_829] {strides = array<i32>} : memref<80x128xf32, #tpu.memory_space<vmem>>, vector<1x16xf32>,
        %swap3A_831 = vector.shape_cast %swap3A_830 : vector<1x16xf32> to vector<16xf32>
        %swap3A_832 = vector.shape_cast %mul3A_827 : vector<16xf32> to vector<1x16xf32>
        tpu.vector_store %arg13[%swap3A_828, %swap3A_829], %swap3A_832 {strides = array<i32>} : memref<80x128xf32, #tpu.memory_space<vmem>>, vector<1x16xf32>,
        %get3A_833 = arith.index_cast %add3A_802 : i32 to index
        %get3A_834 = arith.constant 48 : index
        %get3A_835 = tpu.vector_load %arg13[%get3A_833, %get3A_834] {strides = array<i32>} : memref<80x128xf32, #tpu.memory_space<vmem>>, vector<1x16xf32>,
        %get3A_836 = vector.shape_cast %get3A_835 : vector<1x16xf32> to vector<16xf32>
        %mul3A_837 = arith.mulf %get3A_836, %gather3A_798 : vector<16xf32>
        %swap3A_838 = arith.index_cast %add3A_802 : i32 to index
        %swap3A_839 = arith.constant 48 : index
        %swap3A_840 = tpu.vector_load %arg13[%swap3A_838, %swap3A_839] {strides = array<i32>} : memref<80x128xf32, #tpu.memory_space<vmem>>, vector<1x16xf32>,
        %swap3A_841 = vector.shape_cast %swap3A_840 : vector<1x16xf32> to vector<16xf32>
        %swap3A_842 = vector.shape_cast %mul3A_837 : vector<16xf32> to vector<1x16xf32>
        tpu.vector_store %arg13[%swap3A_838, %swap3A_839], %swap3A_842 {strides = array<i32>} : memref<80x128xf32, #tpu.memory_space<vmem>>, vector<1x16xf32>,
        %get3A_843 = arith.index_cast %add3A_802 : i32 to index
        %get3A_844 = arith.constant 64 : index
        %get3A_845 = tpu.vector_load %arg13[%get3A_843, %get3A_844] {strides = array<i32>} : memref<80x128xf32, #tpu.memory_space<vmem>>, vector<1x16xf32>,
        %get3A_846 = vector.shape_cast %get3A_845 : vector<1x16xf32> to vector<16xf32>
        %mul3A_847 = arith.mulf %get3A_846, %gather3A_798 : vector<16xf32>
        %swap3A_848 = arith.index_cast %add3A_802 : i32 to index
        %swap3A_849 = arith.constant 64 : index
        %swap3A_850 = tpu.vector_load %arg13[%swap3A_848, %swap3A_849] {strides = array<i32>} : memref<80x128xf32, #tpu.memory_space<vmem>>, vector<1x16xf32>,
        %swap3A_851 = vector.shape_cast %swap3A_850 : vector<1x16xf32> to vector<16xf32>
        %swap3A_852 = vector.shape_cast %mul3A_847 : vector<16xf32> to vector<1x16xf32>
        tpu.vector_store %arg13[%swap3A_848, %swap3A_849], %swap3A_852 {strides = array<i32>} : memref<80x128xf32, #tpu.memory_space<vmem>>, vector<1x16xf32>,
        %get3A_853 = arith.index_cast %add3A_802 : i32 to index
        %get3A_854 = arith.constant 80 : index
        %get3A_855 = tpu.vector_load %arg13[%get3A_853, %get3A_854] {strides = array<i32>} : memref<80x128xf32, #tpu.memory_space<vmem>>, vector<1x16xf32>,
        %get3A_856 = vector.shape_cast %get3A_855 : vector<1x16xf32> to vector<16xf32>
        %mul3A_857 = arith.mulf %get3A_856, %gather3A_798 : vector<16xf32>
        %swap3A_858 = arith.index_cast %add3A_802 : i32 to index
        %swap3A_859 = arith.constant 80 : index
        %swap3A_860 = tpu.vector_load %arg13[%swap3A_858, %swap3A_859] {strides = array<i32>} : memref<80x128xf32, #tpu.memory_space<vmem>>, vector<1x16xf32>,
        %swap3A_861 = vector.shape_cast %swap3A_860 : vector<1x16xf32> to vector<16xf32>
        %swap3A_862 = vector.shape_cast %mul3A_857 : vector<16xf32> to vector<1x16xf32>
        tpu.vector_store %arg13[%swap3A_858, %swap3A_859], %swap3A_862 {strides = array<i32>} : memref<80x128xf32, #tpu.memory_space<vmem>>, vector<1x16xf32>,
        %get3A_863 = arith.index_cast %add3A_802 : i32 to index
        %get3A_864 = arith.constant 96 : index
        %get3A_865 = tpu.vector_load %arg13[%get3A_863, %get3A_864] {strides = array<i32>} : memref<80x128xf32, #tpu.memory_space<vmem>>, vector<1x16xf32>,
        %get3A_866 = vector.shape_cast %get3A_865 : vector<1x16xf32> to vector<16xf32>
        %mul3A_867 = arith.mulf %get3A_866, %gather3A_798 : vector<16xf32>
        %swap3A_868 = arith.index_cast %add3A_802 : i32 to index
        %swap3A_869 = arith.constant 96 : index
        %swap3A_870 = tpu.vector_load %arg13[%swap3A_868, %swap3A_869] {strides = array<i32>} : memref<80x128xf32, #tpu.memory_space<vmem>>, vector<1x16xf32>,
        %swap3A_871 = vector.shape_cast %swap3A_870 : vector<1x16xf32> to vector<16xf32>
        %swap3A_872 = vector.shape_cast %mul3A_867 : vector<16xf32> to vector<1x16xf32>
        tpu.vector_store %arg13[%swap3A_868, %swap3A_869], %swap3A_872 {strides = array<i32>} : memref<80x128xf32, #tpu.memory_space<vmem>>, vector<1x16xf32>,
        %get3A_873 = arith.index_cast %add3A_802 : i32 to index
        %get3A_874 = arith.constant 112 : index
        %get3A_875 = tpu.vector_load %arg13[%get3A_873, %get3A_874] {strides = array<i32>} : memref<80x128xf32, #tpu.memory_space<vmem>>, vector<1x16xf32>,
        %get3A_876 = vector.shape_cast %get3A_875 : vector<1x16xf32> to vector<16xf32>
        %mul3A_877 = arith.mulf %get3A_876, %gather3A_798 : vector<16xf32>
        %swap3A_878 = arith.index_cast %add3A_802 : i32 to index
        %swap3A_879 = arith.constant 112 : index
        %swap3A_880 = tpu.vector_load %arg13[%swap3A_878, %swap3A_879] {strides = array<i32>} : memref<80x128xf32, #tpu.memory_space<vmem>>, vector<1x16xf32>,
        %swap3A_881 = vector.shape_cast %swap3A_880 : vector<1x16xf32> to vector<16xf32>
        %swap3A_882 = vector.shape_cast %mul3A_877 : vector<16xf32> to vector<1x16xf32>
        tpu.vector_store %arg13[%swap3A_878, %swap3A_879], %swap3A_882 {strides = array<i32>} : memref<80x128xf32, #tpu.memory_space<vmem>>, vector<1x16xf32>,
        %broadcast_in_dim3A_883 = arith.constant 9 : i32
        %broadcast_in_dim3A_884 = vector.broadcast %broadcast_in_dim3A_883 : i32 to vector<16xi32>
        %reshape3A_885 = vector.shape_cast %broadcast_in_dim3A_884 : vector<16xi32> to vector<16x1xi32>
        %gather3A_886 = vector.shape_cast %reshape3A_885 : vector<16x1xi32> to vector<16xi32>
        %gather3A_887 = tpu.dynamic_gather %get3A_83[%gather3A_886] in [0] : vector<16xf32>, vector<16xi32> -> vector<16xf32>
        %mul3A_888 = arith.constant 16 : i32
        %mul3A_889 = arith.muli %scan3A_79, %mul3A_888 : i32
        %add3A_890 = arith.constant 9 : i32
        %add3A_891 = arith.addi %mul3A_889, %add3A_890 : i32
        %get3A_892 = arith.index_cast %add3A_891 : i32 to index
        %get3A_893 = arith.constant 0 : index
        %get3A_894 = tpu.vector_load %arg13[%get3A_892, %get3A_893] {strides = array<i32>} : memref<80x128xf32, #tpu.memory_space<vmem>>, vector<1x16xf32>,
        %get3A_895 = vector.shape_cast %get3A_894 : vector<1x16xf32> to vector<16xf32>
        %mul3A_896 = arith.mulf %get3A_895, %gather3A_887 : vector<16xf32>
        %swap3A_897 = arith.index_cast %add3A_891 : i32 to index
        %swap3A_898 = arith.constant 0 : index
        %swap3A_899 = tpu.vector_load %arg13[%swap3A_897, %swap3A_898] {strides = array<i32>} : memref<80x128xf32, #tpu.memory_space<vmem>>, vector<1x16xf32>,
        %swap3A_900 = vector.shape_cast %swap3A_899 : vector<1x16xf32> to vector<16xf32>
        %swap3A_901 = vector.shape_cast %mul3A_896 : vector<16xf32> to vector<1x16xf32>
        tpu.vector_store %arg13[%swap3A_897, %swap3A_898], %swap3A_901 {strides = array<i32>} : memref<80x128xf32, #tpu.memory_space<vmem>>, vector<1x16xf32>,
        %get3A_902 = arith.index_cast %add3A_891 : i32 to index
        %get3A_903 = arith.constant 16 : index
        %get3A_904 = tpu.vector_load %arg13[%get3A_902, %get3A_903] {strides = array<i32>} : memref<80x128xf32, #tpu.memory_space<vmem>>, vector<1x16xf32>,
        %get3A_905 = vector.shape_cast %get3A_904 : vector<1x16xf32> to vector<16xf32>
        %mul3A_906 = arith.mulf %get3A_905, %gather3A_887 : vector<16xf32>
        %swap3A_907 = arith.index_cast %add3A_891 : i32 to index
        %swap3A_908 = arith.constant 16 : index
        %swap3A_909 = tpu.vector_load %arg13[%swap3A_907, %swap3A_908] {strides = array<i32>} : memref<80x128xf32, #tpu.memory_space<vmem>>, vector<1x16xf32>,
        %swap3A_910 = vector.shape_cast %swap3A_909 : vector<1x16xf32> to vector<16xf32>
        %swap3A_911 = vector.shape_cast %mul3A_906 : vector<16xf32> to vector<1x16xf32>
        tpu.vector_store %arg13[%swap3A_907, %swap3A_908], %swap3A_911 {strides = array<i32>} : memref<80x128xf32, #tpu.memory_space<vmem>>, vector<1x16xf32>,
        %get3A_912 = arith.index_cast %add3A_891 : i32 to index
        %get3A_913 = arith.constant 32 : index
        %get3A_914 = tpu.vector_load %arg13[%get3A_912, %get3A_913] {strides = array<i32>} : memref<80x128xf32, #tpu.memory_space<vmem>>, vector<1x16xf32>,
        %get3A_915 = vector.shape_cast %get3A_914 : vector<1x16xf32> to vector<16xf32>
        %mul3A_916 = arith.mulf %get3A_915, %gather3A_887 : vector<16xf32>
        %swap3A_917 = arith.index_cast %add3A_891 : i32 to index
        %swap3A_918 = arith.constant 32 : index
        %swap3A_919 = tpu.vector_load %arg13[%swap3A_917, %swap3A_918] {strides = array<i32>} : memref<80x128xf32, #tpu.memory_space<vmem>>, vector<1x16xf32>,
        %swap3A_920 = vector.shape_cast %swap3A_919 : vector<1x16xf32> to vector<16xf32>
        %swap3A_921 = vector.shape_cast %mul3A_916 : vector<16xf32> to vector<1x16xf32>
        tpu.vector_store %arg13[%swap3A_917, %swap3A_918], %swap3A_921 {strides = array<i32>} : memref<80x128xf32, #tpu.memory_space<vmem>>, vector<1x16xf32>,
        %get3A_922 = arith.index_cast %add3A_891 : i32 to index
        %get3A_923 = arith.constant 48 : index
        %get3A_924 = tpu.vector_load %arg13[%get3A_922, %get3A_923] {strides = array<i32>} : memref<80x128xf32, #tpu.memory_space<vmem>>, vector<1x16xf32>,
        %get3A_925 = vector.shape_cast %get3A_924 : vector<1x16xf32> to vector<16xf32>
        %mul3A_926 = arith.mulf %get3A_925, %gather3A_887 : vector<16xf32>
        %swap3A_927 = arith.index_cast %add3A_891 : i32 to index
        %swap3A_928 = arith.constant 48 : index
        %swap3A_929 = tpu.vector_load %arg13[%swap3A_927, %swap3A_928] {strides = array<i32>} : memref<80x128xf32, #tpu.memory_space<vmem>>, vector<1x16xf32>,
        %swap3A_930 = vector.shape_cast %swap3A_929 : vector<1x16xf32> to vector<16xf32>
        %swap3A_931 = vector.shape_cast %mul3A_926 : vector<16xf32> to vector<1x16xf32>
        tpu.vector_store %arg13[%swap3A_927, %swap3A_928], %swap3A_931 {strides = array<i32>} : memref<80x128xf32, #tpu.memory_space<vmem>>, vector<1x16xf32>,
        %get3A_932 = arith.index_cast %add3A_891 : i32 to index
        %get3A_933 = arith.constant 64 : index
        %get3A_934 = tpu.vector_load %arg13[%get3A_932, %get3A_933] {strides = array<i32>} : memref<80x128xf32, #tpu.memory_space<vmem>>, vector<1x16xf32>,
        %get3A_935 = vector.shape_cast %get3A_934 : vector<1x16xf32> to vector<16xf32>
        %mul3A_936 = arith.mulf %get3A_935, %gather3A_887 : vector<16xf32>
        %swap3A_937 = arith.index_cast %add3A_891 : i32 to index
        %swap3A_938 = arith.constant 64 : index
        %swap3A_939 = tpu.vector_load %arg13[%swap3A_937, %swap3A_938] {strides = array<i32>} : memref<80x128xf32, #tpu.memory_space<vmem>>, vector<1x16xf32>,
        %swap3A_940 = vector.shape_cast %swap3A_939 : vector<1x16xf32> to vector<16xf32>
        %swap3A_941 = vector.shape_cast %mul3A_936 : vector<16xf32> to vector<1x16xf32>
        tpu.vector_store %arg13[%swap3A_937, %swap3A_938], %swap3A_941 {strides = array<i32>} : memref<80x128xf32, #tpu.memory_space<vmem>>, vector<1x16xf32>,
        %get3A_942 = arith.index_cast %add3A_891 : i32 to index
        %get3A_943 = arith.constant 80 : index
        %get3A_944 = tpu.vector_load %arg13[%get3A_942, %get3A_943] {strides = array<i32>} : memref<80x128xf32, #tpu.memory_space<vmem>>, vector<1x16xf32>,
        %get3A_945 = vector.shape_cast %get3A_944 : vector<1x16xf32> to vector<16xf32>
        %mul3A_946 = arith.mulf %get3A_945, %gather3A_887 : vector<16xf32>
        %swap3A_947 = arith.index_cast %add3A_891 : i32 to index
        %swap3A_948 = arith.constant 80 : index
        %swap3A_949 = tpu.vector_load %arg13[%swap3A_947, %swap3A_948] {strides = array<i32>} : memref<80x128xf32, #tpu.memory_space<vmem>>, vector<1x16xf32>,
        %swap3A_950 = vector.shape_cast %swap3A_949 : vector<1x16xf32> to vector<16xf32>
        %swap3A_951 = vector.shape_cast %mul3A_946 : vector<16xf32> to vector<1x16xf32>
        tpu.vector_store %arg13[%swap3A_947, %swap3A_948], %swap3A_951 {strides = array<i32>} : memref<80x128xf32, #tpu.memory_space<vmem>>, vector<1x16xf32>,
        %get3A_952 = arith.index_cast %add3A_891 : i32 to index
        %get3A_953 = arith.constant 96 : index
        %get3A_954 = tpu.vector_load %arg13[%get3A_952, %get3A_953] {strides = array<i32>} : memref<80x128xf32, #tpu.memory_space<vmem>>, vector<1x16xf32>,
        %get3A_955 = vector.shape_cast %get3A_954 : vector<1x16xf32> to vector<16xf32>
        %mul3A_956 = arith.mulf %get3A_955, %gather3A_887 : vector<16xf32>
        %swap3A_957 = arith.index_cast %add3A_891 : i32 to index
        %swap3A_958 = arith.constant 96 : index
        %swap3A_959 = tpu.vector_load %arg13[%swap3A_957, %swap3A_958] {strides = array<i32>} : memref<80x128xf32, #tpu.memory_space<vmem>>, vector<1x16xf32>,
        %swap3A_960 = vector.shape_cast %swap3A_959 : vector<1x16xf32> to vector<16xf32>
        %swap3A_961 = vector.shape_cast %mul3A_956 : vector<16xf32> to vector<1x16xf32>
        tpu.vector_store %arg13[%swap3A_957, %swap3A_958], %swap3A_961 {strides = array<i32>} : memref<80x128xf32, #tpu.memory_space<vmem>>, vector<1x16xf32>,
        %get3A_962 = arith.index_cast %add3A_891 : i32 to index
        %get3A_963 = arith.constant 112 : index
        %get3A_964 = tpu.vector_load %arg13[%get3A_962, %get3A_963] {strides = array<i32>} : memref<80x128xf32, #tpu.memory_space<vmem>>, vector<1x16xf32>,
        %get3A_965 = vector.shape_cast %get3A_964 : vector<1x16xf32> to vector<16xf32>
        %mul3A_966 = arith.mulf %get3A_965, %gather3A_887 : vector<16xf32>
        %swap3A_967 = arith.index_cast %add3A_891 : i32 to index
        %swap3A_968 = arith.constant 112 : index
        %swap3A_969 = tpu.vector_load %arg13[%swap3A_967, %swap3A_968] {strides = array<i32>} : memref<80x128xf32, #tpu.memory_space<vmem>>, vector<1x16xf32>,
        %swap3A_970 = vector.shape_cast %swap3A_969 : vector<1x16xf32> to vector<16xf32>
        %swap3A_971 = vector.shape_cast %mul3A_966 : vector<16xf32> to vector<1x16xf32>
        tpu.vector_store %arg13[%swap3A_967, %swap3A_968], %swap3A_971 {strides = array<i32>} : memref<80x128xf32, #tpu.memory_space<vmem>>, vector<1x16xf32>,
        %broadcast_in_dim3A_972 = arith.constant 10 : i32
        %broadcast_in_dim3A_973 = vector.broadcast %broadcast_in_dim3A_972 : i32 to vector<16xi32>
        %reshape3A_974 = vector.shape_cast %broadcast_in_dim3A_973 : vector<16xi32> to vector<16x1xi32>
        %gather3A_975 = vector.shape_cast %reshape3A_974 : vector<16x1xi32> to vector<16xi32>
        %gather3A_976 = tpu.dynamic_gather %get3A_83[%gather3A_975] in [0] : vector<16xf32>, vector<16xi32> -> vector<16xf32>
        %mul3A_977 = arith.constant 16 : i32
        %mul3A_978 = arith.muli %scan3A_79, %mul3A_977 : i32
        %add3A_979 = arith.constant 10 : i32
        %add3A_980 = arith.addi %mul3A_978, %add3A_979 : i32
        %get3A_981 = arith.index_cast %add3A_980 : i32 to index
        %get3A_982 = arith.constant 0 : index
        %get3A_983 = tpu.vector_load %arg13[%get3A_981, %get3A_982] {strides = array<i32>} : memref<80x128xf32, #tpu.memory_space<vmem>>, vector<1x16xf32>,
        %get3A_984 = vector.shape_cast %get3A_983 : vector<1x16xf32> to vector<16xf32>
        %mul3A_985 = arith.mulf %get3A_984, %gather3A_976 : vector<16xf32>
        %swap3A_986 = arith.index_cast %add3A_980 : i32 to index
        %swap3A_987 = arith.constant 0 : index
        %swap3A_988 = tpu.vector_load %arg13[%swap3A_986, %swap3A_987] {strides = array<i32>} : memref<80x128xf32, #tpu.memory_space<vmem>>, vector<1x16xf32>,
        %swap3A_989 = vector.shape_cast %swap3A_988 : vector<1x16xf32> to vector<16xf32>
        %swap3A_990 = vector.shape_cast %mul3A_985 : vector<16xf32> to vector<1x16xf32>
        tpu.vector_store %arg13[%swap3A_986, %swap3A_987], %swap3A_990 {strides = array<i32>} : memref<80x128xf32, #tpu.memory_space<vmem>>, vector<1x16xf32>,
        %get3A_991 = arith.index_cast %add3A_980 : i32 to index
        %get3A_992 = arith.constant 16 : index
        %get3A_993 = tpu.vector_load %arg13[%get3A_991, %get3A_992] {strides = array<i32>} : memref<80x128xf32, #tpu.memory_space<vmem>>, vector<1x16xf32>,
        %get3A_994 = vector.shape_cast %get3A_993 : vector<1x16xf32> to vector<16xf32>
        %mul3A_995 = arith.mulf %get3A_994, %gather3A_976 : vector<16xf32>
        %swap3A_996 = arith.index_cast %add3A_980 : i32 to index
        %swap3A_997 = arith.constant 16 : index
        %swap3A_998 = tpu.vector_load %arg13[%swap3A_996, %swap3A_997] {strides = array<i32>} : memref<80x128xf32, #tpu.memory_space<vmem>>, vector<1x16xf32>,
        %swap3A_999 = vector.shape_cast %swap3A_998 : vector<1x16xf32> to vector<16xf32>
        %swap3A_1000 = vector.shape_cast %mul3A_995 : vector<16xf32> to vector<1x16xf32>
        tpu.vector_store %arg13[%swap3A_996, %swap3A_997], %swap3A_1000 {strides = array<i32>} : memref<80x128xf32, #tpu.memory_space<vmem>>, vector<1x16xf32>,
        %get3A_1001 = arith.index_cast %add3A_980 : i32 to index
        %get3A_1002 = arith.constant 32 : index
        %get3A_1003 = tpu.vector_load %arg13[%get3A_1001, %get3A_1002] {strides = array<i32>} : memref<80x128xf32, #tpu.memory_space<vmem>>, vector<1x16xf32>,
        %get3A_1004 = vector.shape_cast %get3A_1003 : vector<1x16xf32> to vector<16xf32>
        %mul3A_1005 = arith.mulf %get3A_1004, %gather3A_976 : vector<16xf32>
        %swap3A_1006 = arith.index_cast %add3A_980 : i32 to index
        %swap3A_1007 = arith.constant 32 : index
        %swap3A_1008 = tpu.vector_load %arg13[%swap3A_1006, %swap3A_1007] {strides = array<i32>} : memref<80x128xf32, #tpu.memory_space<vmem>>, vector<1x16xf32>,
        %swap3A_1009 = vector.shape_cast %swap3A_1008 : vector<1x16xf32> to vector<16xf32>
        %swap3A_1010 = vector.shape_cast %mul3A_1005 : vector<16xf32> to vector<1x16xf32>
        tpu.vector_store %arg13[%swap3A_1006, %swap3A_1007], %swap3A_1010 {strides = array<i32>} : memref<80x128xf32, #tpu.memory_space<vmem>>, vector<1x16xf32>,
        %get3A_1011 = arith.index_cast %add3A_980 : i32 to index
        %get3A_1012 = arith.constant 48 : index
        %get3A_1013 = tpu.vector_load %arg13[%get3A_1011, %get3A_1012] {strides = array<i32>} : memref<80x128xf32, #tpu.memory_space<vmem>>, vector<1x16xf32>,
        %get3A_1014 = vector.shape_cast %get3A_1013 : vector<1x16xf32> to vector<16xf32>
        %mul3A_1015 = arith.mulf %get3A_1014, %gather3A_976 : vector<16xf32>
        %swap3A_1016 = arith.index_cast %add3A_980 : i32 to index
        %swap3A_1017 = arith.constant 48 : index
        %swap3A_1018 = tpu.vector_load %arg13[%swap3A_1016, %swap3A_1017] {strides = array<i32>} : memref<80x128xf32, #tpu.memory_space<vmem>>, vector<1x16xf32>,
        %swap3A_1019 = vector.shape_cast %swap3A_1018 : vector<1x16xf32> to vector<16xf32>
        %swap3A_1020 = vector.shape_cast %mul3A_1015 : vector<16xf32> to vector<1x16xf32>
        tpu.vector_store %arg13[%swap3A_1016, %swap3A_1017], %swap3A_1020 {strides = array<i32>} : memref<80x128xf32, #tpu.memory_space<vmem>>, vector<1x16xf32>,
        %get3A_1021 = arith.index_cast %add3A_980 : i32 to index
        %get3A_1022 = arith.constant 64 : index
        %get3A_1023 = tpu.vector_load %arg13[%get3A_1021, %get3A_1022] {strides = array<i32>} : memref<80x128xf32, #tpu.memory_space<vmem>>, vector<1x16xf32>,
        %get3A_1024 = vector.shape_cast %get3A_1023 : vector<1x16xf32> to vector<16xf32>
        %mul3A_1025 = arith.mulf %get3A_1024, %gather3A_976 : vector<16xf32>
        %swap3A_1026 = arith.index_cast %add3A_980 : i32 to index
        %swap3A_1027 = arith.constant 64 : index
        %swap3A_1028 = tpu.vector_load %arg13[%swap3A_1026, %swap3A_1027] {strides = array<i32>} : memref<80x128xf32, #tpu.memory_space<vmem>>, vector<1x16xf32>,
        %swap3A_1029 = vector.shape_cast %swap3A_1028 : vector<1x16xf32> to vector<16xf32>
        %swap3A_1030 = vector.shape_cast %mul3A_1025 : vector<16xf32> to vector<1x16xf32>
        tpu.vector_store %arg13[%swap3A_1026, %swap3A_1027], %swap3A_1030 {strides = array<i32>} : memref<80x128xf32, #tpu.memory_space<vmem>>, vector<1x16xf32>,
        %get3A_1031 = arith.index_cast %add3A_980 : i32 to index
        %get3A_1032 = arith.constant 80 : index
        %get3A_1033 = tpu.vector_load %arg13[%get3A_1031, %get3A_1032] {strides = array<i32>} : memref<80x128xf32, #tpu.memory_space<vmem>>, vector<1x16xf32>,
        %get3A_1034 = vector.shape_cast %get3A_1033 : vector<1x16xf32> to vector<16xf32>
        %mul3A_1035 = arith.mulf %get3A_1034, %gather3A_976 : vector<16xf32>
        %swap3A_1036 = arith.index_cast %add3A_980 : i32 to index
        %swap3A_1037 = arith.constant 80 : index
        %swap3A_1038 = tpu.vector_load %arg13[%swap3A_1036, %swap3A_1037] {strides = array<i32>} : memref<80x128xf32, #tpu.memory_space<vmem>>, vector<1x16xf32>,
        %swap3A_1039 = vector.shape_cast %swap3A_1038 : vector<1x16xf32> to vector<16xf32>
        %swap3A_1040 = vector.shape_cast %mul3A_1035 : vector<16xf32> to vector<1x16xf32>
        tpu.vector_store %arg13[%swap3A_1036, %swap3A_1037], %swap3A_1040 {strides = array<i32>} : memref<80x128xf32, #tpu.memory_space<vmem>>, vector<1x16xf32>,
        %get3A_1041 = arith.index_cast %add3A_980 : i32 to index
        %get3A_1042 = arith.constant 96 : index
        %get3A_1043 = tpu.vector_load %arg13[%get3A_1041, %get3A_1042] {strides = array<i32>} : memref<80x128xf32, #tpu.memory_space<vmem>>, vector<1x16xf32>,
        %get3A_1044 = vector.shape_cast %get3A_1043 : vector<1x16xf32> to vector<16xf32>
        %mul3A_1045 = arith.mulf %get3A_1044, %gather3A_976 : vector<16xf32>
        %swap3A_1046 = arith.index_cast %add3A_980 : i32 to index
        %swap3A_1047 = arith.constant 96 : index
        %swap3A_1048 = tpu.vector_load %arg13[%swap3A_1046, %swap3A_1047] {strides = array<i32>} : memref<80x128xf32, #tpu.memory_space<vmem>>, vector<1x16xf32>,
        %swap3A_1049 = vector.shape_cast %swap3A_1048 : vector<1x16xf32> to vector<16xf32>
        %swap3A_1050 = vector.shape_cast %mul3A_1045 : vector<16xf32> to vector<1x16xf32>
        tpu.vector_store %arg13[%swap3A_1046, %swap3A_1047], %swap3A_1050 {strides = array<i32>} : memref<80x128xf32, #tpu.memory_space<vmem>>, vector<1x16xf32>,
        %get3A_1051 = arith.index_cast %add3A_980 : i32 to index
        %get3A_1052 = arith.constant 112 : index
        %get3A_1053 = tpu.vector_load %arg13[%get3A_1051, %get3A_1052] {strides = array<i32>} : memref<80x128xf32, #tpu.memory_space<vmem>>, vector<1x16xf32>,
        %get3A_1054 = vector.shape_cast %get3A_1053 : vector<1x16xf32> to vector<16xf32>
        %mul3A_1055 = arith.mulf %get3A_1054, %gather3A_976 : vector<16xf32>
        %swap3A_1056 = arith.index_cast %add3A_980 : i32 to index
        %swap3A_1057 = arith.constant 112 : index
        %swap3A_1058 = tpu.vector_load %arg13[%swap3A_1056, %swap3A_1057] {strides = array<i32>} : memref<80x128xf32, #tpu.memory_space<vmem>>, vector<1x16xf32>,
        %swap3A_1059 = vector.shape_cast %swap3A_1058 : vector<1x16xf32> to vector<16xf32>
        %swap3A_1060 = vector.shape_cast %mul3A_1055 : vector<16xf32> to vector<1x16xf32>
        tpu.vector_store %arg13[%swap3A_1056, %swap3A_1057], %swap3A_1060 {strides = array<i32>} : memref<80x128xf32, #tpu.memory_space<vmem>>, vector<1x16xf32>,
        %broadcast_in_dim3A_1061 = arith.constant 11 : i32
        %broadcast_in_dim3A_1062 = vector.broadcast %broadcast_in_dim3A_1061 : i32 to vector<16xi32>
        %reshape3A_1063 = vector.shape_cast %broadcast_in_dim3A_1062 : vector<16xi32> to vector<16x1xi32>
        %gather3A_1064 = vector.shape_cast %reshape3A_1063 : vector<16x1xi32> to vector<16xi32>
        %gather3A_1065 = tpu.dynamic_gather %get3A_83[%gather3A_1064] in [0] : vector<16xf32>, vector<16xi32> -> vector<16xf32>
        %mul3A_1066 = arith.constant 16 : i32
        %mul3A_1067 = arith.muli %scan3A_79, %mul3A_1066 : i32
        %add3A_1068 = arith.constant 11 : i32
        %add3A_1069 = arith.addi %mul3A_1067, %add3A_1068 : i32
        %get3A_1070 = arith.index_cast %add3A_1069 : i32 to index
        %get3A_1071 = arith.constant 0 : index
        %get3A_1072 = tpu.vector_load %arg13[%get3A_1070, %get3A_1071] {strides = array<i32>} : memref<80x128xf32, #tpu.memory_space<vmem>>, vector<1x16xf32>,
        %get3A_1073 = vector.shape_cast %get3A_1072 : vector<1x16xf32> to vector<16xf32>
        %mul3A_1074 = arith.mulf %get3A_1073, %gather3A_1065 : vector<16xf32>
        %swap3A_1075 = arith.index_cast %add3A_1069 : i32 to index
        %swap3A_1076 = arith.constant 0 : index
        %swap3A_1077 = tpu.vector_load %arg13[%swap3A_1075, %swap3A_1076] {strides = array<i32>} : memref<80x128xf32, #tpu.memory_space<vmem>>, vector<1x16xf32>,
        %swap3A_1078 = vector.shape_cast %swap3A_1077 : vector<1x16xf32> to vector<16xf32>
        %swap3A_1079 = vector.shape_cast %mul3A_1074 : vector<16xf32> to vector<1x16xf32>
        tpu.vector_store %arg13[%swap3A_1075, %swap3A_1076], %swap3A_1079 {strides = array<i32>} : memref<80x128xf32, #tpu.memory_space<vmem>>, vector<1x16xf32>,
        %get3A_1080 = arith.index_cast %add3A_1069 : i32 to index
        %get3A_1081 = arith.constant 16 : index
        %get3A_1082 = tpu.vector_load %arg13[%get3A_1080, %get3A_1081] {strides = array<i32>} : memref<80x128xf32, #tpu.memory_space<vmem>>, vector<1x16xf32>,
        %get3A_1083 = vector.shape_cast %get3A_1082 : vector<1x16xf32> to vector<16xf32>
        %mul3A_1084 = arith.mulf %get3A_1083, %gather3A_1065 : vector<16xf32>
        %swap3A_1085 = arith.index_cast %add3A_1069 : i32 to index
        %swap3A_1086 = arith.constant 16 : index
        %swap3A_1087 = tpu.vector_load %arg13[%swap3A_1085, %swap3A_1086] {strides = array<i32>} : memref<80x128xf32, #tpu.memory_space<vmem>>, vector<1x16xf32>,
        %swap3A_1088 = vector.shape_cast %swap3A_1087 : vector<1x16xf32> to vector<16xf32>
        %swap3A_1089 = vector.shape_cast %mul3A_1084 : vector<16xf32> to vector<1x16xf32>
        tpu.vector_store %arg13[%swap3A_1085, %swap3A_1086], %swap3A_1089 {strides = array<i32>} : memref<80x128xf32, #tpu.memory_space<vmem>>, vector<1x16xf32>,
        %get3A_1090 = arith.index_cast %add3A_1069 : i32 to index
        %get3A_1091 = arith.constant 32 : index
        %get3A_1092 = tpu.vector_load %arg13[%get3A_1090, %get3A_1091] {strides = array<i32>} : memref<80x128xf32, #tpu.memory_space<vmem>>, vector<1x16xf32>,
        %get3A_1093 = vector.shape_cast %get3A_1092 : vector<1x16xf32> to vector<16xf32>
        %mul3A_1094 = arith.mulf %get3A_1093, %gather3A_1065 : vector<16xf32>
        %swap3A_1095 = arith.index_cast %add3A_1069 : i32 to index
        %swap3A_1096 = arith.constant 32 : index
        %swap3A_1097 = tpu.vector_load %arg13[%swap3A_1095, %swap3A_1096] {strides = array<i32>} : memref<80x128xf32, #tpu.memory_space<vmem>>, vector<1x16xf32>,
        %swap3A_1098 = vector.shape_cast %swap3A_1097 : vector<1x16xf32> to vector<16xf32>
        %swap3A_1099 = vector.shape_cast %mul3A_1094 : vector<16xf32> to vector<1x16xf32>
        tpu.vector_store %arg13[%swap3A_1095, %swap3A_1096], %swap3A_1099 {strides = array<i32>} : memref<80x128xf32, #tpu.memory_space<vmem>>, vector<1x16xf32>,
        %get3A_1100 = arith.index_cast %add3A_1069 : i32 to index
        %get3A_1101 = arith.constant 48 : index
        %get3A_1102 = tpu.vector_load %arg13[%get3A_1100, %get3A_1101] {strides = array<i32>} : memref<80x128xf32, #tpu.memory_space<vmem>>, vector<1x16xf32>,
        %get3A_1103 = vector.shape_cast %get3A_1102 : vector<1x16xf32> to vector<16xf32>
        %mul3A_1104 = arith.mulf %get3A_1103, %gather3A_1065 : vector<16xf32>
        %swap3A_1105 = arith.index_cast %add3A_1069 : i32 to index
        %swap3A_1106 = arith.constant 48 : index
        %swap3A_1107 = tpu.vector_load %arg13[%swap3A_1105, %swap3A_1106] {strides = array<i32>} : memref<80x128xf32, #tpu.memory_space<vmem>>, vector<1x16xf32>,
        %swap3A_1108 = vector.shape_cast %swap3A_1107 : vector<1x16xf32> to vector<16xf32>
        %swap3A_1109 = vector.shape_cast %mul3A_1104 : vector<16xf32> to vector<1x16xf32>
        tpu.vector_store %arg13[%swap3A_1105, %swap3A_1106], %swap3A_1109 {strides = array<i32>} : memref<80x128xf32, #tpu.memory_space<vmem>>, vector<1x16xf32>,
        %get3A_1110 = arith.index_cast %add3A_1069 : i32 to index
        %get3A_1111 = arith.constant 64 : index
        %get3A_1112 = tpu.vector_load %arg13[%get3A_1110, %get3A_1111] {strides = array<i32>} : memref<80x128xf32, #tpu.memory_space<vmem>>, vector<1x16xf32>,
        %get3A_1113 = vector.shape_cast %get3A_1112 : vector<1x16xf32> to vector<16xf32>
        %mul3A_1114 = arith.mulf %get3A_1113, %gather3A_1065 : vector<16xf32>
        %swap3A_1115 = arith.index_cast %add3A_1069 : i32 to index
        %swap3A_1116 = arith.constant 64 : index
        %swap3A_1117 = tpu.vector_load %arg13[%swap3A_1115, %swap3A_1116] {strides = array<i32>} : memref<80x128xf32, #tpu.memory_space<vmem>>, vector<1x16xf32>,
        %swap3A_1118 = vector.shape_cast %swap3A_1117 : vector<1x16xf32> to vector<16xf32>
        %swap3A_1119 = vector.shape_cast %mul3A_1114 : vector<16xf32> to vector<1x16xf32>
        tpu.vector_store %arg13[%swap3A_1115, %swap3A_1116], %swap3A_1119 {strides = array<i32>} : memref<80x128xf32, #tpu.memory_space<vmem>>, vector<1x16xf32>,
        %get3A_1120 = arith.index_cast %add3A_1069 : i32 to index
        %get3A_1121 = arith.constant 80 : index
        %get3A_1122 = tpu.vector_load %arg13[%get3A_1120, %get3A_1121] {strides = array<i32>} : memref<80x128xf32, #tpu.memory_space<vmem>>, vector<1x16xf32>,
        %get3A_1123 = vector.shape_cast %get3A_1122 : vector<1x16xf32> to vector<16xf32>
        %mul3A_1124 = arith.mulf %get3A_1123, %gather3A_1065 : vector<16xf32>
        %swap3A_1125 = arith.index_cast %add3A_1069 : i32 to index
        %swap3A_1126 = arith.constant 80 : index
        %swap3A_1127 = tpu.vector_load %arg13[%swap3A_1125, %swap3A_1126] {strides = array<i32>} : memref<80x128xf32, #tpu.memory_space<vmem>>, vector<1x16xf32>,
        %swap3A_1128 = vector.shape_cast %swap3A_1127 : vector<1x16xf32> to vector<16xf32>
        %swap3A_1129 = vector.shape_cast %mul3A_1124 : vector<16xf32> to vector<1x16xf32>
        tpu.vector_store %arg13[%swap3A_1125, %swap3A_1126], %swap3A_1129 {strides = array<i32>} : memref<80x128xf32, #tpu.memory_space<vmem>>, vector<1x16xf32>,
        %get3A_1130 = arith.index_cast %add3A_1069 : i32 to index
        %get3A_1131 = arith.constant 96 : index
        %get3A_1132 = tpu.vector_load %arg13[%get3A_1130, %get3A_1131] {strides = array<i32>} : memref<80x128xf32, #tpu.memory_space<vmem>>, vector<1x16xf32>,
        %get3A_1133 = vector.shape_cast %get3A_1132 : vector<1x16xf32> to vector<16xf32>
        %mul3A_1134 = arith.mulf %get3A_1133, %gather3A_1065 : vector<16xf32>
        %swap3A_1135 = arith.index_cast %add3A_1069 : i32 to index
        %swap3A_1136 = arith.constant 96 : index
        %swap3A_1137 = tpu.vector_load %arg13[%swap3A_1135, %swap3A_1136] {strides = array<i32>} : memref<80x128xf32, #tpu.memory_space<vmem>>, vector<1x16xf32>,
        %swap3A_1138 = vector.shape_cast %swap3A_1137 : vector<1x16xf32> to vector<16xf32>
        %swap3A_1139 = vector.shape_cast %mul3A_1134 : vector<16xf32> to vector<1x16xf32>
        tpu.vector_store %arg13[%swap3A_1135, %swap3A_1136], %swap3A_1139 {strides = array<i32>} : memref<80x128xf32, #tpu.memory_space<vmem>>, vector<1x16xf32>,
        %get3A_1140 = arith.index_cast %add3A_1069 : i32 to index
        %get3A_1141 = arith.constant 112 : index
        %get3A_1142 = tpu.vector_load %arg13[%get3A_1140, %get3A_1141] {strides = array<i32>} : memref<80x128xf32, #tpu.memory_space<vmem>>, vector<1x16xf32>,
        %get3A_1143 = vector.shape_cast %get3A_1142 : vector<1x16xf32> to vector<16xf32>
        %mul3A_1144 = arith.mulf %get3A_1143, %gather3A_1065 : vector<16xf32>
        %swap3A_1145 = arith.index_cast %add3A_1069 : i32 to index
        %swap3A_1146 = arith.constant 112 : index
        %swap3A_1147 = tpu.vector_load %arg13[%swap3A_1145, %swap3A_1146] {strides = array<i32>} : memref<80x128xf32, #tpu.memory_space<vmem>>, vector<1x16xf32>,
        %swap3A_1148 = vector.shape_cast %swap3A_1147 : vector<1x16xf32> to vector<16xf32>
        %swap3A_1149 = vector.shape_cast %mul3A_1144 : vector<16xf32> to vector<1x16xf32>
        tpu.vector_store %arg13[%swap3A_1145, %swap3A_1146], %swap3A_1149 {strides = array<i32>} : memref<80x128xf32, #tpu.memory_space<vmem>>, vector<1x16xf32>,
        %broadcast_in_dim3A_1150 = arith.constant 12 : i32
        %broadcast_in_dim3A_1151 = vector.broadcast %broadcast_in_dim3A_1150 : i32 to vector<16xi32>
        %reshape3A_1152 = vector.shape_cast %broadcast_in_dim3A_1151 : vector<16xi32> to vector<16x1xi32>
        %gather3A_1153 = vector.shape_cast %reshape3A_1152 : vector<16x1xi32> to vector<16xi32>
        %gather3A_1154 = tpu.dynamic_gather %get3A_83[%gather3A_1153] in [0] : vector<16xf32>, vector<16xi32> -> vector<16xf32>
        %mul3A_1155 = arith.constant 16 : i32
        %mul3A_1156 = arith.muli %scan3A_79, %mul3A_1155 : i32
        %add3A_1157 = arith.constant 12 : i32
        %add3A_1158 = arith.addi %mul3A_1156, %add3A_1157 : i32
        %get3A_1159 = arith.index_cast %add3A_1158 : i32 to index
        %get3A_1160 = arith.constant 0 : index
        %get3A_1161 = tpu.vector_load %arg13[%get3A_1159, %get3A_1160] {strides = array<i32>} : memref<80x128xf32, #tpu.memory_space<vmem>>, vector<1x16xf32>,
        %get3A_1162 = vector.shape_cast %get3A_1161 : vector<1x16xf32> to vector<16xf32>
        %mul3A_1163 = arith.mulf %get3A_1162, %gather3A_1154 : vector<16xf32>
        %swap3A_1164 = arith.index_cast %add3A_1158 : i32 to index
        %swap3A_1165 = arith.constant 0 : index
        %swap3A_1166 = tpu.vector_load %arg13[%swap3A_1164, %swap3A_1165] {strides = array<i32>} : memref<80x128xf32, #tpu.memory_space<vmem>>, vector<1x16xf32>,
        %swap3A_1167 = vector.shape_cast %swap3A_1166 : vector<1x16xf32> to vector<16xf32>
        %swap3A_1168 = vector.shape_cast %mul3A_1163 : vector<16xf32> to vector<1x16xf32>
        tpu.vector_store %arg13[%swap3A_1164, %swap3A_1165], %swap3A_1168 {strides = array<i32>} : memref<80x128xf32, #tpu.memory_space<vmem>>, vector<1x16xf32>,
        %get3A_1169 = arith.index_cast %add3A_1158 : i32 to index
        %get3A_1170 = arith.constant 16 : index
        %get3A_1171 = tpu.vector_load %arg13[%get3A_1169, %get3A_1170] {strides = array<i32>} : memref<80x128xf32, #tpu.memory_space<vmem>>, vector<1x16xf32>,
        %get3A_1172 = vector.shape_cast %get3A_1171 : vector<1x16xf32> to vector<16xf32>
        %mul3A_1173 = arith.mulf %get3A_1172, %gather3A_1154 : vector<16xf32>
        %swap3A_1174 = arith.index_cast %add3A_1158 : i32 to index
        %swap3A_1175 = arith.constant 16 : index
        %swap3A_1176 = tpu.vector_load %arg13[%swap3A_1174, %swap3A_1175] {strides = array<i32>} : memref<80x128xf32, #tpu.memory_space<vmem>>, vector<1x16xf32>,
        %swap3A_1177 = vector.shape_cast %swap3A_1176 : vector<1x16xf32> to vector<16xf32>
        %swap3A_1178 = vector.shape_cast %mul3A_1173 : vector<16xf32> to vector<1x16xf32>
        tpu.vector_store %arg13[%swap3A_1174, %swap3A_1175], %swap3A_1178 {strides = array<i32>} : memref<80x128xf32, #tpu.memory_space<vmem>>, vector<1x16xf32>,
        %get3A_1179 = arith.index_cast %add3A_1158 : i32 to index
        %get3A_1180 = arith.constant 32 : index
        %get3A_1181 = tpu.vector_load %arg13[%get3A_1179, %get3A_1180] {strides = array<i32>} : memref<80x128xf32, #tpu.memory_space<vmem>>, vector<1x16xf32>,
        %get3A_1182 = vector.shape_cast %get3A_1181 : vector<1x16xf32> to vector<16xf32>
        %mul3A_1183 = arith.mulf %get3A_1182, %gather3A_1154 : vector<16xf32>
        %swap3A_1184 = arith.index_cast %add3A_1158 : i32 to index
        %swap3A_1185 = arith.constant 32 : index
        %swap3A_1186 = tpu.vector_load %arg13[%swap3A_1184, %swap3A_1185] {strides = array<i32>} : memref<80x128xf32, #tpu.memory_space<vmem>>, vector<1x16xf32>,
        %swap3A_1187 = vector.shape_cast %swap3A_1186 : vector<1x16xf32> to vector<16xf32>
        %swap3A_1188 = vector.shape_cast %mul3A_1183 : vector<16xf32> to vector<1x16xf32>
        tpu.vector_store %arg13[%swap3A_1184, %swap3A_1185], %swap3A_1188 {strides = array<i32>} : memref<80x128xf32, #tpu.memory_space<vmem>>, vector<1x16xf32>,
        %get3A_1189 = arith.index_cast %add3A_1158 : i32 to index
        %get3A_1190 = arith.constant 48 : index
        %get3A_1191 = tpu.vector_load %arg13[%get3A_1189, %get3A_1190] {strides = array<i32>} : memref<80x128xf32, #tpu.memory_space<vmem>>, vector<1x16xf32>,
        %get3A_1192 = vector.shape_cast %get3A_1191 : vector<1x16xf32> to vector<16xf32>
        %mul3A_1193 = arith.mulf %get3A_1192, %gather3A_1154 : vector<16xf32>
        %swap3A_1194 = arith.index_cast %add3A_1158 : i32 to index
        %swap3A_1195 = arith.constant 48 : index
        %swap3A_1196 = tpu.vector_load %arg13[%swap3A_1194, %swap3A_1195] {strides = array<i32>} : memref<80x128xf32, #tpu.memory_space<vmem>>, vector<1x16xf32>,
        %swap3A_1197 = vector.shape_cast %swap3A_1196 : vector<1x16xf32> to vector<16xf32>
        %swap3A_1198 = vector.shape_cast %mul3A_1193 : vector<16xf32> to vector<1x16xf32>
        tpu.vector_store %arg13[%swap3A_1194, %swap3A_1195], %swap3A_1198 {strides = array<i32>} : memref<80x128xf32, #tpu.memory_space<vmem>>, vector<1x16xf32>,
        %get3A_1199 = arith.index_cast %add3A_1158 : i32 to index
        %get3A_1200 = arith.constant 64 : index
        %get3A_1201 = tpu.vector_load %arg13[%get3A_1199, %get3A_1200] {strides = array<i32>} : memref<80x128xf32, #tpu.memory_space<vmem>>, vector<1x16xf32>,
        %get3A_1202 = vector.shape_cast %get3A_1201 : vector<1x16xf32> to vector<16xf32>
        %mul3A_1203 = arith.mulf %get3A_1202, %gather3A_1154 : vector<16xf32>
        %swap3A_1204 = arith.index_cast %add3A_1158 : i32 to index
        %swap3A_1205 = arith.constant 64 : index
        %swap3A_1206 = tpu.vector_load %arg13[%swap3A_1204, %swap3A_1205] {strides = array<i32>} : memref<80x128xf32, #tpu.memory_space<vmem>>, vector<1x16xf32>,
        %swap3A_1207 = vector.shape_cast %swap3A_1206 : vector<1x16xf32> to vector<16xf32>
        %swap3A_1208 = vector.shape_cast %mul3A_1203 : vector<16xf32> to vector<1x16xf32>
        tpu.vector_store %arg13[%swap3A_1204, %swap3A_1205], %swap3A_1208 {strides = array<i32>} : memref<80x128xf32, #tpu.memory_space<vmem>>, vector<1x16xf32>,
        %get3A_1209 = arith.index_cast %add3A_1158 : i32 to index
        %get3A_1210 = arith.constant 80 : index
        %get3A_1211 = tpu.vector_load %arg13[%get3A_1209, %get3A_1210] {strides = array<i32>} : memref<80x128xf32, #tpu.memory_space<vmem>>, vector<1x16xf32>,
        %get3A_1212 = vector.shape_cast %get3A_1211 : vector<1x16xf32> to vector<16xf32>
        %mul3A_1213 = arith.mulf %get3A_1212, %gather3A_1154 : vector<16xf32>
        %swap3A_1214 = arith.index_cast %add3A_1158 : i32 to index
        %swap3A_1215 = arith.constant 80 : index
        %swap3A_1216 = tpu.vector_load %arg13[%swap3A_1214, %swap3A_1215] {strides = array<i32>} : memref<80x128xf32, #tpu.memory_space<vmem>>, vector<1x16xf32>,
        %swap3A_1217 = vector.shape_cast %swap3A_1216 : vector<1x16xf32> to vector<16xf32>
        %swap3A_1218 = vector.shape_cast %mul3A_1213 : vector<16xf32> to vector<1x16xf32>
        tpu.vector_store %arg13[%swap3A_1214, %swap3A_1215], %swap3A_1218 {strides = array<i32>} : memref<80x128xf32, #tpu.memory_space<vmem>>, vector<1x16xf32>,
        %get3A_1219 = arith.index_cast %add3A_1158 : i32 to index
        %get3A_1220 = arith.constant 96 : index
        %get3A_1221 = tpu.vector_load %arg13[%get3A_1219, %get3A_1220] {strides = array<i32>} : memref<80x128xf32, #tpu.memory_space<vmem>>, vector<1x16xf32>,
        %get3A_1222 = vector.shape_cast %get3A_1221 : vector<1x16xf32> to vector<16xf32>
        %mul3A_1223 = arith.mulf %get3A_1222, %gather3A_1154 : vector<16xf32>
        %swap3A_1224 = arith.index_cast %add3A_1158 : i32 to index
        %swap3A_1225 = arith.constant 96 : index
        %swap3A_1226 = tpu.vector_load %arg13[%swap3A_1224, %swap3A_1225] {strides = array<i32>} : memref<80x128xf32, #tpu.memory_space<vmem>>, vector<1x16xf32>,
        %swap3A_1227 = vector.shape_cast %swap3A_1226 : vector<1x16xf32> to vector<16xf32>
        %swap3A_1228 = vector.shape_cast %mul3A_1223 : vector<16xf32> to vector<1x16xf32>
        tpu.vector_store %arg13[%swap3A_1224, %swap3A_1225], %swap3A_1228 {strides = array<i32>} : memref<80x128xf32, #tpu.memory_space<vmem>>, vector<1x16xf32>,
        %get3A_1229 = arith.index_cast %add3A_1158 : i32 to index
        %get3A_1230 = arith.constant 112 : index
        %get3A_1231 = tpu.vector_load %arg13[%get3A_1229, %get3A_1230] {strides = array<i32>} : memref<80x128xf32, #tpu.memory_space<vmem>>, vector<1x16xf32>,
        %get3A_1232 = vector.shape_cast %get3A_1231 : vector<1x16xf32> to vector<16xf32>
        %mul3A_1233 = arith.mulf %get3A_1232, %gather3A_1154 : vector<16xf32>
        %swap3A_1234 = arith.index_cast %add3A_1158 : i32 to index
        %swap3A_1235 = arith.constant 112 : index
        %swap3A_1236 = tpu.vector_load %arg13[%swap3A_1234, %swap3A_1235] {strides = array<i32>} : memref<80x128xf32, #tpu.memory_space<vmem>>, vector<1x16xf32>,
        %swap3A_1237 = vector.shape_cast %swap3A_1236 : vector<1x16xf32> to vector<16xf32>
        %swap3A_1238 = vector.shape_cast %mul3A_1233 : vector<16xf32> to vector<1x16xf32>
        tpu.vector_store %arg13[%swap3A_1234, %swap3A_1235], %swap3A_1238 {strides = array<i32>} : memref<80x128xf32, #tpu.memory_space<vmem>>, vector<1x16xf32>,
        %broadcast_in_dim3A_1239 = arith.constant 13 : i32
        %broadcast_in_dim3A_1240 = vector.broadcast %broadcast_in_dim3A_1239 : i32 to vector<16xi32>
        %reshape3A_1241 = vector.shape_cast %broadcast_in_dim3A_1240 : vector<16xi32> to vector<16x1xi32>
        %gather3A_1242 = vector.shape_cast %reshape3A_1241 : vector<16x1xi32> to vector<16xi32>
        %gather3A_1243 = tpu.dynamic_gather %get3A_83[%gather3A_1242] in [0] : vector<16xf32>, vector<16xi32> -> vector<16xf32>
        %mul3A_1244 = arith.constant 16 : i32
        %mul3A_1245 = arith.muli %scan3A_79, %mul3A_1244 : i32
        %add3A_1246 = arith.constant 13 : i32
        %add3A_1247 = arith.addi %mul3A_1245, %add3A_1246 : i32
        %get3A_1248 = arith.index_cast %add3A_1247 : i32 to index
        %get3A_1249 = arith.constant 0 : index
        %get3A_1250 = tpu.vector_load %arg13[%get3A_1248, %get3A_1249] {strides = array<i32>} : memref<80x128xf32, #tpu.memory_space<vmem>>, vector<1x16xf32>,
        %get3A_1251 = vector.shape_cast %get3A_1250 : vector<1x16xf32> to vector<16xf32>
        %mul3A_1252 = arith.mulf %get3A_1251, %gather3A_1243 : vector<16xf32>
        %swap3A_1253 = arith.index_cast %add3A_1247 : i32 to index
        %swap3A_1254 = arith.constant 0 : index
        %swap3A_1255 = tpu.vector_load %arg13[%swap3A_1253, %swap3A_1254] {strides = array<i32>} : memref<80x128xf32, #tpu.memory_space<vmem>>, vector<1x16xf32>,
        %swap3A_1256 = vector.shape_cast %swap3A_1255 : vector<1x16xf32> to vector<16xf32>
        %swap3A_1257 = vector.shape_cast %mul3A_1252 : vector<16xf32> to vector<1x16xf32>
        tpu.vector_store %arg13[%swap3A_1253, %swap3A_1254], %swap3A_1257 {strides = array<i32>} : memref<80x128xf32, #tpu.memory_space<vmem>>, vector<1x16xf32>,
        %get3A_1258 = arith.index_cast %add3A_1247 : i32 to index
        %get3A_1259 = arith.constant 16 : index
        %get3A_1260 = tpu.vector_load %arg13[%get3A_1258, %get3A_1259] {strides = array<i32>} : memref<80x128xf32, #tpu.memory_space<vmem>>, vector<1x16xf32>,
        %get3A_1261 = vector.shape_cast %get3A_1260 : vector<1x16xf32> to vector<16xf32>
        %mul3A_1262 = arith.mulf %get3A_1261, %gather3A_1243 : vector<16xf32>
        %swap3A_1263 = arith.index_cast %add3A_1247 : i32 to index
        %swap3A_1264 = arith.constant 16 : index
        %swap3A_1265 = tpu.vector_load %arg13[%swap3A_1263, %swap3A_1264] {strides = array<i32>} : memref<80x128xf32, #tpu.memory_space<vmem>>, vector<1x16xf32>,
        %swap3A_1266 = vector.shape_cast %swap3A_1265 : vector<1x16xf32> to vector<16xf32>
        %swap3A_1267 = vector.shape_cast %mul3A_1262 : vector<16xf32> to vector<1x16xf32>
        tpu.vector_store %arg13[%swap3A_1263, %swap3A_1264], %swap3A_1267 {strides = array<i32>} : memref<80x128xf32, #tpu.memory_space<vmem>>, vector<1x16xf32>,
        %get3A_1268 = arith.index_cast %add3A_1247 : i32 to index
        %get3A_1269 = arith.constant 32 : index
        %get3A_1270 = tpu.vector_load %arg13[%get3A_1268, %get3A_1269] {strides = array<i32>} : memref<80x128xf32, #tpu.memory_space<vmem>>, vector<1x16xf32>,
        %get3A_1271 = vector.shape_cast %get3A_1270 : vector<1x16xf32> to vector<16xf32>
        %mul3A_1272 = arith.mulf %get3A_1271, %gather3A_1243 : vector<16xf32>
        %swap3A_1273 = arith.index_cast %add3A_1247 : i32 to index
        %swap3A_1274 = arith.constant 32 : index
        %swap3A_1275 = tpu.vector_load %arg13[%swap3A_1273, %swap3A_1274] {strides = array<i32>} : memref<80x128xf32, #tpu.memory_space<vmem>>, vector<1x16xf32>,
        %swap3A_1276 = vector.shape_cast %swap3A_1275 : vector<1x16xf32> to vector<16xf32>
        %swap3A_1277 = vector.shape_cast %mul3A_1272 : vector<16xf32> to vector<1x16xf32>
        tpu.vector_store %arg13[%swap3A_1273, %swap3A_1274], %swap3A_1277 {strides = array<i32>} : memref<80x128xf32, #tpu.memory_space<vmem>>, vector<1x16xf32>,
        %get3A_1278 = arith.index_cast %add3A_1247 : i32 to index
        %get3A_1279 = arith.constant 48 : index
        %get3A_1280 = tpu.vector_load %arg13[%get3A_1278, %get3A_1279] {strides = array<i32>} : memref<80x128xf32, #tpu.memory_space<vmem>>, vector<1x16xf32>,
        %get3A_1281 = vector.shape_cast %get3A_1280 : vector<1x16xf32> to vector<16xf32>
        %mul3A_1282 = arith.mulf %get3A_1281, %gather3A_1243 : vector<16xf32>
        %swap3A_1283 = arith.index_cast %add3A_1247 : i32 to index
        %swap3A_1284 = arith.constant 48 : index
        %swap3A_1285 = tpu.vector_load %arg13[%swap3A_1283, %swap3A_1284] {strides = array<i32>} : memref<80x128xf32, #tpu.memory_space<vmem>>, vector<1x16xf32>,
        %swap3A_1286 = vector.shape_cast %swap3A_1285 : vector<1x16xf32> to vector<16xf32>
        %swap3A_1287 = vector.shape_cast %mul3A_1282 : vector<16xf32> to vector<1x16xf32>
        tpu.vector_store %arg13[%swap3A_1283, %swap3A_1284], %swap3A_1287 {strides = array<i32>} : memref<80x128xf32, #tpu.memory_space<vmem>>, vector<1x16xf32>,
        %get3A_1288 = arith.index_cast %add3A_1247 : i32 to index
        %get3A_1289 = arith.constant 64 : index
        %get3A_1290 = tpu.vector_load %arg13[%get3A_1288, %get3A_1289] {strides = array<i32>} : memref<80x128xf32, #tpu.memory_space<vmem>>, vector<1x16xf32>,
        %get3A_1291 = vector.shape_cast %get3A_1290 : vector<1x16xf32> to vector<16xf32>
        %mul3A_1292 = arith.mulf %get3A_1291, %gather3A_1243 : vector<16xf32>
        %swap3A_1293 = arith.index_cast %add3A_1247 : i32 to index
        %swap3A_1294 = arith.constant 64 : index
        %swap3A_1295 = tpu.vector_load %arg13[%swap3A_1293, %swap3A_1294] {strides = array<i32>} : memref<80x128xf32, #tpu.memory_space<vmem>>, vector<1x16xf32>,
        %swap3A_1296 = vector.shape_cast %swap3A_1295 : vector<1x16xf32> to vector<16xf32>
        %swap3A_1297 = vector.shape_cast %mul3A_1292 : vector<16xf32> to vector<1x16xf32>
        tpu.vector_store %arg13[%swap3A_1293, %swap3A_1294], %swap3A_1297 {strides = array<i32>} : memref<80x128xf32, #tpu.memory_space<vmem>>, vector<1x16xf32>,
        %get3A_1298 = arith.index_cast %add3A_1247 : i32 to index
        %get3A_1299 = arith.constant 80 : index
        %get3A_1300 = tpu.vector_load %arg13[%get3A_1298, %get3A_1299] {strides = array<i32>} : memref<80x128xf32, #tpu.memory_space<vmem>>, vector<1x16xf32>,
        %get3A_1301 = vector.shape_cast %get3A_1300 : vector<1x16xf32> to vector<16xf32>
        %mul3A_1302 = arith.mulf %get3A_1301, %gather3A_1243 : vector<16xf32>
        %swap3A_1303 = arith.index_cast %add3A_1247 : i32 to index
        %swap3A_1304 = arith.constant 80 : index
        %swap3A_1305 = tpu.vector_load %arg13[%swap3A_1303, %swap3A_1304] {strides = array<i32>} : memref<80x128xf32, #tpu.memory_space<vmem>>, vector<1x16xf32>,
        %swap3A_1306 = vector.shape_cast %swap3A_1305 : vector<1x16xf32> to vector<16xf32>
        %swap3A_1307 = vector.shape_cast %mul3A_1302 : vector<16xf32> to vector<1x16xf32>
        tpu.vector_store %arg13[%swap3A_1303, %swap3A_1304], %swap3A_1307 {strides = array<i32>} : memref<80x128xf32, #tpu.memory_space<vmem>>, vector<1x16xf32>,
        %get3A_1308 = arith.index_cast %add3A_1247 : i32 to index
        %get3A_1309 = arith.constant 96 : index
        %get3A_1310 = tpu.vector_load %arg13[%get3A_1308, %get3A_1309] {strides = array<i32>} : memref<80x128xf32, #tpu.memory_space<vmem>>, vector<1x16xf32>,
        %get3A_1311 = vector.shape_cast %get3A_1310 : vector<1x16xf32> to vector<16xf32>
        %mul3A_1312 = arith.mulf %get3A_1311, %gather3A_1243 : vector<16xf32>
        %swap3A_1313 = arith.index_cast %add3A_1247 : i32 to index
        %swap3A_1314 = arith.constant 96 : index
        %swap3A_1315 = tpu.vector_load %arg13[%swap3A_1313, %swap3A_1314] {strides = array<i32>} : memref<80x128xf32, #tpu.memory_space<vmem>>, vector<1x16xf32>,
        %swap3A_1316 = vector.shape_cast %swap3A_1315 : vector<1x16xf32> to vector<16xf32>
        %swap3A_1317 = vector.shape_cast %mul3A_1312 : vector<16xf32> to vector<1x16xf32>
        tpu.vector_store %arg13[%swap3A_1313, %swap3A_1314], %swap3A_1317 {strides = array<i32>} : memref<80x128xf32, #tpu.memory_space<vmem>>, vector<1x16xf32>,
        %get3A_1318 = arith.index_cast %add3A_1247 : i32 to index
        %get3A_1319 = arith.constant 112 : index
        %get3A_1320 = tpu.vector_load %arg13[%get3A_1318, %get3A_1319] {strides = array<i32>} : memref<80x128xf32, #tpu.memory_space<vmem>>, vector<1x16xf32>,
        %get3A_1321 = vector.shape_cast %get3A_1320 : vector<1x16xf32> to vector<16xf32>
        %mul3A_1322 = arith.mulf %get3A_1321, %gather3A_1243 : vector<16xf32>
        %swap3A_1323 = arith.index_cast %add3A_1247 : i32 to index
        %swap3A_1324 = arith.constant 112 : index
        %swap3A_1325 = tpu.vector_load %arg13[%swap3A_1323, %swap3A_1324] {strides = array<i32>} : memref<80x128xf32, #tpu.memory_space<vmem>>, vector<1x16xf32>,
        %swap3A_1326 = vector.shape_cast %swap3A_1325 : vector<1x16xf32> to vector<16xf32>
        %swap3A_1327 = vector.shape_cast %mul3A_1322 : vector<16xf32> to vector<1x16xf32>
        tpu.vector_store %arg13[%swap3A_1323, %swap3A_1324], %swap3A_1327 {strides = array<i32>} : memref<80x128xf32, #tpu.memory_space<vmem>>, vector<1x16xf32>,
        %broadcast_in_dim3A_1328 = arith.constant 14 : i32
        %broadcast_in_dim3A_1329 = vector.broadcast %broadcast_in_dim3A_1328 : i32 to vector<16xi32>
        %reshape3A_1330 = vector.shape_cast %broadcast_in_dim3A_1329 : vector<16xi32> to vector<16x1xi32>
        %gather3A_1331 = vector.shape_cast %reshape3A_1330 : vector<16x1xi32> to vector<16xi32>
        %gather3A_1332 = tpu.dynamic_gather %get3A_83[%gather3A_1331] in [0] : vector<16xf32>, vector<16xi32> -> vector<16xf32>
        %mul3A_1333 = arith.constant 16 : i32
        %mul3A_1334 = arith.muli %scan3A_79, %mul3A_1333 : i32
        %add3A_1335 = arith.constant 14 : i32
        %add3A_1336 = arith.addi %mul3A_1334, %add3A_1335 : i32
        %get3A_1337 = arith.index_cast %add3A_1336 : i32 to index
        %get3A_1338 = arith.constant 0 : index
        %get3A_1339 = tpu.vector_load %arg13[%get3A_1337, %get3A_1338] {strides = array<i32>} : memref<80x128xf32, #tpu.memory_space<vmem>>, vector<1x16xf32>,
        %get3A_1340 = vector.shape_cast %get3A_1339 : vector<1x16xf32> to vector<16xf32>
        %mul3A_1341 = arith.mulf %get3A_1340, %gather3A_1332 : vector<16xf32>
        %swap3A_1342 = arith.index_cast %add3A_1336 : i32 to index
        %swap3A_1343 = arith.constant 0 : index
        %swap3A_1344 = tpu.vector_load %arg13[%swap3A_1342, %swap3A_1343] {strides = array<i32>} : memref<80x128xf32, #tpu.memory_space<vmem>>, vector<1x16xf32>,
        %swap3A_1345 = vector.shape_cast %swap3A_1344 : vector<1x16xf32> to vector<16xf32>
        %swap3A_1346 = vector.shape_cast %mul3A_1341 : vector<16xf32> to vector<1x16xf32>
        tpu.vector_store %arg13[%swap3A_1342, %swap3A_1343], %swap3A_1346 {strides = array<i32>} : memref<80x128xf32, #tpu.memory_space<vmem>>, vector<1x16xf32>,
        %get3A_1347 = arith.index_cast %add3A_1336 : i32 to index
        %get3A_1348 = arith.constant 16 : index
        %get3A_1349 = tpu.vector_load %arg13[%get3A_1347, %get3A_1348] {strides = array<i32>} : memref<80x128xf32, #tpu.memory_space<vmem>>, vector<1x16xf32>,
        %get3A_1350 = vector.shape_cast %get3A_1349 : vector<1x16xf32> to vector<16xf32>
        %mul3A_1351 = arith.mulf %get3A_1350, %gather3A_1332 : vector<16xf32>
        %swap3A_1352 = arith.index_cast %add3A_1336 : i32 to index
        %swap3A_1353 = arith.constant 16 : index
        %swap3A_1354 = tpu.vector_load %arg13[%swap3A_1352, %swap3A_1353] {strides = array<i32>} : memref<80x128xf32, #tpu.memory_space<vmem>>, vector<1x16xf32>,
        %swap3A_1355 = vector.shape_cast %swap3A_1354 : vector<1x16xf32> to vector<16xf32>
        %swap3A_1356 = vector.shape_cast %mul3A_1351 : vector<16xf32> to vector<1x16xf32>
        tpu.vector_store %arg13[%swap3A_1352, %swap3A_1353], %swap3A_1356 {strides = array<i32>} : memref<80x128xf32, #tpu.memory_space<vmem>>, vector<1x16xf32>,
        %get3A_1357 = arith.index_cast %add3A_1336 : i32 to index
        %get3A_1358 = arith.constant 32 : index
        %get3A_1359 = tpu.vector_load %arg13[%get3A_1357, %get3A_1358] {strides = array<i32>} : memref<80x128xf32, #tpu.memory_space<vmem>>, vector<1x16xf32>,
        %get3A_1360 = vector.shape_cast %get3A_1359 : vector<1x16xf32> to vector<16xf32>
        %mul3A_1361 = arith.mulf %get3A_1360, %gather3A_1332 : vector<16xf32>
        %swap3A_1362 = arith.index_cast %add3A_1336 : i32 to index
        %swap3A_1363 = arith.constant 32 : index
        %swap3A_1364 = tpu.vector_load %arg13[%swap3A_1362, %swap3A_1363] {strides = array<i32>} : memref<80x128xf32, #tpu.memory_space<vmem>>, vector<1x16xf32>,
        %swap3A_1365 = vector.shape_cast %swap3A_1364 : vector<1x16xf32> to vector<16xf32>
        %swap3A_1366 = vector.shape_cast %mul3A_1361 : vector<16xf32> to vector<1x16xf32>
        tpu.vector_store %arg13[%swap3A_1362, %swap3A_1363], %swap3A_1366 {strides = array<i32>} : memref<80x128xf32, #tpu.memory_space<vmem>>, vector<1x16xf32>,
        %get3A_1367 = arith.index_cast %add3A_1336 : i32 to index
        %get3A_1368 = arith.constant 48 : index
        %get3A_1369 = tpu.vector_load %arg13[%get3A_1367, %get3A_1368] {strides = array<i32>} : memref<80x128xf32, #tpu.memory_space<vmem>>, vector<1x16xf32>,
        %get3A_1370 = vector.shape_cast %get3A_1369 : vector<1x16xf32> to vector<16xf32>
        %mul3A_1371 = arith.mulf %get3A_1370, %gather3A_1332 : vector<16xf32>
        %swap3A_1372 = arith.index_cast %add3A_1336 : i32 to index
        %swap3A_1373 = arith.constant 48 : index
        %swap3A_1374 = tpu.vector_load %arg13[%swap3A_1372, %swap3A_1373] {strides = array<i32>} : memref<80x128xf32, #tpu.memory_space<vmem>>, vector<1x16xf32>,
        %swap3A_1375 = vector.shape_cast %swap3A_1374 : vector<1x16xf32> to vector<16xf32>
        %swap3A_1376 = vector.shape_cast %mul3A_1371 : vector<16xf32> to vector<1x16xf32>
        tpu.vector_store %arg13[%swap3A_1372, %swap3A_1373], %swap3A_1376 {strides = array<i32>} : memref<80x128xf32, #tpu.memory_space<vmem>>, vector<1x16xf32>,
        %get3A_1377 = arith.index_cast %add3A_1336 : i32 to index
        %get3A_1378 = arith.constant 64 : index
        %get3A_1379 = tpu.vector_load %arg13[%get3A_1377, %get3A_1378] {strides = array<i32>} : memref<80x128xf32, #tpu.memory_space<vmem>>, vector<1x16xf32>,
        %get3A_1380 = vector.shape_cast %get3A_1379 : vector<1x16xf32> to vector<16xf32>
        %mul3A_1381 = arith.mulf %get3A_1380, %gather3A_1332 : vector<16xf32>
        %swap3A_1382 = arith.index_cast %add3A_1336 : i32 to index
        %swap3A_1383 = arith.constant 64 : index
        %swap3A_1384 = tpu.vector_load %arg13[%swap3A_1382, %swap3A_1383] {strides = array<i32>} : memref<80x128xf32, #tpu.memory_space<vmem>>, vector<1x16xf32>,
        %swap3A_1385 = vector.shape_cast %swap3A_1384 : vector<1x16xf32> to vector<16xf32>
        %swap3A_1386 = vector.shape_cast %mul3A_1381 : vector<16xf32> to vector<1x16xf32>
        tpu.vector_store %arg13[%swap3A_1382, %swap3A_1383], %swap3A_1386 {strides = array<i32>} : memref<80x128xf32, #tpu.memory_space<vmem>>, vector<1x16xf32>,
        %get3A_1387 = arith.index_cast %add3A_1336 : i32 to index
        %get3A_1388 = arith.constant 80 : index
        %get3A_1389 = tpu.vector_load %arg13[%get3A_1387, %get3A_1388] {strides = array<i32>} : memref<80x128xf32, #tpu.memory_space<vmem>>, vector<1x16xf32>,
        %get3A_1390 = vector.shape_cast %get3A_1389 : vector<1x16xf32> to vector<16xf32>
        %mul3A_1391 = arith.mulf %get3A_1390, %gather3A_1332 : vector<16xf32>
        %swap3A_1392 = arith.index_cast %add3A_1336 : i32 to index
        %swap3A_1393 = arith.constant 80 : index
        %swap3A_1394 = tpu.vector_load %arg13[%swap3A_1392, %swap3A_1393] {strides = array<i32>} : memref<80x128xf32, #tpu.memory_space<vmem>>, vector<1x16xf32>,
        %swap3A_1395 = vector.shape_cast %swap3A_1394 : vector<1x16xf32> to vector<16xf32>
        %swap3A_1396 = vector.shape_cast %mul3A_1391 : vector<16xf32> to vector<1x16xf32>
        tpu.vector_store %arg13[%swap3A_1392, %swap3A_1393], %swap3A_1396 {strides = array<i32>} : memref<80x128xf32, #tpu.memory_space<vmem>>, vector<1x16xf32>,
        %get3A_1397 = arith.index_cast %add3A_1336 : i32 to index
        %get3A_1398 = arith.constant 96 : index
        %get3A_1399 = tpu.vector_load %arg13[%get3A_1397, %get3A_1398] {strides = array<i32>} : memref<80x128xf32, #tpu.memory_space<vmem>>, vector<1x16xf32>,
        %get3A_1400 = vector.shape_cast %get3A_1399 : vector<1x16xf32> to vector<16xf32>
        %mul3A_1401 = arith.mulf %get3A_1400, %gather3A_1332 : vector<16xf32>
        %swap3A_1402 = arith.index_cast %add3A_1336 : i32 to index
        %swap3A_1403 = arith.constant 96 : index
        %swap3A_1404 = tpu.vector_load %arg13[%swap3A_1402, %swap3A_1403] {strides = array<i32>} : memref<80x128xf32, #tpu.memory_space<vmem>>, vector<1x16xf32>,
        %swap3A_1405 = vector.shape_cast %swap3A_1404 : vector<1x16xf32> to vector<16xf32>
        %swap3A_1406 = vector.shape_cast %mul3A_1401 : vector<16xf32> to vector<1x16xf32>
        tpu.vector_store %arg13[%swap3A_1402, %swap3A_1403], %swap3A_1406 {strides = array<i32>} : memref<80x128xf32, #tpu.memory_space<vmem>>, vector<1x16xf32>,
        %get3A_1407 = arith.index_cast %add3A_1336 : i32 to index
        %get3A_1408 = arith.constant 112 : index
        %get3A_1409 = tpu.vector_load %arg13[%get3A_1407, %get3A_1408] {strides = array<i32>} : memref<80x128xf32, #tpu.memory_space<vmem>>, vector<1x16xf32>,
        %get3A_1410 = vector.shape_cast %get3A_1409 : vector<1x16xf32> to vector<16xf32>
        %mul3A_1411 = arith.mulf %get3A_1410, %gather3A_1332 : vector<16xf32>
        %swap3A_1412 = arith.index_cast %add3A_1336 : i32 to index
        %swap3A_1413 = arith.constant 112 : index
        %swap3A_1414 = tpu.vector_load %arg13[%swap3A_1412, %swap3A_1413] {strides = array<i32>} : memref<80x128xf32, #tpu.memory_space<vmem>>, vector<1x16xf32>,
        %swap3A_1415 = vector.shape_cast %swap3A_1414 : vector<1x16xf32> to vector<16xf32>
        %swap3A_1416 = vector.shape_cast %mul3A_1411 : vector<16xf32> to vector<1x16xf32>
        tpu.vector_store %arg13[%swap3A_1412, %swap3A_1413], %swap3A_1416 {strides = array<i32>} : memref<80x128xf32, #tpu.memory_space<vmem>>, vector<1x16xf32>,
        %broadcast_in_dim3A_1417 = arith.constant 15 : i32
        %broadcast_in_dim3A_1418 = vector.broadcast %broadcast_in_dim3A_1417 : i32 to vector<16xi32>
        %reshape3A_1419 = vector.shape_cast %broadcast_in_dim3A_1418 : vector<16xi32> to vector<16x1xi32>
        %gather3A_1420 = vector.shape_cast %reshape3A_1419 : vector<16x1xi32> to vector<16xi32>
        %gather3A_1421 = tpu.dynamic_gather %get3A_83[%gather3A_1420] in [0] : vector<16xf32>, vector<16xi32> -> vector<16xf32>
        %mul3A_1422 = arith.constant 16 : i32
        %mul3A_1423 = arith.muli %scan3A_79, %mul3A_1422 : i32
        %add3A_1424 = arith.constant 15 : i32
        %add3A_1425 = arith.addi %mul3A_1423, %add3A_1424 : i32
        %get3A_1426 = arith.index_cast %add3A_1425 : i32 to index
        %get3A_1427 = arith.constant 0 : index
        %get3A_1428 = tpu.vector_load %arg13[%get3A_1426, %get3A_1427] {strides = array<i32>} : memref<80x128xf32, #tpu.memory_space<vmem>>, vector<1x16xf32>,
        %get3A_1429 = vector.shape_cast %get3A_1428 : vector<1x16xf32> to vector<16xf32>
        %mul3A_1430 = arith.mulf %get3A_1429, %gather3A_1421 : vector<16xf32>
        %swap3A_1431 = arith.index_cast %add3A_1425 : i32 to index
        %swap3A_1432 = arith.constant 0 : index
        %swap3A_1433 = tpu.vector_load %arg13[%swap3A_1431, %swap3A_1432] {strides = array<i32>} : memref<80x128xf32, #tpu.memory_space<vmem>>, vector<1x16xf32>,
        %swap3A_1434 = vector.shape_cast %swap3A_1433 : vector<1x16xf32> to vector<16xf32>
        %swap3A_1435 = vector.shape_cast %mul3A_1430 : vector<16xf32> to vector<1x16xf32>
        tpu.vector_store %arg13[%swap3A_1431, %swap3A_1432], %swap3A_1435 {strides = array<i32>} : memref<80x128xf32, #tpu.memory_space<vmem>>, vector<1x16xf32>,
        %get3A_1436 = arith.index_cast %add3A_1425 : i32 to index
        %get3A_1437 = arith.constant 16 : index
        %get3A_1438 = tpu.vector_load %arg13[%get3A_1436, %get3A_1437] {strides = array<i32>} : memref<80x128xf32, #tpu.memory_space<vmem>>, vector<1x16xf32>,
        %get3A_1439 = vector.shape_cast %get3A_1438 : vector<1x16xf32> to vector<16xf32>
        %mul3A_1440 = arith.mulf %get3A_1439, %gather3A_1421 : vector<16xf32>
        %swap3A_1441 = arith.index_cast %add3A_1425 : i32 to index
        %swap3A_1442 = arith.constant 16 : index
        %swap3A_1443 = tpu.vector_load %arg13[%swap3A_1441, %swap3A_1442] {strides = array<i32>} : memref<80x128xf32, #tpu.memory_space<vmem>>, vector<1x16xf32>,
        %swap3A_1444 = vector.shape_cast %swap3A_1443 : vector<1x16xf32> to vector<16xf32>
        %swap3A_1445 = vector.shape_cast %mul3A_1440 : vector<16xf32> to vector<1x16xf32>
        tpu.vector_store %arg13[%swap3A_1441, %swap3A_1442], %swap3A_1445 {strides = array<i32>} : memref<80x128xf32, #tpu.memory_space<vmem>>, vector<1x16xf32>,
        %get3A_1446 = arith.index_cast %add3A_1425 : i32 to index
        %get3A_1447 = arith.constant 32 : index
        %get3A_1448 = tpu.vector_load %arg13[%get3A_1446, %get3A_1447] {strides = array<i32>} : memref<80x128xf32, #tpu.memory_space<vmem>>, vector<1x16xf32>,
        %get3A_1449 = vector.shape_cast %get3A_1448 : vector<1x16xf32> to vector<16xf32>
        %mul3A_1450 = arith.mulf %get3A_1449, %gather3A_1421 : vector<16xf32>
        %swap3A_1451 = arith.index_cast %add3A_1425 : i32 to index
        %swap3A_1452 = arith.constant 32 : index
        %swap3A_1453 = tpu.vector_load %arg13[%swap3A_1451, %swap3A_1452] {strides = array<i32>} : memref<80x128xf32, #tpu.memory_space<vmem>>, vector<1x16xf32>,
        %swap3A_1454 = vector.shape_cast %swap3A_1453 : vector<1x16xf32> to vector<16xf32>
        %swap3A_1455 = vector.shape_cast %mul3A_1450 : vector<16xf32> to vector<1x16xf32>
        tpu.vector_store %arg13[%swap3A_1451, %swap3A_1452], %swap3A_1455 {strides = array<i32>} : memref<80x128xf32, #tpu.memory_space<vmem>>, vector<1x16xf32>,
        %get3A_1456 = arith.index_cast %add3A_1425 : i32 to index
        %get3A_1457 = arith.constant 48 : index
        %get3A_1458 = tpu.vector_load %arg13[%get3A_1456, %get3A_1457] {strides = array<i32>} : memref<80x128xf32, #tpu.memory_space<vmem>>, vector<1x16xf32>,
        %get3A_1459 = vector.shape_cast %get3A_1458 : vector<1x16xf32> to vector<16xf32>
        %mul3A_1460 = arith.mulf %get3A_1459, %gather3A_1421 : vector<16xf32>
        %swap3A_1461 = arith.index_cast %add3A_1425 : i32 to index
        %swap3A_1462 = arith.constant 48 : index
        %swap3A_1463 = tpu.vector_load %arg13[%swap3A_1461, %swap3A_1462] {strides = array<i32>} : memref<80x128xf32, #tpu.memory_space<vmem>>, vector<1x16xf32>,
        %swap3A_1464 = vector.shape_cast %swap3A_1463 : vector<1x16xf32> to vector<16xf32>
        %swap3A_1465 = vector.shape_cast %mul3A_1460 : vector<16xf32> to vector<1x16xf32>
        tpu.vector_store %arg13[%swap3A_1461, %swap3A_1462], %swap3A_1465 {strides = array<i32>} : memref<80x128xf32, #tpu.memory_space<vmem>>, vector<1x16xf32>,
        %get3A_1466 = arith.index_cast %add3A_1425 : i32 to index
        %get3A_1467 = arith.constant 64 : index
        %get3A_1468 = tpu.vector_load %arg13[%get3A_1466, %get3A_1467] {strides = array<i32>} : memref<80x128xf32, #tpu.memory_space<vmem>>, vector<1x16xf32>,
        %get3A_1469 = vector.shape_cast %get3A_1468 : vector<1x16xf32> to vector<16xf32>
        %mul3A_1470 = arith.mulf %get3A_1469, %gather3A_1421 : vector<16xf32>
        %swap3A_1471 = arith.index_cast %add3A_1425 : i32 to index
        %swap3A_1472 = arith.constant 64 : index
        %swap3A_1473 = tpu.vector_load %arg13[%swap3A_1471, %swap3A_1472] {strides = array<i32>} : memref<80x128xf32, #tpu.memory_space<vmem>>, vector<1x16xf32>,
        %swap3A_1474 = vector.shape_cast %swap3A_1473 : vector<1x16xf32> to vector<16xf32>
        %swap3A_1475 = vector.shape_cast %mul3A_1470 : vector<16xf32> to vector<1x16xf32>
        tpu.vector_store %arg13[%swap3A_1471, %swap3A_1472], %swap3A_1475 {strides = array<i32>} : memref<80x128xf32, #tpu.memory_space<vmem>>, vector<1x16xf32>,
        %get3A_1476 = arith.index_cast %add3A_1425 : i32 to index
        %get3A_1477 = arith.constant 80 : index
        %get3A_1478 = tpu.vector_load %arg13[%get3A_1476, %get3A_1477] {strides = array<i32>} : memref<80x128xf32, #tpu.memory_space<vmem>>, vector<1x16xf32>,
        %get3A_1479 = vector.shape_cast %get3A_1478 : vector<1x16xf32> to vector<16xf32>
        %mul3A_1480 = arith.mulf %get3A_1479, %gather3A_1421 : vector<16xf32>
        %swap3A_1481 = arith.index_cast %add3A_1425 : i32 to index
        %swap3A_1482 = arith.constant 80 : index
        %swap3A_1483 = tpu.vector_load %arg13[%swap3A_1481, %swap3A_1482] {strides = array<i32>} : memref<80x128xf32, #tpu.memory_space<vmem>>, vector<1x16xf32>,
        %swap3A_1484 = vector.shape_cast %swap3A_1483 : vector<1x16xf32> to vector<16xf32>
        %swap3A_1485 = vector.shape_cast %mul3A_1480 : vector<16xf32> to vector<1x16xf32>
        tpu.vector_store %arg13[%swap3A_1481, %swap3A_1482], %swap3A_1485 {strides = array<i32>} : memref<80x128xf32, #tpu.memory_space<vmem>>, vector<1x16xf32>,
        %get3A_1486 = arith.index_cast %add3A_1425 : i32 to index
        %get3A_1487 = arith.constant 96 : index
        %get3A_1488 = tpu.vector_load %arg13[%get3A_1486, %get3A_1487] {strides = array<i32>} : memref<80x128xf32, #tpu.memory_space<vmem>>, vector<1x16xf32>,
        %get3A_1489 = vector.shape_cast %get3A_1488 : vector<1x16xf32> to vector<16xf32>
        %mul3A_1490 = arith.mulf %get3A_1489, %gather3A_1421 : vector<16xf32>
        %swap3A_1491 = arith.index_cast %add3A_1425 : i32 to index
        %swap3A_1492 = arith.constant 96 : index
        %swap3A_1493 = tpu.vector_load %arg13[%swap3A_1491, %swap3A_1492] {strides = array<i32>} : memref<80x128xf32, #tpu.memory_space<vmem>>, vector<1x16xf32>,
        %swap3A_1494 = vector.shape_cast %swap3A_1493 : vector<1x16xf32> to vector<16xf32>
        %swap3A_1495 = vector.shape_cast %mul3A_1490 : vector<16xf32> to vector<1x16xf32>
        tpu.vector_store %arg13[%swap3A_1491, %swap3A_1492], %swap3A_1495 {strides = array<i32>} : memref<80x128xf32, #tpu.memory_space<vmem>>, vector<1x16xf32>,
        %get3A_1496 = arith.index_cast %add3A_1425 : i32 to index
        %get3A_1497 = arith.constant 112 : index
        %get3A_1498 = tpu.vector_load %arg13[%get3A_1496, %get3A_1497] {strides = array<i32>} : memref<80x128xf32, #tpu.memory_space<vmem>>, vector<1x16xf32>,
        %get3A_1499 = vector.shape_cast %get3A_1498 : vector<1x16xf32> to vector<16xf32>
        %mul3A_1500 = arith.mulf %get3A_1499, %gather3A_1421 : vector<16xf32>
        %swap3A_1501 = arith.index_cast %add3A_1425 : i32 to index
        %swap3A_1502 = arith.constant 112 : index
        %swap3A_1503 = tpu.vector_load %arg13[%swap3A_1501, %swap3A_1502] {strides = array<i32>} : memref<80x128xf32, #tpu.memory_space<vmem>>, vector<1x16xf32>,
        %swap3A_1504 = vector.shape_cast %swap3A_1503 : vector<1x16xf32> to vector<16xf32>
        %swap3A_1505 = vector.shape_cast %mul3A_1500 : vector<16xf32> to vector<1x16xf32>
        tpu.vector_store %arg13[%swap3A_1501, %swap3A_1502], %swap3A_1505 {strides = array<i32>} : memref<80x128xf32, #tpu.memory_space<vmem>>, vector<1x16xf32>,
      }
      %scan3A_78 = arith.constant 5 : i32
      "tpu.region"() ({
        %run_scoped3A = tpu.sem_alloc : memref<!tpu.dma_semaphore, #tpu.memory_space<semaphore_mem>>
        %dma_start3A = arith.constant 0 : i32
        %dma_start3A_79 = arith.constant 0 : i32
        %dma_start3A_80 = tpu.memref_slice %arg14[%dma_start3A, %dma_start3A_79] : memref<10000x128xf32, #tpu.memory_space<vmem_shared>> -> memref<10000x128xf32, #tpu.memory_space<vmem_shared>>
        tpu.enqueue_indirect_dma source(%arg13 : memref<80x128xf32, #tpu.memory_space<vmem>>) target(%dma_start3A_80 : memref<10000x128xf32, #tpu.memory_space<vmem_shared>>) offsets(%arg9 : memref<80xi32, #tpu.memory_space<vmem>>) semaphore(%run_scoped3A : memref<!tpu.dma_semaphore, #tpu.memory_space<semaphore_mem>>) {add = true}
        %dma_wait3A = arith.constant 0 : i32
        %dma_wait3A_81 = arith.constant 0 : i32
        %dma_wait3A_82 = tpu.memref_slice %arg14[%dma_wait3A, %dma_wait3A_81] : memref<10000x128xf32, #tpu.memory_space<vmem_shared>> -> memref<10000x128xf32, #tpu.memory_space<vmem_shared>>
        tpu.wait_indirect_dma semaphore(%run_scoped3A : memref<!tpu.dma_semaphore, #tpu.memory_space<semaphore_mem>>) src(%arg13 : memref<80x128xf32, #tpu.memory_space<vmem>>) dst(%dma_wait3A_82 : memref<10000x128xf32, #tpu.memory_space<vmem_shared>>)
        tpu.yield
      }) : () -> ()
      "tpu.region"() ({
        %run_scoped3A = tpu.sem_alloc : memref<!tpu.dma_semaphore, #tpu.memory_space<semaphore_mem>>
        %dma_start3A = arith.constant 0 : i32
        %dma_start3A_79 = tpu.memref_slice %arg15[%dma_start3A] : memref<10000xf32, #tpu.memory_space<vmem_shared>> -> memref<10000xf32, #tpu.memory_space<vmem_shared>>
        tpu.enqueue_indirect_dma source(%arg11 : memref<80xf32, #tpu.memory_space<vmem>>) target(%dma_start3A_79 : memref<10000xf32, #tpu.memory_space<vmem_shared>>) offsets(%arg9 : memref<80xi32, #tpu.memory_space<vmem>>) semaphore(%run_scoped3A : memref<!tpu.dma_semaphore, #tpu.memory_space<semaphore_mem>>) {add = true}
        %dma_wait3A = arith.constant 0 : i32
        %dma_wait3A_80 = tpu.memref_slice %arg15[%dma_wait3A] : memref<10000xf32, #tpu.memory_space<vmem_shared>> -> memref<10000xf32, #tpu.memory_space<vmem_shared>>
        tpu.wait_indirect_dma semaphore(%run_scoped3A : memref<!tpu.dma_semaphore, #tpu.memory_space<semaphore_mem>>) src(%arg11 : memref<80xf32, #tpu.memory_space<vmem>>) dst(%dma_wait3A_80 : memref<10000xf32, #tpu.memory_space<vmem_shared>>)
        tpu.yield
      }) : () -> ()
    }
    %scan3A_61 = arith.constant 125 : i32
    %barrier3A_62 = arith.constant 0 : index
    tpu.barrier barrier_id(%barrier3A_62)
    %scan3A_63 = arith.constant 0 : i32
    %scan3A_64 = arith.constant 0 : i32
    %scan3A_65 = arith.constant 8 : i32
    %scan3A_66 = arith.addi %scan3A_64, %scan3A_65 : i32
    %scan3A_67 = arith.constant 1 : i32
    scf.for %scan3A_69 = %scan3A_64 to %scan3A_66 step %scan3A_67  : i32 {
      %mul3A_70 = arith.constant 16 : i32
      %mul3A_71 = arith.muli %mul3A_70, %scan3A_69 : i32
      %add3A_72 = arith.addi %arg1, %mul3A_71 : i32
      %lt3A = arith.constant 125 : i32
      %lt3A_73 = arith.cmpi slt, %add3A_72, %lt3A : i32
      %convert_element_type3A = arith.extui %lt3A_73 : i1 to i32
      %cond3A = arith.constant 0 : i32
      %cond3A_74 = arith.cmpi ne, %convert_element_type3A, %cond3A : i32
      scf.if %cond3A_74 {
        %mul3A_75 = arith.constant 80 : i32
        %mul3A_76 = arith.muli %add3A_72, %mul3A_75 : i32
        "tpu.region"() ({
          %run_scoped3A = tpu.sem_alloc : memref<!tpu.dma_semaphore, #tpu.memory_space<semaphore_mem>>
          %dma_start3A = arith.constant 0 : i32
          %dma_start3A_80 = tpu.memref_slice %arg14[%mul3A_76, %dma_start3A] : memref<10000x128xf32, #tpu.memory_space<vmem_shared>> -> memref<80x128xf32, #tpu.memory_space<vmem_shared>>
          %dma_start3A_81 = arith.constant 0 : i32
          %dma_start3A_82 = tpu.memref_slice %arg14[%mul3A_76, %dma_start3A_81] : memref<10000x128xf32, #tpu.memory_space<vmem_shared>> -> memref<80x128xf32, #tpu.memory_space<vmem_shared>>
          tpu.enqueue_dma source(%dma_start3A_82 : memref<80x128xf32, #tpu.memory_space<vmem_shared>>) target(%arg13 : memref<80x128xf32, #tpu.memory_space<vmem>>) target_semaphore(%run_scoped3A : memref<!tpu.dma_semaphore, #tpu.memory_space<semaphore_mem>>)
          %dma_wait3A = arith.constant 0 : i32
          %dma_wait3A_83 = tpu.memref_slice %arg14[%mul3A_76, %dma_wait3A] : memref<10000x128xf32, #tpu.memory_space<vmem_shared>> -> memref<80x128xf32, #tpu.memory_space<vmem_shared>>
          %dma_wait3A_84 = arith.constant 0 : i32
          %dma_wait3A_85 = tpu.memref_slice %arg14[%mul3A_76, %dma_wait3A_84] : memref<10000x128xf32, #tpu.memory_space<vmem_shared>> -> memref<80x128xf32, #tpu.memory_space<vmem_shared>>
          tpu.wait_dma2 semaphore(%run_scoped3A : memref<!tpu.dma_semaphore, #tpu.memory_space<semaphore_mem>>) src(%dma_wait3A_85 : memref<80x128xf32, #tpu.memory_space<vmem_shared>>) dst(%arg13 : memref<80x128xf32, #tpu.memory_space<vmem>>)
          tpu.yield
        }) : () -> ()
        "tpu.region"() ({
          %run_scoped3A = tpu.sem_alloc : memref<!tpu.dma_semaphore, #tpu.memory_space<semaphore_mem>>
          %dma_start3A = arith.constant 0 : i32
          %dma_start3A_80 = tpu.memref_slice %arg6[%arg0, %mul3A_76, %dma_start3A] : memref<2x10000x128xf32, #tpu.memory_space<hbm>> -> memref<1x80x128xf32, #tpu.memory_space<hbm>>
          %dma_start3A_81 = tpu.memref_squeeze %dma_start3A_80 : memref<1x80x128xf32, #tpu.memory_space<hbm>> -> memref<80x128xf32, #tpu.memory_space<hbm>>
          %dma_start3A_82 = arith.constant 0 : i32
          %dma_start3A_83 = tpu.memref_slice %arg6[%arg0, %mul3A_76, %dma_start3A_82] : memref<2x10000x128xf32, #tpu.memory_space<hbm>> -> memref<1x80x128xf32, #tpu.memory_space<hbm>>
          %dma_start3A_84 = tpu.memref_squeeze %dma_start3A_83 : memref<1x80x128xf32, #tpu.memory_space<hbm>> -> memref<80x128xf32, #tpu.memory_space<hbm>>
          tpu.enqueue_dma source(%arg13 : memref<80x128xf32, #tpu.memory_space<vmem>>) target(%dma_start3A_84 : memref<80x128xf32, #tpu.memory_space<hbm>>) target_semaphore(%run_scoped3A : memref<!tpu.dma_semaphore, #tpu.memory_space<semaphore_mem>>)
          %dma_wait3A = arith.constant 0 : i32
          %dma_wait3A_85 = tpu.memref_slice %arg6[%arg0, %mul3A_76, %dma_wait3A] : memref<2x10000x128xf32, #tpu.memory_space<hbm>> -> memref<1x80x128xf32, #tpu.memory_space<hbm>>
          %dma_wait3A_86 = tpu.memref_squeeze %dma_wait3A_85 : memref<1x80x128xf32, #tpu.memory_space<hbm>> -> memref<80x128xf32, #tpu.memory_space<hbm>>
          %dma_wait3A_87 = arith.constant 0 : i32
          %dma_wait3A_88 = tpu.memref_slice %arg6[%arg0, %mul3A_76, %dma_wait3A_87] : memref<2x10000x128xf32, #tpu.memory_space<hbm>> -> memref<1x80x128xf32, #tpu.memory_space<hbm>>
          %dma_wait3A_89 = tpu.memref_squeeze %dma_wait3A_88 : memref<1x80x128xf32, #tpu.memory_space<hbm>> -> memref<80x128xf32, #tpu.memory_space<hbm>>
          tpu.wait_dma2 semaphore(%run_scoped3A : memref<!tpu.dma_semaphore, #tpu.memory_space<semaphore_mem>>) src(%arg13 : memref<80x128xf32, #tpu.memory_space<vmem>>) dst(%dma_wait3A_89 : memref<80x128xf32, #tpu.memory_space<hbm>>)
          tpu.yield
        }) : () -> ()
        "tpu.region"() ({
          %run_scoped3A = tpu.sem_alloc : memref<!tpu.dma_semaphore, #tpu.memory_space<semaphore_mem>>
          %dma_start3A = tpu.memref_slice %arg15[%mul3A_76] : memref<10000xf32, #tpu.memory_space<vmem_shared>> -> memref<80xf32, #tpu.memory_space<vmem_shared>>
          %dma_start3A_80 = tpu.memref_slice %arg15[%mul3A_76] : memref<10000xf32, #tpu.memory_space<vmem_shared>> -> memref<80xf32, #tpu.memory_space<vmem_shared>>
          tpu.enqueue_dma source(%dma_start3A_80 : memref<80xf32, #tpu.memory_space<vmem_shared>>) target(%arg12 : memref<80xf32, #tpu.memory_space<vmem>>) target_semaphore(%run_scoped3A : memref<!tpu.dma_semaphore, #tpu.memory_space<semaphore_mem>>)
          %dma_wait3A = tpu.memref_slice %arg15[%mul3A_76] : memref<10000xf32, #tpu.memory_space<vmem_shared>> -> memref<80xf32, #tpu.memory_space<vmem_shared>>
          %dma_wait3A_81 = tpu.memref_slice %arg15[%mul3A_76] : memref<10000xf32, #tpu.memory_space<vmem_shared>> -> memref<80xf32, #tpu.memory_space<vmem_shared>>
          tpu.wait_dma2 semaphore(%run_scoped3A : memref<!tpu.dma_semaphore, #tpu.memory_space<semaphore_mem>>) src(%dma_wait3A_81 : memref<80xf32, #tpu.memory_space<vmem_shared>>) dst(%arg12 : memref<80xf32, #tpu.memory_space<vmem>>)
          tpu.yield
        }) : () -> ()
        %mul3A_77 = arith.constant 10000 : i32
        %mul3A_78 = arith.muli %arg0, %mul3A_77 : i32
        %add3A_79 = arith.addi %mul3A_78, %mul3A_76 : i32
        "tpu.region"() ({
          %run_scoped3A = tpu.sem_alloc : memref<!tpu.dma_semaphore, #tpu.memory_space<semaphore_mem>>
          %dma_start3A = tpu.memref_slice %arg7[%add3A_79] : memref<20000xf32, #tpu.memory_space<hbm>> -> memref<80xf32, #tpu.memory_space<hbm>>
          %dma_start3A_80 = tpu.memref_slice %arg7[%add3A_79] : memref<20000xf32, #tpu.memory_space<hbm>> -> memref<80xf32, #tpu.memory_space<hbm>>
          tpu.enqueue_dma source(%arg12 : memref<80xf32, #tpu.memory_space<vmem>>) target(%dma_start3A_80 : memref<80xf32, #tpu.memory_space<hbm>>) target_semaphore(%run_scoped3A : memref<!tpu.dma_semaphore, #tpu.memory_space<semaphore_mem>>)
          %dma_wait3A = tpu.memref_slice %arg7[%add3A_79] : memref<20000xf32, #tpu.memory_space<hbm>> -> memref<80xf32, #tpu.memory_space<hbm>>
          %dma_wait3A_81 = tpu.memref_slice %arg7[%add3A_79] : memref<20000xf32, #tpu.memory_space<hbm>> -> memref<80xf32, #tpu.memory_space<hbm>>
          tpu.wait_dma2 semaphore(%run_scoped3A : memref<!tpu.dma_semaphore, #tpu.memory_space<semaphore_mem>>) src(%arg12 : memref<80xf32, #tpu.memory_space<vmem>>) dst(%dma_wait3A_81 : memref<80xf32, #tpu.memory_space<hbm>>)
          tpu.yield
        }) : () -> ()
      } else {
      }
    }
    %scan3A_68 = arith.constant 8 : i32
    return
  }
}

module attributes {stable_mosaic.version = 14 : i64} {
  func.func @_gate_body(%arg0: i32, %arg1: memref<8000x4xf32, #tpu.memory_space<vmem>>, %arg2: memref<4x128xf32, #tpu.memory_space<vmem>>, %arg3: memref<1x128xf32, #tpu.memory_space<vmem>>, %arg4: memref<128x1xf32, #tpu.memory_space<vmem>>, %arg5: memref<1x1xf32, #tpu.memory_space<vmem>>, %arg6: memref<8000x1xf32, #tpu.memory_space<vmem>>) attributes {dimension_semantics = [#tpu.dimension_semantics<arbitrary>], iteration_bounds = array<i64: 40>, scalar_prefetch = 0 : i64, scratch_operands = 0 : i64, tpu.core_type = #tpu.core_type<tc>, window_params = [{transform_indices = @transform_0, window_bounds = array<i64: 8000, 4>}, {pipeline_mode = #tpu.pipeline_mode<synchronous>, transform_indices = @transform_1, window_bounds = array<i64: 4, 128>}, {pipeline_mode = #tpu.pipeline_mode<synchronous>, transform_indices = @transform_2, window_bounds = array<i64: 1, 128>}, {pipeline_mode = #tpu.pipeline_mode<synchronous>, transform_indices = @transform_3, window_bounds = array<i64: 128, 1>}, {pipeline_mode = #tpu.pipeline_mode<synchronous>, transform_indices = @transform_4, window_bounds = array<i64: 1, 1>}, {transform_indices = @transform_5, window_bounds = array<i64: 8000, 1>}]} {
    %get3A = arith.constant 0 : index
    %get3A_0 = arith.constant 0 : index
    %get3A_1 = vector.load %arg1[%get3A, %get3A_0] : memref<8000x4xf32, #tpu.memory_space<vmem>>, vector<8000x4xf32>
    %get3A_2 = arith.constant 0 : index
    %get3A_3 = arith.constant 0 : index
    %get3A_4 = vector.load %arg2[%get3A_2, %get3A_3] : memref<4x128xf32, #tpu.memory_space<vmem>>, vector<4x128xf32>
    %dot_general3A = arith.constant dense<0.000000e+00> : vector<8000x128xf32>
    %dot_general3A_5 = tpu.matmul %get3A_1, %get3A_4, %dot_general3A {dimension_numbers = #tpu.dot_dimension_numbers<[1], [0], [0], [1], [0, 0, 1, 1], [], []>, precision = #tpu.contract_precision<fp32>, transpose_lhs_hint = false} : vector<8000x4xf32>, vector<4x128xf32>, vector<8000x128xf32> -> vector<8000x128xf32>
    %get3A_6 = arith.constant 0 : index
    %get3A_7 = arith.constant 0 : index
    %get3A_8 = vector.load %arg3[%get3A_6, %get3A_7] : memref<1x128xf32, #tpu.memory_space<vmem>>, vector<1x128xf32>
    %add3A = vector.broadcast %get3A_8 : vector<1x128xf32> to vector<8000x128xf32>
    %add3A_9 = arith.addf %dot_general3A_5, %add3A : vector<8000x128xf32>
    %logistic3A = arith.negf %add3A_9 : vector<8000x128xf32>
    %logistic3A_10 = math.exp %logistic3A : vector<8000x128xf32>
    %logistic3A_11 = arith.constant 1.000000e+00 : f32
    %logistic3A_12 = vector.broadcast %logistic3A_11 : f32 to vector<8000x128xf32>
    %logistic3A_13 = arith.addf %logistic3A_12, %logistic3A_10 : vector<8000x128xf32>
    %logistic3A_14 = arith.divf %logistic3A_12, %logistic3A_13 : vector<8000x128xf32>
    %mul3A = arith.mulf %add3A_9, %logistic3A_14 : vector<8000x128xf32>
    %get3A_15 = arith.constant 0 : index
    %get3A_16 = arith.constant 0 : index
    %get3A_17 = vector.load %arg4[%get3A_15, %get3A_16] : memref<128x1xf32, #tpu.memory_space<vmem>>, vector<128x1xf32>
    %dot_general3A_18 = arith.constant dense<0.000000e+00> : vector<8000x1xf32>
    %dot_general3A_19 = tpu.matmul %mul3A, %get3A_17, %dot_general3A_18 {dimension_numbers = #tpu.dot_dimension_numbers<[1], [0], [0], [1], [0, 0, 1, 1], [], []>, precision = #tpu.contract_precision<fp32>, transpose_lhs_hint = false} : vector<8000x128xf32>, vector<128x1xf32>, vector<8000x1xf32> -> vector<8000x1xf32>
    %get3A_20 = arith.constant 0 : index
    %get3A_21 = arith.constant 0 : index
    %get3A_22 = vector.load %arg5[%get3A_20, %get3A_21] : memref<1x1xf32, #tpu.memory_space<vmem>>, vector<1x1xf32>
    %add3A_23 = vector.broadcast %get3A_22 : vector<1x1xf32> to vector<8000x1xf32>
    %add3A_24 = arith.addf %dot_general3A_19, %add3A_23 : vector<8000x1xf32>
    %logistic3A_25 = arith.negf %add3A_24 : vector<8000x1xf32>
    %logistic3A_26 = math.exp %logistic3A_25 : vector<8000x1xf32>
    %logistic3A_27 = arith.constant 1.000000e+00 : f32
    %logistic3A_28 = vector.broadcast %logistic3A_27 : f32 to vector<8000x1xf32>
    %logistic3A_29 = arith.addf %logistic3A_28, %logistic3A_26 : vector<8000x1xf32>
    %logistic3A_30 = arith.divf %logistic3A_28, %logistic3A_29 : vector<8000x1xf32>
    %swap3A = arith.constant 0 : index
    %swap3A_31 = arith.constant 0 : index
    %swap3A_32 = vector.load %arg6[%swap3A, %swap3A_31] : memref<8000x1xf32, #tpu.memory_space<vmem>>, vector<8000x1xf32>
    tpu.vector_store %arg6[%swap3A, %swap3A_31], %logistic3A_30 {strides = array<i32>} : memref<8000x1xf32, #tpu.memory_space<vmem>>, vector<8000x1xf32>,
    return
  }
  func.func @transform_0(%arg0: i32) -> (i32, i32) {
    %c0_i32 = arith.constant 0 : i32
    %c0_i32_0 = arith.constant 0 : i32
    return %arg0, %c0_i32 : i32, i32
  }
  func.func @transform_1(%arg0: i32) -> (i32, i32) {
    %c0_i32 = arith.constant 0 : i32
    %c0_i32_0 = arith.constant 0 : i32
    %c0_i32_1 = arith.constant 0 : i32
    return %c0_i32, %c0_i32_0 : i32, i32
  }
  func.func @transform_2(%arg0: i32) -> (i32, i32) {
    %c0_i32 = arith.constant 0 : i32
    %c0_i32_0 = arith.constant 0 : i32
    %c0_i32_1 = arith.constant 0 : i32
    return %c0_i32, %c0_i32_0 : i32, i32
  }
  func.func @transform_3(%arg0: i32) -> (i32, i32) {
    %c0_i32 = arith.constant 0 : i32
    %c0_i32_0 = arith.constant 0 : i32
    %c0_i32_1 = arith.constant 0 : i32
    return %c0_i32, %c0_i32_0 : i32, i32
  }
  func.func @transform_4(%arg0: i32) -> (i32, i32) {
    %c0_i32 = arith.constant 0 : i32
    %c0_i32_0 = arith.constant 0 : i32
    %c0_i32_1 = arith.constant 0 : i32
    return %c0_i32, %c0_i32_0 : i32, i32
  }
  func.func @transform_5(%arg0: i32) -> (i32, i32) {
    %c0_i32 = arith.constant 0 : i32
    %c0_i32_0 = arith.constant 0 : i32
    return %arg0, %c0_i32 : i32, i32
  }
}

module attributes {stable_mosaic.version = 14 : i64} {
  func.func @_table_body(%arg0: i32, %arg1: memref<2000x128xf32, #tpu.memory_space<vmem>>, %arg2: memref<128x128xf32, #tpu.memory_space<vmem>>, %arg3: memref<1x128xf32, #tpu.memory_space<vmem>>, %arg4: memref<2000x128xf32, #tpu.memory_space<vmem>>) attributes {dimension_semantics = [#tpu.dimension_semantics<arbitrary>], iteration_bounds = array<i64: 5>, scalar_prefetch = 0 : i64, scratch_operands = 0 : i64, tpu.core_type = #tpu.core_type<tc>, window_params = [{transform_indices = @transform_0, window_bounds = array<i64: 2000, 128>}, {pipeline_mode = #tpu.pipeline_mode<synchronous>, transform_indices = @transform_1, window_bounds = array<i64: 128, 128>}, {pipeline_mode = #tpu.pipeline_mode<synchronous>, transform_indices = @transform_2, window_bounds = array<i64: 1, 128>}, {transform_indices = @transform_3, window_bounds = array<i64: 2000, 128>}]} {
    %get3A = arith.constant 0 : index
    %get3A_0 = arith.constant 0 : index
    %get3A_1 = vector.load %arg1[%get3A, %get3A_0] : memref<2000x128xf32, #tpu.memory_space<vmem>>, vector<2000x128xf32>
    %get3A_2 = arith.constant 0 : index
    %get3A_3 = arith.constant 0 : index
    %get3A_4 = vector.load %arg2[%get3A_2, %get3A_3] : memref<128x128xf32, #tpu.memory_space<vmem>>, vector<128x128xf32>
    %dot_general3A = arith.constant dense<0.000000e+00> : vector<2000x128xf32>
    %dot_general3A_5 = tpu.matmul %get3A_1, %get3A_4, %dot_general3A {dimension_numbers = #tpu.dot_dimension_numbers<[1], [0], [0], [1], [0, 0, 1, 1], [], []>, precision = #tpu.contract_precision<fp32>, transpose_lhs_hint = false} : vector<2000x128xf32>, vector<128x128xf32>, vector<2000x128xf32> -> vector<2000x128xf32>
    %get3A_6 = arith.constant 0 : index
    %get3A_7 = arith.constant 0 : index
    %get3A_8 = vector.load %arg3[%get3A_6, %get3A_7] : memref<1x128xf32, #tpu.memory_space<vmem>>, vector<1x128xf32>
    %add3A = vector.broadcast %get3A_8 : vector<1x128xf32> to vector<2000x128xf32>
    %add3A_9 = arith.addf %dot_general3A_5, %add3A : vector<2000x128xf32>
    %logistic3A = arith.negf %add3A_9 : vector<2000x128xf32>
    %logistic3A_10 = math.exp %logistic3A : vector<2000x128xf32>
    %logistic3A_11 = arith.constant 1.000000e+00 : f32
    %logistic3A_12 = vector.broadcast %logistic3A_11 : f32 to vector<2000x128xf32>
    %logistic3A_13 = arith.addf %logistic3A_12, %logistic3A_10 : vector<2000x128xf32>
    %logistic3A_14 = arith.divf %logistic3A_12, %logistic3A_13 : vector<2000x128xf32>
    %mul3A = arith.mulf %add3A_9, %logistic3A_14 : vector<2000x128xf32>
    %swap3A = arith.constant 0 : index
    %swap3A_15 = arith.constant 0 : index
    %swap3A_16 = vector.load %arg4[%swap3A, %swap3A_15] : memref<2000x128xf32, #tpu.memory_space<vmem>>, vector<2000x128xf32>
    tpu.vector_store %arg4[%swap3A, %swap3A_15], %mul3A {strides = array<i32>} : memref<2000x128xf32, #tpu.memory_space<vmem>>, vector<2000x128xf32>,
    return
  }
  func.func @transform_0(%arg0: i32) -> (i32, i32) {
    %c0_i32 = arith.constant 0 : i32
    %c0_i32_0 = arith.constant 0 : i32
    return %arg0, %c0_i32 : i32, i32
  }
  func.func @transform_1(%arg0: i32) -> (i32, i32) {
    %c0_i32 = arith.constant 0 : i32
    %c0_i32_0 = arith.constant 0 : i32
    %c0_i32_1 = arith.constant 0 : i32
    return %c0_i32, %c0_i32_0 : i32, i32
  }
  func.func @transform_2(%arg0: i32) -> (i32, i32) {
    %c0_i32 = arith.constant 0 : i32
    %c0_i32_0 = arith.constant 0 : i32
    %c0_i32_1 = arith.constant 0 : i32
    return %c0_i32, %c0_i32_0 : i32, i32
  }
  func.func @transform_3(%arg0: i32) -> (i32, i32) {
    %c0_i32 = arith.constant 0 : i32
    %c0_i32_0 = arith.constant 0 : i32
    return %arg0, %c0_i32 : i32, i32
  }
}

module attributes {stable_mosaic.version = 14 : i64} {
  func.func @_final_body(%arg0: i32, %arg1: memref<2000x128xf32, #tpu.memory_space<vmem>>, %arg2: memref<2x2000x128xf32, #tpu.memory_space<vmem>>, %arg3: memref<2x2000x1xf32, #tpu.memory_space<vmem>>, %arg4: memref<128x128xf32, #tpu.memory_space<vmem>>, %arg5: memref<128x128xf32, #tpu.memory_space<vmem>>, %arg6: memref<1x128xf32, #tpu.memory_space<vmem>>, %arg7: memref<128x128xf32, #tpu.memory_space<vmem>>, %arg8: memref<1x128xf32, #tpu.memory_space<vmem>>, %arg9: memref<128x128xf32, #tpu.memory_space<vmem>>, %arg10: memref<1x128xf32, #tpu.memory_space<vmem>>, %arg11: memref<1x128xf32, #tpu.memory_space<vmem>>, %arg12: memref<2000x128xf32, #tpu.memory_space<vmem>>) attributes {dimension_semantics = [#tpu.dimension_semantics<arbitrary>], iteration_bounds = array<i64: 5>, scalar_prefetch = 0 : i64, scratch_operands = 0 : i64, tpu.core_type = #tpu.core_type<tc>, window_params = [{transform_indices = @transform_0, window_bounds = array<i64: 2000, 128>}, {transform_indices = @transform_1, window_bounds = array<i64: 2, 2000, 128>}, {transform_indices = @transform_2, window_bounds = array<i64: 2, 2000, 1>}, {pipeline_mode = #tpu.pipeline_mode<synchronous>, transform_indices = @transform_3, window_bounds = array<i64: 128, 128>}, {pipeline_mode = #tpu.pipeline_mode<synchronous>, transform_indices = @transform_4, window_bounds = array<i64: 128, 128>}, {pipeline_mode = #tpu.pipeline_mode<synchronous>, transform_indices = @transform_5, window_bounds = array<i64: 1, 128>}, {pipeline_mode = #tpu.pipeline_mode<synchronous>, transform_indices = @transform_6, window_bounds = array<i64: 128, 128>}, {pipeline_mode = #tpu.pipeline_mode<synchronous>, transform_indices = @transform_7, window_bounds = array<i64: 1, 128>}, {pipeline_mode = #tpu.pipeline_mode<synchronous>, transform_indices = @transform_8, window_bounds = array<i64: 128, 128>}, {pipeline_mode = #tpu.pipeline_mode<synchronous>, transform_indices = @transform_9, window_bounds = array<i64: 1, 128>}, {pipeline_mode = #tpu.pipeline_mode<synchronous>, transform_indices = @transform_10, window_bounds = array<i64: 1, 128>}, {transform_indices = @transform_11, window_bounds = array<i64: 2000, 128>}]} {
    %get3A = arith.constant 0 : index
    %get3A_0 = arith.constant 0 : index
    %get3A_1 = vector.load %arg1[%get3A, %get3A_0] : memref<2000x128xf32, #tpu.memory_space<vmem>>, vector<2000x128xf32>
    %get3A_2 = arith.constant 0 : index
    %get3A_3 = arith.constant 0 : index
    %get3A_4 = arith.constant 0 : index
    %get3A_5 = vector.load %arg2[%get3A_2, %get3A_3, %get3A_4] : memref<2x2000x128xf32, #tpu.memory_space<vmem>>, vector<1x2000x128xf32>
    %get3A_6 = vector.shape_cast %get3A_5 : vector<1x2000x128xf32> to vector<2000x128xf32>
    %get3A_7 = arith.constant 1 : index
    %get3A_8 = arith.constant 0 : index
    %get3A_9 = arith.constant 0 : index
    %get3A_10 = vector.load %arg2[%get3A_7, %get3A_8, %get3A_9] : memref<2x2000x128xf32, #tpu.memory_space<vmem>>, vector<1x2000x128xf32>
    %get3A_11 = vector.shape_cast %get3A_10 : vector<1x2000x128xf32> to vector<2000x128xf32>
    %add3A = arith.addf %get3A_6, %get3A_11 : vector<2000x128xf32>
    %get3A_12 = arith.constant 0 : index
    %get3A_13 = arith.constant 0 : index
    %get3A_14 = arith.constant 0 : index
    %get3A_15 = vector.load %arg3[%get3A_12, %get3A_13, %get3A_14] : memref<2x2000x1xf32, #tpu.memory_space<vmem>>, vector<1x2000x1xf32>
    %get3A_16 = vector.shape_cast %get3A_15 : vector<1x2000x1xf32> to vector<2000x1xf32>
    %get3A_17 = arith.constant 1 : index
    %get3A_18 = arith.constant 0 : index
    %get3A_19 = arith.constant 0 : index
    %get3A_20 = vector.load %arg3[%get3A_17, %get3A_18, %get3A_19] : memref<2x2000x1xf32, #tpu.memory_space<vmem>>, vector<1x2000x1xf32>
    %get3A_21 = vector.shape_cast %get3A_20 : vector<1x2000x1xf32> to vector<2000x1xf32>
    %add3A_22 = arith.addf %get3A_16, %get3A_21 : vector<2000x1xf32>
    %max3A = arith.constant 1.000000e+00 : f32
    %max3A_23 = vector.broadcast %max3A : f32 to vector<2000x1xf32>
    %max3A_24 = arith.maximumf %add3A_22, %max3A_23 : vector<2000x1xf32>
    %div3A = vector.broadcast %max3A_24 : vector<2000x1xf32> to vector<2000x128xf32>
    %div3A_25 = arith.divf %add3A, %div3A : vector<2000x128xf32>
    %get3A_26 = arith.constant 0 : index
    %get3A_27 = arith.constant 0 : index
    %get3A_28 = vector.load %arg4[%get3A_26, %get3A_27] : memref<128x128xf32, #tpu.memory_space<vmem>>, vector<128x128xf32>
    %dot_general3A = arith.constant dense<0.000000e+00> : vector<2000x128xf32>
    %dot_general3A_29 = tpu.matmul %get3A_1, %get3A_28, %dot_general3A {dimension_numbers = #tpu.dot_dimension_numbers<[1], [0], [0], [1], [0, 0, 1, 1], [], []>, precision = #tpu.contract_precision<fp32>, transpose_lhs_hint = false} : vector<2000x128xf32>, vector<128x128xf32>, vector<2000x128xf32> -> vector<2000x128xf32>
    %get3A_30 = arith.constant 0 : index
    %get3A_31 = arith.constant 0 : index
    %get3A_32 = vector.load %arg5[%get3A_30, %get3A_31] : memref<128x128xf32, #tpu.memory_space<vmem>>, vector<128x128xf32>
    %dot_general3A_33 = arith.constant dense<0.000000e+00> : vector<2000x128xf32>
    %dot_general3A_34 = tpu.matmul %div3A_25, %get3A_32, %dot_general3A_33 {dimension_numbers = #tpu.dot_dimension_numbers<[1], [0], [0], [1], [0, 0, 1, 1], [], []>, precision = #tpu.contract_precision<fp32>, transpose_lhs_hint = false} : vector<2000x128xf32>, vector<128x128xf32>, vector<2000x128xf32> -> vector<2000x128xf32>
    %add3A_35 = arith.addf %dot_general3A_29, %dot_general3A_34 : vector<2000x128xf32>
    %get3A_36 = arith.constant 0 : index
    %get3A_37 = arith.constant 0 : index
    %get3A_38 = vector.load %arg6[%get3A_36, %get3A_37] : memref<1x128xf32, #tpu.memory_space<vmem>>, vector<1x128xf32>
    %add3A_39 = vector.broadcast %get3A_38 : vector<1x128xf32> to vector<2000x128xf32>
    %add3A_40 = arith.addf %add3A_35, %add3A_39 : vector<2000x128xf32>
    %logistic3A = arith.negf %add3A_40 : vector<2000x128xf32>
    %logistic3A_41 = math.exp %logistic3A : vector<2000x128xf32>
    %logistic3A_42 = arith.constant 1.000000e+00 : f32
    %logistic3A_43 = vector.broadcast %logistic3A_42 : f32 to vector<2000x128xf32>
    %logistic3A_44 = arith.addf %logistic3A_43, %logistic3A_41 : vector<2000x128xf32>
    %logistic3A_45 = arith.divf %logistic3A_43, %logistic3A_44 : vector<2000x128xf32>
    %mul3A = arith.mulf %add3A_40, %logistic3A_45 : vector<2000x128xf32>
    %get3A_46 = arith.constant 0 : index
    %get3A_47 = arith.constant 0 : index
    %get3A_48 = vector.load %arg7[%get3A_46, %get3A_47] : memref<128x128xf32, #tpu.memory_space<vmem>>, vector<128x128xf32>
    %dot_general3A_49 = arith.constant dense<0.000000e+00> : vector<2000x128xf32>
    %dot_general3A_50 = tpu.matmul %mul3A, %get3A_48, %dot_general3A_49 {dimension_numbers = #tpu.dot_dimension_numbers<[1], [0], [0], [1], [0, 0, 1, 1], [], []>, precision = #tpu.contract_precision<fp32>, transpose_lhs_hint = false} : vector<2000x128xf32>, vector<128x128xf32>, vector<2000x128xf32> -> vector<2000x128xf32>
    %get3A_51 = arith.constant 0 : index
    %get3A_52 = arith.constant 0 : index
    %get3A_53 = vector.load %arg8[%get3A_51, %get3A_52] : memref<1x128xf32, #tpu.memory_space<vmem>>, vector<1x128xf32>
    %add3A_54 = vector.broadcast %get3A_53 : vector<1x128xf32> to vector<2000x128xf32>
    %add3A_55 = arith.addf %dot_general3A_50, %add3A_54 : vector<2000x128xf32>
    %get3A_56 = arith.constant 0 : index
    %get3A_57 = arith.constant 0 : index
    %get3A_58 = vector.load %arg9[%get3A_56, %get3A_57] : memref<128x128xf32, #tpu.memory_space<vmem>>, vector<128x128xf32>
    %dot_general3A_59 = arith.constant dense<0.000000e+00> : vector<2000x128xf32>
    %dot_general3A_60 = tpu.matmul %get3A_1, %get3A_58, %dot_general3A_59 {dimension_numbers = #tpu.dot_dimension_numbers<[1], [0], [0], [1], [0, 0, 1, 1], [], []>, precision = #tpu.contract_precision<fp32>, transpose_lhs_hint = false} : vector<2000x128xf32>, vector<128x128xf32>, vector<2000x128xf32> -> vector<2000x128xf32>
    %add3A_61 = arith.addf %add3A_55, %dot_general3A_60 : vector<2000x128xf32>
    %reduce_sum3A = arith.constant dense<0.000000e+00> : vector<2000xf32>
    %reduce_sum3A_62 = vector.multi_reduction <add>, %add3A_61, %reduce_sum3A [1] : vector<2000x128xf32> to vector<2000xf32>
    %broadcast_in_dim3A = vector.shape_cast %reduce_sum3A_62 : vector<2000xf32> to vector<2000x1xf32>
    %div3A_63 = arith.constant 1.280000e+02 : f32
    %div3A_64 = vector.broadcast %div3A_63 : f32 to vector<2000x1xf32>
    %div3A_65 = arith.divf %broadcast_in_dim3A, %div3A_64 : vector<2000x1xf32>
    %sub3A = vector.broadcast %div3A_65 : vector<2000x1xf32> to vector<2000x128xf32>
    %sub3A_66 = arith.subf %add3A_61, %sub3A : vector<2000x128xf32>
    %integer_pow3A = arith.mulf %sub3A_66, %sub3A_66 : vector<2000x128xf32>
    %reduce_sum3A_67 = arith.constant dense<0.000000e+00> : vector<2000xf32>
    %reduce_sum3A_68 = vector.multi_reduction <add>, %integer_pow3A, %reduce_sum3A_67 [1] : vector<2000x128xf32> to vector<2000xf32>
    %broadcast_in_dim3A_69 = vector.shape_cast %reduce_sum3A_68 : vector<2000xf32> to vector<2000x1xf32>
    %div3A_70 = arith.constant 1.280000e+02 : f32
    %div3A_71 = vector.broadcast %div3A_70 : f32 to vector<2000x1xf32>
    %div3A_72 = arith.divf %broadcast_in_dim3A_69, %div3A_71 : vector<2000x1xf32>
    %sub3A_73 = vector.broadcast %div3A_65 : vector<2000x1xf32> to vector<2000x128xf32>
    %sub3A_74 = arith.subf %add3A_61, %sub3A_73 : vector<2000x128xf32>
    %add3A_75 = arith.constant 9.99999974E-6 : f32
    %add3A_76 = vector.broadcast %add3A_75 : f32 to vector<2000x1xf32>
    %add3A_77 = arith.addf %div3A_72, %add3A_76 : vector<2000x1xf32>
    %rsqrt3A = math.rsqrt %add3A_77 : vector<2000x1xf32>
    %mul3A_78 = vector.broadcast %rsqrt3A : vector<2000x1xf32> to vector<2000x128xf32>
    %mul3A_79 = arith.mulf %sub3A_74, %mul3A_78 : vector<2000x128xf32>
    %get3A_80 = arith.constant 0 : index
    %get3A_81 = arith.constant 0 : index
    %get3A_82 = vector.load %arg10[%get3A_80, %get3A_81] : memref<1x128xf32, #tpu.memory_space<vmem>>, vector<1x128xf32>
    %mul3A_83 = vector.broadcast %get3A_82 : vector<1x128xf32> to vector<2000x128xf32>
    %mul3A_84 = arith.mulf %mul3A_79, %mul3A_83 : vector<2000x128xf32>
    %get3A_85 = arith.constant 0 : index
    %get3A_86 = arith.constant 0 : index
    %get3A_87 = vector.load %arg11[%get3A_85, %get3A_86] : memref<1x128xf32, #tpu.memory_space<vmem>>, vector<1x128xf32>
    %add3A_88 = vector.broadcast %get3A_87 : vector<1x128xf32> to vector<2000x128xf32>
    %add3A_89 = arith.addf %mul3A_84, %add3A_88 : vector<2000x128xf32>
    %swap3A = arith.constant 0 : index
    %swap3A_90 = arith.constant 0 : index
    %swap3A_91 = vector.load %arg12[%swap3A, %swap3A_90] : memref<2000x128xf32, #tpu.memory_space<vmem>>, vector<2000x128xf32>
    tpu.vector_store %arg12[%swap3A, %swap3A_90], %add3A_89 {strides = array<i32>} : memref<2000x128xf32, #tpu.memory_space<vmem>>, vector<2000x128xf32>,
    return
  }
  func.func @transform_0(%arg0: i32) -> (i32, i32) {
    %c0_i32 = arith.constant 0 : i32
    %c0_i32_0 = arith.constant 0 : i32
    return %arg0, %c0_i32 : i32, i32
  }
  func.func @transform_1(%arg0: i32) -> (i32, i32, i32) {
    %c0_i32 = arith.constant 0 : i32
    %c0_i32_0 = arith.constant 0 : i32
    %c0_i32_1 = arith.constant 0 : i32
    return %c0_i32, %arg0, %c0_i32_0 : i32, i32, i32
  }
  func.func @transform_2(%arg0: i32) -> (i32, i32, i32) {
    %c0_i32 = arith.constant 0 : i32
    %c0_i32_0 = arith.constant 0 : i32
    %c0_i32_1 = arith.constant 0 : i32
    return %c0_i32, %arg0, %c0_i32_0 : i32, i32, i32
  }
  func.func @transform_3(%arg0: i32) -> (i32, i32) {
    %c0_i32 = arith.constant 0 : i32
    %c0_i32_0 = arith.constant 0 : i32
    %c0_i32_1 = arith.constant 0 : i32
    return %c0_i32, %c0_i32_0 : i32, i32
  }
  func.func @transform_4(%arg0: i32) -> (i32, i32) {
    %c0_i32 = arith.constant 0 : i32
    %c0_i32_0 = arith.constant 0 : i32
    %c0_i32_1 = arith.constant 0 : i32
    return %c0_i32, %c0_i32_0 : i32, i32
  }
  func.func @transform_5(%arg0: i32) -> (i32, i32) {
    %c0_i32 = arith.constant 0 : i32
    %c0_i32_0 = arith.constant 0 : i32
    %c0_i32_1 = arith.constant 0 : i32
    return %c0_i32, %c0_i32_0 : i32, i32
  }
  func.func @transform_6(%arg0: i32) -> (i32, i32) {
    %c0_i32 = arith.constant 0 : i32
    %c0_i32_0 = arith.constant 0 : i32
    %c0_i32_1 = arith.constant 0 : i32
    return %c0_i32, %c0_i32_0 : i32, i32
  }
  func.func @transform_7(%arg0: i32) -> (i32, i32) {
    %c0_i32 = arith.constant 0 : i32
    %c0_i32_0 = arith.constant 0 : i32
    %c0_i32_1 = arith.constant 0 : i32
    return %c0_i32, %c0_i32_0 : i32, i32
  }
  func.func @transform_8(%arg0: i32) -> (i32, i32) {
    %c0_i32 = arith.constant 0 : i32
    %c0_i32_0 = arith.constant 0 : i32
    %c0_i32_1 = arith.constant 0 : i32
    return %c0_i32, %c0_i32_0 : i32, i32
  }
  func.func @transform_9(%arg0: i32) -> (i32, i32) {
    %c0_i32 = arith.constant 0 : i32
    %c0_i32_0 = arith.constant 0 : i32
    %c0_i32_1 = arith.constant 0 : i32
    return %c0_i32, %c0_i32_0 : i32, i32
  }
  func.func @transform_10(%arg0: i32) -> (i32, i32) {
    %c0_i32 = arith.constant 0 : i32
    %c0_i32_0 = arith.constant 0 : i32
    %c0_i32_1 = arith.constant 0 : i32
    return %c0_i32, %c0_i32_0 : i32, i32
  }
  func.func @transform_11(%arg0: i32) -> (i32, i32) {
    %c0_i32 = arith.constant 0 : i32
    %c0_i32_0 = arith.constant 0 : i32
    return %arg0, %c0_i32 : i32, i32
  }
}

</mosaic_0001>

<sc_bundles>
// kernel: kernel.6.cloned.1.call-start
scs
__scs_entry_jumppad:
0x0: {  	(pc) =	sbr.rel $0x88, $3  }
0x1: {  	(tag) =	ssettag $0x0;
	lr =	simm.s32 $0x1  }
0x2: {  	[smem:$0x3F91] =	sst lr;
	_ =	strace $0xD0000000  }
0x3: {  	_ = 	snop  }
0x4: {  	_ = 	snop  }
0x5: {  	_ = 	snop  }
0x6: {  	_ = 	snop  }
0x7: {  	_ = 	snop  }
__scs_overlays_trampoline_lowered:
0x8: {  	[smem:$0x3FA0] =	sst s0  }
0x9: {  	[smem:$0x3FA1] =	sst s1  }
0xa: {  	[smem:$0x3FA2] =	sst s2  }
0xb: {  	[smem:$0x3FA3] =	sst s3  }
0xc: {  	[smem:$0x3FA4] =	sst s4  }
0xd: {  	[smem:$0x3FA5] =	sst s5  }
0xe: {  	[smem:$0x3FA6] =	sst s6  }
0xf: {  	[smem:$0x3FA7] =	sst s7  }
0x10: {  	[smem:$0x3FA8] =	sst s8  }
0x11: {  	[smem:$0x3FA9] =	sst s9;
	s0 =	simm.s32 @!p0 $0x0  }
0x12: {  	s1 =	sld [smem:$0x3F8F];
	s0 =	simm.s32 @p0 $0x1  }
0x13: {  	[smem:$0x3FAA] =	sst s0;
	s0 =	simm.s32 @!p1 $0x0  }
0x14: {  	s2 =	sld [smem:$0x3F8E];
	s0 =	simm.s32 @p1 $0x1  }
0x15: {  	[smem:$0x3FAB] =	sst s0;
	s0 =	simm.s32 @!p2 $0x0  }
0x16: {  	s3 =	sld [smem:$0x3FDB];
	s0 =	simm.s32 @p2 $0x1  }
0x17: {  	s4 =	simm.s32 $0x1BF5;
	[smem:$0x3FAD] =	sst s0  }
0x18: {  	s0 =	sld [smem:$0x3F90];
	_ =	swait.ge [sflag:s4], $0x0  }
0x19: {  	s7 =	sld [smem:$0x3F91]  }
0x1a: {  	s8 =	sadd.s32 $0xFFFFE003, lr  }
0x1b: {  	s9 =	sadd.s32 $0xFFFFFEF7, lr;
	s5 =	simm.s32 $0xFFFFFFFF;
	p2 =	slt.u32 s8, $0xFFFFF086  }
0x1c: {  	p1 =	slt.u32 s9, $0xF7A;
	s5 =	simm.s32 @!p2 $0x0  }
0x1d: {  	s5 =	simm.s32 @p1 $0x1;
	p0 =	seq.s32 s7, s2  }
0x1e: {  	s7 =	smul.u32 @!p0 $0xF7A, s2;
	p2 =	seq.s32 @!p0 s5, $0x0  }
0x1f: {  	s9 =	smul.u32 $0xF7A, s1;
	s8 =	simm.s32 @!p0 $0x1BF5;
	p2 =	por !p2, p0  }
0x20: {  	[sflag:s8] =	ssyncset.s32 @!p0 $0xFFFFF086;
	s6 =	sadd.s32 @!p0 s3, s7;
	s7 =	simm.s32 @!p0 $0x108  }
0x21: {  	s3 =	sadd.s32 s3, s9;
	s6 =	sadd.s32 @!p0 $0x88, s6;
	s7 =	simm.s32 @p2 $0x1082  }
0x22: {  	[simem:s7], [sflag:s8] =	dma.local @!p0 [hbm:s6], $0xF7A  }
0x23: {  	s9 =	sor.u32 $0xD0000000, s2;
	s6 =	simm.s32 $0x108;
	_ =	swait.ge @!p0 [sflag:s8], $0x0  }
0x24: {  	s3 =	sadd.s32 $0x88, s3;
	s6 =	simm.s32 @!p1 $0x1082;
	[sflag:s4] =	ssyncset.s32 $0xFFFFF086  }
0x25: {  	[simem:s6], [sflag:s4] =	dma.local [hbm:s3], $0xF7A  }
0x26: {  	[smem:$0x3F91] =	sst s1;
	(tag) =	ssettag s2;
	_ =	strace s9  }
0x27: {  	s1 =	sld [smem:$0x3FA1]  }
0x28: {  	s2 =	sld [smem:$0x3FA2]  }
0x29: {  	s4 =	sld [smem:$0x3FA4]  }
0x2a: {  	p0 =	seq.s32 s5, $0x0;
	s5 =	sld [smem:$0x3FA5]  }
0x2b: {  	s6 =	sld [smem:$0x3FA6]  }
0x2c: {  	s7 =	sld [smem:$0x3FA7]  }
0x2d: {  	s3 =	simm.s32 $0x108;
	s8 =	sld [smem:$0x3FA8]  }
0x2e: {  	s3 =	simm.s32 @!p0 $0x1082;
	s9 =	sld [smem:$0x3FA9]  }
0x2f: {  	lr =	sadd.s32 s0, s3;
	s0 =	sld [smem:$0x3FA0]  }
0x30: {  	s3 =	sld [smem:$0x3FA3]  }
0x31: {  	[smem:$0x3FAC] =	sst s10  }
0x32: {  	s10 =	sld [smem:$0x3FAA];
	_ =	sdelay $0x3  }
0x33: {  	p0 =	seq.s32 s10, $0x1;
	s10 =	sld [smem:$0x3FAC];
	_ =	sdelay $0x3  }
0x34: {  	[smem:$0x3FAC] =	sst s10  }
0x35: {  	s10 =	sld [smem:$0x3FAB];
	_ =	sdelay $0x3  }
0x36: {  	p1 =	seq.s32 s10, $0x1;
	s10 =	sld [smem:$0x3FAC];
	_ =	sdelay $0x3  }
0x37: {  	[smem:$0x3FAC] =	sst s10  }
0x38: {  	s10 =	sld [smem:$0x3FAD]  }
0x39: {  	_ = 	snop;
	(pc) =	sbr.ind lr, $3  }
0x3a: {  	_ = 	snop  }
0x3b: {  	_ = 	snop  }
0x3c: {  	p2 =	seq.s32 s10, $0x1;
	s10 =	sld [smem:$0x3FAC]  }
0x3d: {  	_ =	shalt  }
0x3e: {  	_ =	shalt  }
0x3f: {  	_ =	shalt  }
0x40: {  	_ =	shalt  }
0x41: {  	_ =	shalt  }
0x42: {  	_ =	shalt  }
0x43: {  	_ =	shalt  }
0x44: {  	_ =	shalt  }
0x45: {  	_ =	shalt  }
0x46: {  	_ =	shalt  }
0x47: {  	_ =	shalt  }
0x48: {  	_ =	shalt  }
0x49: {  	_ =	shalt  }
0x4a: {  	_ =	shalt  }
0x4b: {  	_ =	shalt  }
0x4c: {  	_ =	shalt  }
0x4d: {  	_ =	shalt  }
0x4e: {  	_ =	shalt  }
0x4f: {  	_ =	shalt  }
0x50: {  	_ =	shalt  }
0x51: {  	_ =	shalt  }
0x52: {  	_ =	shalt  }
0x53: {  	_ =	shalt  }
0x54: {  	_ =	shalt  }
0x55: {  	_ =	shalt  }
0x56: {  	_ =	shalt  }
0x57: {  	_ =	shalt  }
0x58: {  	_ =	shalt  }
0x59: {  	_ =	shalt  }
0x5a: {  	_ =	shalt  }
0x5b: {  	_ =	shalt  }
0x5c: {  	_ =	shalt  }
0x5d: {  	_ =	shalt  }
0x5e: {  	_ =	shalt  }
0x5f: {  	_ =	shalt  }
0x60: {  	_ =	shalt  }
0x61: {  	_ =	shalt  }
0x62: {  	_ =	shalt  }
0x63: {  	_ =	shalt  }
0x64: {  	_ =	shalt  }
0x65: {  	_ =	shalt  }
0x66: {  	_ =	shalt  }
0x67: {  	_ =	shalt  }
0x68: {  	_ =	shalt  }
0x69: {  	_ =	shalt  }
0x6a: {  	_ =	shalt  }
0x6b: {  	_ =	shalt  }
0x6c: {  	_ =	shalt  }
0x6d: {  	_ =	shalt  }
0x6e: {  	_ =	shalt  }
0x6f: {  	_ =	shalt  }
0x70: {  	_ =	shalt  }
0x71: {  	_ =	shalt  }
0x72: {  	_ =	shalt  }
0x73: {  	_ =	shalt  }
0x74: {  	_ =	shalt  }
0x75: {  	_ =	shalt  }
0x76: {  	_ =	shalt  }
0x77: {  	_ =	shalt  }
0x78: {  	_ =	shalt  }
0x79: {  	_ =	shalt  }
0x7a: {  	_ =	shalt  }
0x7b: {  	_ =	shalt  }
0x7c: {  	_ =	shalt  }
0x7d: {  	_ =	shalt  }
0x7e: {  	_ =	shalt  }
0x7f: {  	_ =	shalt  }
0x80: {  	_ =	shalt  }
0x81: {  	_ =	shalt  }
0x82: {  	_ =	shalt  }
0x83: {  	_ =	shalt  }
0x84: {  	_ =	shalt  }
0x85: {  	_ =	shalt  }
0x86: {  	_ =	shalt  }
0x87: {  	_ =	shalt  }
.Lfunc_end0:
.L_simem_size_0:
called_computation_lowered:
.L_overlay_start_0:
0x88: {  	s2 =	sld [smem:$0x3FD9]  }
0x89: {  	s3 =	sld [smem:$0x3FFE];
	_ =	sdelay $0x1  }
0x8a: {  	s1 =	srdreg.scid  }
0x8b: {  	s0 =	sand.u32 $0x1, s1  }
0x8c: {  	s17 =	sshll.u32 s0, $0xA;
	s2 =	sadd.s32 s3, s2  }
0x8d: {  	s2 =	sadd.s32 s2, s17  }
0x8e: {  	[smem:$0x3FB8] =	sst s2  }
0x8f: {  	_ = 	snop  }
0x90: {  	s2 =	sld [smem:$0x3FD0];
	(tm) =	ssettm $0x1  }
0x91: {  	s18 =	sld [smem:$0x3FFB];
	_ =	sdelay $0x3  }
0x92: {  	_ =	strace s18  }
0x93: {  	s3 =	sld [smem:$0x3FFC];
	_ =	sdelay $0x3  }
0x94: {  	_ =	strace s3  }
0x95: {  	s3 =	sld [smem:$0x3FFD];
	_ =	sdelay $0x3  }
0x96: {  	_ =	strace s3  }
0x97: {  	_ =	strace $0x8FFFFFFF  }
0x98: {  	s19 =	sld [smem:$0x3FDB];
	_ =	sdelay $0x1  }
0x99: {  	s4 =	simm.s32 $_scs_section_size  }
0x9a: {  	s5 =	simm.s32 $_size__tile_overlayer_lowered;
	s6 =	simm.s32 $_tile_overlayer_lowered  }
0x9b: {  	s22 =	simm.s32 $0x1BFF;
	s21 =	sshll.u32 s6, $0x1;
	s3 =	sadd.s32 s4, s19  }
0x9c: {  	s7 =	simm.s32 $0x0;
	s20 =	sshll.u32 s5, $0x1;
	s5 =	sadd.s32 s21, s3  }
0x9d: {  	[timem:s7], [sflag:s22] =	dma.local [hbm:s5], s20  }
0x9e: {  	_ =	swait.ge [sflag:s22], s20  }
0x9f: {  	s4 =	ssub.s32 $0x0, s20;
	[sflag:s22] =	ssyncset.done $0x0  }
0xa0: {  	[sflag:s22] =	ssyncadd.s32 s4;
	_ =	sdelay $0x1  }
0xa1: {  	s23 =	simm.s32 $0x1B8B  }
0xa2: {  	_ =	swait.ge [sflag:s23], $0x1  }
0xa3: {  	[sflag:s23] =	ssyncset.done $0x0  }
0xa4: {  	s25 =	simm.s32 $0x1B8E;
	s24 =	sld [smem:$0x3FFE];
	[sflag:s23] =	ssyncadd.s32 $0xFFFFFFFF  }
0xa5: {  	s26 =	simm.s32 $execute0_lowered;
	[smem:$0x3FD2] =	sst s25  }
0xa6: {  	s5 =	sshll.u32 s26, $0x1;
	_ =	strace $0x80000046;
	[dreg:$0x1] =	wrdreg $0xFFFFFFFF  }
0xa7: {  	s28 =	simm.s32 $_size_execute0_lowered;
	s3 =	sadd.s32 s3, s5;
	[dreg:$0x0] =	wrdreg $0x0  }
0xa8: {  	s5 =	sshll.u32 s28, $0x1;
	[dreg:$0x2] =	wrdreg s3  }
0xa9: {  	[dreg:$0x3] =	wrdreg s5  }
0xaa: {  	[dreg:$0x4] =	wrdreg $0xC0  }
0xab: {  	_ =	task [dreg:s7], $0x5FFFF  }
0xac: {  	[dreg:$0x1] =	wrdreg $0xFFFFFFFF  }
0xad: {  	[dreg:$0x0] =	wrdreg $0x60  }
0xae: {  	[dreg:$0x2] =	wrdreg s2  }
0xaf: {  	[dreg:$0x3] =	wrdreg s24  }
0xb0: {  	[dreg:$0x4] =	wrdreg $0x2A800  }
0xb1: {  	[dreg:$0x5] =	wrdreg $0x163000  }
0xb2: {  	[dreg:$0x6] =	wrdreg $0x9  }
0xb3: {  	_ =	task.clear_ibuf [dreg:s7], $0x7FFFF;
	_ =	strace $0x90000046  }
0xb4: {  	s29 =	simm.s32 $0x9;
	_ =	strace $0x80000048  }
0xb5: {  	_ =	swait.ge [sflag:s29], $0x1  }
0xb6: {  	[sflag:s29] =	ssyncadd.s32 $0xFFFFFFFF  }
0xb7: {  	_ =	strace $0x90000048  }
0xb8: {  	_ =	sfence  }
0xb9: {  	s30 =	sld [smem:$0x0];
	_ =	sdelay $0x2  }
0xba: {  	s31 =	sshll.u32 s1, $0xD;
	s1 =	sshrl.u32 s1, $0x2  }
0xbb: {  	s3 =	sand.u32 $0x4000, s31;
	s1 =	sadd.s32 s1, s30  }
0xbc: {  	s0 =	sor.u32 s3, s0;
	s1 =	sshll.u32 s1, $0x11  }
0xbd: {  	s0 =	sor.u32 s1, s0  }
0xbe: {  	s0 =	sadd.s32 $0x8F2B, s0  }
0xbf: {  	[sflag:s0] =	ssyncadd.remote.s32 $0x1  }
0xc0: {  	_ =	sfence.sel $0xFFFF  }
0xc1: {  	[dreg:$0x0] =	wrdreg $0xFFFFFFFF;
	(pc) =	sbr.abs _section_cstart, $3  }
0xc2: {  	[dreg:$0x1] =	wrdreg $0xFFFFFFFF  }
0xc3: {  	_ =	task.clear_ibuf [dreg:s7], $0x2FFFF;
	_ =	strace $0x9FFFFFFF  }
0xc4: {  	(tm) =	ssettm $0x7FFFFFFF  }
0xc5: {  	_ =	shalt  }
tec
execute0_lowered:
.L_overlay_start_1:
0x0: {  	(tag) =	ssettag $0x1  }
0x1: {  	s0 =	rddreg [dreg:$0x0]  }
0x2: {  	s9 =	rddreg [dreg:$0x1];
	s2 =	stileid.u32  }
0x3: {  	s3 =	rddreg [dreg:$0x2];
	s6 =	smul.u32 $0x2800, s2  }
0x4: {  	s1 =	srdreg.scid;
	s12 =	smul.u32 $0x50, s2  }
0x5: {  	s4 =	rddreg [dreg:$0x3];
	s5 =	simm.s32 $0x0;
	s15 =	smul.u32 $0xA000, s2  }
0x6: {  	s30 =	simm.s32 $0x280;
	s10 =	sand.u32 $0x1, s1;
	s21 =	smul.u32 $0x140, s2  }
0x7: {  	s31 =	simm.s32 $0x2;
	[smem:$0x7FF] =	sst s5;
	s1 =	smul.u32 $0x138800, s10  }
0x8: {  	s7 =	sadd.s32 $0x1C00, s9;
	s22 =	sor.u32 $0x10, s2;
	s11 =	smul.u32 $0x2710, s10  }
0x9: {  	s8 =	sadd.s32 $0x15800, s9;
	s26 =	sor.u32 $0x20, s2;
	s23 =	smul.u32 $0xA000, s22  }
0xa: {  	s28 =	sor.u32 $0x30, s2;
	_ =	strace $0x80000047;
	s25 =	smul.u32 $0x140, s22  }
0xb: {  	s18 =	ssub.s32 $0x2, s10;
	s10 =	sshll.u32 s10, $0x4;
	s16 =	smul.u32 $0xA000, s26  }
0xc: {  	s17 =	smul.u32 $0xA000, s28;
	s13 =	sshrl.u32 s18, $0x1;
	s14 =	sor.u32 s2, s10  }
0xd: {  	s20 =	sshrl.u32 s15, $0x2;
	s24 =	sshrl.u32 s21, $0x2;
	s1 =	sadd.s32 s6, s1  }
0xe: {  	s6 =	sadd.s32 $0xBA00, s9;
	s11 =	sadd.s32 s12, s11;
	s19 =	ssub.s32 s18, s13  }
0xf: {  	s12 =	sadd.s32 s24, s4;
	s15 =	sshrl.u32 s23, $0x2;
	s13 =	sshrl.u32 s25, $0x2  }
0x10: {  	s16 =	sshrl.u32 s16, $0x2;
	s25 =	sor.u32 $0x50, s2;
	s1 =	sshrl.u32 s1, $0x3  }
0x11: {  	s11 =	sshrl.u32 s11, $0x3;
	s15 =	sadd.s32 s15, s3;
	s13 =	sadd.s32 s13, s4  }
0x12: {  	s1 =	sadd.s32 s1, s9;
	s10 =	sadd.s32 s11, s9;
	s9 =	smul.u32 $0x2710, s14  }
0x13: {  	s16 =	sadd.s32 s16, s3;
	[dreg:$0x6] =	wrdreg s15;
	s14 =	smul.u32 $0x140, s26  }
0x14: {  	s11 =	smax.u32 s19, $0x1;
	[dreg:$0x7] =	wrdreg s13;
	s15 =	smul.u32 $0x140, s28  }
0x15: {  	[dreg:$0x8] =	wrdreg s16;
	s19 =	sshrl.u32 s17, $0x2;
	s26 =	smul.u32 $0xA000, s25  }
0x16: {  	s16 =	smul.u32 $0x140, s25;
	s28 =	sor.u32 $0x60, s2;
	[dreg:$0x5] =	wrdreg s11  }
0x17: {  	s11 =	sadd.s32 s20, s3;
	s20 =	sor.u32 $0x40, s2;
	s21 =	sadd.s32 s19, s3  }
0x18: {  	s19 =	smul.u32 $0xA000, s28;
	s1 =	sadd.s32 $0x20000, s1;
	s29 =	sadd.s32 $0x1F600, s10  }
0x19: {  	s10 =	simm.s32 $0x1;
	s18 =	sshrl.u32 s14, $0x2;
	s22 =	smul.u32 $0xA000, s20  }
0x1a: {  	[dreg:$0xa] =	wrdreg s21;
	s23 =	sshrl.u32 s15, $0x2;
	s24 =	smul.u32 $0x140, s20  }
0x1b: {  	s20 =	smul.u32 $0x140, s28;
	s21 =	sor.u32 $0x70, s2;
	[dreg:$0x14] =	wrdreg s1  }
0x1c: {  	s1 =	simm.s32 $0x200;
	s13 =	sadd.s32 s18, s4;
	s14 =	sadd.s32 s23, s4  }
0x1d: {  	s23 =	smul.u32 $0xA000, s21;
	p0 =	sgt.u32 s21, $0x7C;
	[dreg:$0x9] =	wrdreg s13  }
0x1e: {  	s17 =	smul.u32 $0x140, s21;
	[dreg:$0xb] =	wrdreg s14;
	s13 =	sshrl.u32 s22, $0x2  }
0x1f: {  	s15 =	sshrl.u32 s24, $0x2;
	s14 =	sshrl.u32 s26, $0x2;
	s13 =	sadd.s32 s13, s3  }
0x20: {  	s22 =	sshrl.u32 s16, $0x2;
	s18 =	sadd.s32 s15, s4;
	[dreg:$0xc] =	wrdreg s13  }
0x21: {  	s24 =	sshrl.u32 s20, $0x2;
	s14 =	sadd.s32 s14, s3;
	[dreg:$0xd] =	wrdreg s18  }
0x22: {  	v0 =	vimm.f32 $0.0e+00;
	v1 =	vimm.f32 $1.000000000e+00;
	v2 =	vimm.s32 $0x0;
	s26 =	sshrl.u32 s17, $0x2;
	[dreg:$0xe] =	wrdreg s14;
	s14 =	sadd.s32 s22, s4  }
0x23: {  	v3 =	vimm.s32 $0x1;
	v4 =	vimm.s32 $0x2;
	v5 =	vimm.s32 $0x3;
	s13 =	sshrl.u32 s19, $0x2;
	s28 =	sadd.s32 s26, s4;
	[dreg:$0xf] =	wrdreg s14  }
0x24: {  	v6 =	vimm.s32 $0x4;
	v7 =	vimm.s32 $0x5;
	v8 =	vimm.s32 $0x6;
	s16 =	simm.s32 $0x180;
	s13 =	sadd.s32 s13, s3;
	[dreg:$0x13] =	wrdreg s28  }
0x25: {  	v9 =	vimm.s32 $0x7;
	v10 =	vimm.s32 $0x8;
	v11 =	vimm.s32 $0x9;
	s25 =	sshrl.u32 s23, $0x2;
	[dreg:$0x10] =	wrdreg s13;
	s13 =	sadd.s32 s24, s4  }
0x26: {  	v12 =	vimm.s32 $0xA;
	v13 =	vimm.s32 $0xB;
	v14 =	vimm.s32 $0xC;
	s15 =	simm.s32 $0x50;
	[dreg:$0x11] =	wrdreg s13;
	s13 =	sadd.s32 s25, s3  }
0x27: {  	v15 =	vimm.s32 $0xD;
	v16 =	vimm.s32 $0xE;
	v17 =	vimm.s32 $0xF;
	s14 =	simm.s32 $0x100;
	[dreg:$0x12] =	wrdreg s13;
	s13 =	simm.s32 $0x80  }
.LBB2_1:
0x28: {  	s17 =	simm.s32 $0x0;
	s18 =	simm.s32 $0x200  }
.LBB2_2:
0x29: {  	p1 =	sne.s32 s18, $0x9E00;
	[tilespmem:s17+$0x2F0] =	vst v0  }
0x2a: {  	[tilespmem:s17+$0x280] =	vst v0  }
0x2b: {  	[tilespmem:s17+$0x290] =	vst v0  }
.Ltmp0:
0x2c: {  	[tilespmem:s17+$0x2A0] =	vst v0;
	(pc) =	sbr.rel @p1 .LBB2_2-.Ltmp0, $4  }
0x2d: {  	[tilespmem:s17+$0x2B0] =	vst v0  }
0x2e: {  	[tilespmem:s17+$0x2C0] =	vst v0  }
0x2f: {  	[tilespmem:s17+$0x2D0] =	vst v0  }
0x30: {  	[tilespmem:s17+$0x2E0] =	vst v0;
	s17 =	sshra.s32 s18, $0x2;
	s18 =	sadd.s32 $0x200, s18  }
0x31: {  	[tilespmem:s17+$0x2F0] =	vst v0  }
0x32: {  	[tilespmem:s17+$0x280] =	vst v0  }
0x33: {  	[tilespmem:s17+$0x290] =	vst v0  }
0x34: {  	[tilespmem:s17+$0x2A0] =	vst v0  }
0x35: {  	[tilespmem:s17+$0x2B0] =	vst v0  }
0x36: {  	[tilespmem:s17+$0x2C0] =	vst v0  }
0x37: {  	[tilespmem:s17+$0x2D0] =	vst v0  }
0x38: {  	[tilespmem:s17+$0x2E0] =	vst v0  }
0x39: {  	[tilespmem:$0x180] =	vst v1  }
0x3a: {  	[tilespmem:$0x200] =	vst v0  }
0x3b: {  	[tilespmem:$0x190] =	vst v1  }
0x3c: {  	[tilespmem:$0x210] =	vst v0  }
0x3d: {  	[tilespmem:$0x1A0] =	vst v1  }
0x3e: {  	[tilespmem:$0x220] =	vst v0  }
0x3f: {  	[tilespmem:$0x1B0] =	vst v1  }
0x40: {  	[tilespmem:$0x230] =	vst v0  }
0x41: {  	[tilespmem:$0x1C0] =	vst v1  }
0x42: {  	[tilespmem:$0x240] =	vst v0  }
0x43: {  	[spmem:s11] =	stream.linear.scatter [tilespmem:s30], [sflag:$0x2], $0x2800, $0x38;
	[tilespmem:$0x16578] =	vst v63  }
0x44: {  	_ =	swait.ge [sflag:s31], $0x2800  }
0x45: {  	[sflag:s31] =	ssyncset.done $0x0  }
0x46: {  	[sflag:s31] =	ssyncadd.s32 $0xFFFFD800  }
0x47: {  	[spmem:s12] =	stream.linear.scatter [tilespmem:s1], [sflag:$0x1], $0x50, $0x38;
	[tilespmem:$0x16578] =	vst v63  }
0x48: {  	_ =	swait.ge [sflag:s10], $0x50  }
0x49: {  	[sflag:s10] =	ssyncset.done $0x0  }
0x4a: {  	s26 =	rddreg [dreg:$0x6];
	[sflag:s10] =	ssyncadd.s32 $0xFFFFFFB0  }
0x4b: {  	[spmem:s26] =	stream.linear.scatter [tilespmem:s30], [sflag:$0x2], $0x2800, $0x38;
	[tilespmem:$0x16578] =	vst v63  }
0x4c: {  	_ =	swait.ge [sflag:s31], $0x2800  }
0x4d: {  	[sflag:s31] =	ssyncset.done $0x0  }
0x4e: {  	s28 =	rddreg [dreg:$0x7];
	[sflag:s31] =	ssyncadd.s32 $0xFFFFD800  }
0x4f: {  	[spmem:s28] =	stream.linear.scatter [tilespmem:s1], [sflag:$0x1], $0x50, $0x38;
	[tilespmem:$0x16578] =	vst v63  }
0x50: {  	_ =	swait.ge [sflag:s10], $0x50  }
0x51: {  	[sflag:s10] =	ssyncset.done $0x0  }
0x52: {  	s18 =	rddreg [dreg:$0x8];
	[sflag:s10] =	ssyncadd.s32 $0xFFFFFFB0  }
0x53: {  	[spmem:s18] =	stream.linear.scatter [tilespmem:s30], [sflag:$0x2], $0x2800, $0x38;
	[tilespmem:$0x16578] =	vst v63  }
0x54: {  	_ =	swait.ge [sflag:s31], $0x2800  }
0x55: {  	[sflag:s31] =	ssyncset.done $0x0  }
0x56: {  	s19 =	rddreg [dreg:$0x9];
	[sflag:s31] =	ssyncadd.s32 $0xFFFFD800  }
0x57: {  	[spmem:s19] =	stream.linear.scatter [tilespmem:s1], [sflag:$0x1], $0x50, $0x38;
	[tilespmem:$0x16578] =	vst v63  }
0x58: {  	_ =	swait.ge [sflag:s10], $0x50  }
0x59: {  	[sflag:s10] =	ssyncset.done $0x0  }
0x5a: {  	s20 =	rddreg [dreg:$0xa];
	[sflag:s10] =	ssyncadd.s32 $0xFFFFFFB0  }
0x5b: {  	[spmem:s20] =	stream.linear.scatter [tilespmem:s30], [sflag:$0x2], $0x2800, $0x38;
	[tilespmem:$0x16578] =	vst v63  }
0x5c: {  	_ =	swait.ge [sflag:s31], $0x2800  }
0x5d: {  	[sflag:s31] =	ssyncset.done $0x0  }
0x5e: {  	s21 =	rddreg [dreg:$0xb];
	[sflag:s31] =	ssyncadd.s32 $0xFFFFD800  }
0x5f: {  	[spmem:s21] =	stream.linear.scatter [tilespmem:s1], [sflag:$0x1], $0x50, $0x38;
	[tilespmem:$0x16578] =	vst v63  }
0x60: {  	_ =	swait.ge [sflag:s10], $0x50  }
0x61: {  	[sflag:s10] =	ssyncset.done $0x0  }
0x62: {  	s22 =	rddreg [dreg:$0xc];
	[sflag:s10] =	ssyncadd.s32 $0xFFFFFFB0  }
0x63: {  	[spmem:s22] =	stream.linear.scatter [tilespmem:s30], [sflag:$0x2], $0x2800, $0x38;
	[tilespmem:$0x16578] =	vst v63  }
0x64: {  	_ =	swait.ge [sflag:s31], $0x2800  }
0x65: {  	[sflag:s31] =	ssyncset.done $0x0  }
0x66: {  	s23 =	rddreg [dreg:$0xd];
	[sflag:s31] =	ssyncadd.s32 $0xFFFFD800  }
0x67: {  	[spmem:s23] =	stream.linear.scatter [tilespmem:s1], [sflag:$0x1], $0x50, $0x38;
	[tilespmem:$0x16578] =	vst v63  }
0x68: {  	_ =	swait.ge [sflag:s10], $0x50  }
0x69: {  	[sflag:s10] =	ssyncset.done $0x0  }
0x6a: {  	s24 =	rddreg [dreg:$0xe];
	[sflag:s10] =	ssyncadd.s32 $0xFFFFFFB0  }
0x6b: {  	[spmem:s24] =	stream.linear.scatter [tilespmem:s30], [sflag:$0x2], $0x2800, $0x38;
	[tilespmem:$0x16578] =	vst v63  }
0x6c: {  	_ =	swait.ge [sflag:s31], $0x2800  }
0x6d: {  	[sflag:s31] =	ssyncset.done $0x0  }
0x6e: {  	s25 =	rddreg [dreg:$0xf];
	[sflag:s31] =	ssyncadd.s32 $0xFFFFD800  }
0x6f: {  	[spmem:s25] =	stream.linear.scatter [tilespmem:s1], [sflag:$0x1], $0x50, $0x38;
	[tilespmem:$0x16578] =	vst v63  }
0x70: {  	_ =	swait.ge [sflag:s10], $0x50  }
0x71: {  	[sflag:s10] =	ssyncset.done $0x0  }
0x72: {  	s26 =	rddreg [dreg:$0x10];
	[sflag:s10] =	ssyncadd.s32 $0xFFFFFFB0  }
0x73: {  	[spmem:s26] =	stream.linear.scatter [tilespmem:s30], [sflag:$0x2], $0x2800, $0x38;
	[tilespmem:$0x16578] =	vst v63  }
0x74: {  	_ =	swait.ge [sflag:s31], $0x2800  }
0x75: {  	[sflag:s31] =	ssyncset.done $0x0  }
0x76: {  	s28 =	rddreg [dreg:$0x11];
	[sflag:s31] =	ssyncadd.s32 $0xFFFFD800  }
0x77: {  	[spmem:s28] =	stream.linear.scatter [tilespmem:s1], [sflag:$0x1], $0x50, $0x38;
	[tilespmem:$0x16578] =	vst v63  }
0x78: {  	_ =	swait.ge [sflag:s10], $0x50  }
0x79: {  	[sflag:s10] =	ssyncset.done $0x0  }
0x7a: {  	s17 =	simm.s32 @!p0 $0x280;
	s18 =	rddreg [dreg:$0x12];
	[sflag:s10] =	ssyncadd.s32 $0xFFFFFFB0  }
0x7b: {  	[spmem:s18] =	stream.linear.scatter @!p0 [tilespmem:s17], [sflag:$0x2], $0x2800, $0x38;
	[tilespmem:$0x16578] =	vst v63  }
0x7c: {  	s17 =	simm.s32 @!p0 $0x2  }
0x7d: {  	_ =	swait.ge @!p0 [sflag:s17], $0x2800  }
0x7e: {  	[sflag:s17] =	ssyncset.done @!p0 $0x0  }
0x7f: {  	s18 =	rddreg [dreg:$0x13];
	[sflag:s17] =	ssyncadd.s32 @!p0 $0xFFFFD800;
	s17 =	simm.s32 @!p0 $0x200  }
0x80: {  	[spmem:s18] =	stream.linear.scatter @!p0 [tilespmem:s17], [sflag:$0x1], $0x50, $0x38;
	[tilespmem:$0x16578] =	vst v63  }
0x81: {  	s17 =	simm.s32 @!p0 $0x1  }
0x82: {  	_ =	swait.ge @!p0 [sflag:s17], $0x50  }
0x83: {  	[sflag:s17] =	ssyncset.done @!p0 $0x0  }
0x84: {  	[sflag:s17] =	ssyncadd.s32 @!p0 $0xFFFFFFB0  }
0x85: {  	s18 =	simm.s32 $0x0;
	s17 =	simm.s32 $0x0;
	[bflag:$0x0] =	sbarrier.arrive $0xFFFF  }
.LBB2_4:
0x86: {  	s19 =	smul.u32 $0x50, s18;
	_ =	sdelay $0x1  }
0x87: {  	s19 =	sadd.s32 s9, s19  }
0x88: {  	s19 =	sshrl.u32 s19, $0x3  }
0x89: {  	s20 =	sadd.s32 s6, s19  }
0x8a: {  	[tilespmem:s17], [sflag:$0x1] =	stream.linear.gather [hbm4b:s20+s17], $0x50, $0x38;
	[tilespmem:$0x16578] =	vst v63  }
0x8b: {  	_ =	swait.ge [sflag:s10], $0x50  }
0x8c: {  	[sflag:s10] =	ssyncset.done $0x0  }
0x8d: {  	s28 =	sadd.s32 s7, s19;
	[sflag:s10] =	ssyncadd.s32 $0xFFFFFFB0  }
0x8e: {  	[tilespmem:s13], [sflag:$0x1] =	stream.linear.gather [hbm4b:s28+s17], $0x50, $0x38;
	[tilespmem:$0x16578] =	vst v63  }
0x8f: {  	_ =	swait.ge [sflag:s10], $0x50  }
0x90: {  	[sflag:s10] =	ssyncset.done $0x0  }
0x91: {  	s19 =	sadd.s32 s8, s19;
	[sflag:s10] =	ssyncadd.s32 $0xFFFFFFB0  }
0x92: {  	[tilespmem:s14], [sflag:$0x1] =	stream.linear.gather [hbm4b:s19+s17], $0x50, $0x38;
	[tilespmem:$0x16578] =	vst v63  }
0x93: {  	_ =	swait.ge [sflag:s10], $0x50  }
0x94: {  	[sflag:s10] =	ssyncset.done $0x0  }
0x95: {  	[sflag:s10] =	ssyncadd.s32 $0xFFFFFFB0  }
0x96: {  	[tilespmem:s30], [sflag:$0x1] =	stream.indirect.gather [hbm4b:s0+s15], $0x80, s17, s15, $0xb8;
	[tilespmem:$0x16578] =	vst v63  }
0x97: {  	_ =	swait.ge [sflag:s10], $0x2800  }
0x98: {  	[sflag:s10] =	ssyncset.done $0x0  }
0x99: {  	s19 =	simm.s32 $0x0;
	[sflag:s10] =	ssyncadd.s32 $0xFFFFD800  }
.LBB2_5:
0x9a: {  	s20 =	sshll.u32 s19, $0x4  }
0x9b: {  	s20 =	sand.u32 $0x3FFFFFF0, s20  }
0x9c: {  	s28 =	sshll.u32 s19, $0xB;
	v18 =	vld [tilespmem:s20+$0x100]  }
0x9d: {  	s20 =	sand.u32 $0x3FFFF800, s28  }
0x9e: {  	v19 =	vld [tilespmem:s20+$0x280]  }
0x9f: {  	v20 =	vld [tilespmem:s20+$0x290]  }
0xa0: {  	v21 =	vld [tilespmem:s20+$0x2A0]  }
0xa1: {  	v23 =	vld [tilespmem:s20+$0x2B0];
	v22 =	vperm.xlane v18, v2  }
0xa2: {  	v24 =	vld [tilespmem:s20+$0x2C0]  }
0xa3: {  	v25 =	vld [tilespmem:s20+$0x2D0];
	v19 =	vmul.f32 v19, v22  }
0xa4: {  	v26 =	vld [tilespmem:s20+$0x2E0];
	v20 =	vmul.f32 v20, v22  }
0xa5: {  	v43 =	vld [tilespmem:s20+$0x2F0];
	[tilespmem:s20+$0x280] =	vst v19;
	v19 =	vmul.f32 v21, v22  }
0xa6: {  	v45 =	vld [tilespmem:s20+$0x300];
	v44 =	vmul.f32 v23, v22;
	[tilespmem:s20+$0x290] =	vst v20  }
0xa7: {  	v46 =	vld [tilespmem:s20+$0x310];
	[tilespmem:s20+$0x2A0] =	vst v19;
	v19 =	vmul.f32 v24, v22  }
0xa8: {  	v48 =	vld [tilespmem:s20+$0x320];
	v47 =	vmul.f32 v25, v22;
	[tilespmem:s20+$0x2B0] =	vst v44  }
0xa9: {  	v27 =	vld [tilespmem:s20+$0x330];
	v49 =	vperm.xlane v18, v3;
	[tilespmem:s20+$0x2C0] =	vst v19;
	v19 =	vmul.f32 v26, v22  }
0xaa: {  	v51 =	vld [tilespmem:s20+$0x340];
	v50 =	vmul.f32 v43, v22;
	[tilespmem:s20+$0x2D0] =	vst v47  }
0xab: {  	v52 =	vld [tilespmem:s20+$0x350];
	[tilespmem:s20+$0x2E0] =	vst v19;
	v19 =	vmul.f32 v45, v49  }
0xac: {  	v54 =	vld [tilespmem:s20+$0x360];
	v53 =	vmul.f32 v46, v49;
	[tilespmem:s20+$0x2F0] =	vst v50  }
0xad: {  	v55 =	vld [tilespmem:s20+$0x370];
	[tilespmem:s20+$0x300] =	vst v19;
	v19 =	vmul.f32 v48, v49  }
0xae: {  	v57 =	vld [tilespmem:s20+$0x380];
	v56 =	vmul.f32 v27, v49;
	[tilespmem:s20+$0x310] =	vst v53  }
0xaf: {  	v58 =	vld [tilespmem:s20+$0x390];
	[tilespmem:s20+$0x320] =	vst v19;
	v19 =	vmul.f32 v51, v49  }
0xb0: {  	v60 =	vld [tilespmem:s20+$0x3A0];
	v59 =	vmul.f32 v52, v49;
	[tilespmem:s20+$0x330] =	vst v56  }
0xb1: {  	v62 =	vld [tilespmem:s20+$0x3B0];
	v61 =	vperm.xlane v18, v4;
	[tilespmem:s20+$0x340] =	vst v19;
	v19 =	vmul.f32 v54, v49  }
0xb2: {  	v28 =	vld [tilespmem:s20+$0x3C0];
	v63 =	vmul.f32 v55, v49;
	[tilespmem:s20+$0x350] =	vst v59  }
0xb3: {  	v29 =	vld [tilespmem:s20+$0x3D0];
	[tilespmem:s20+$0x360] =	vst v19;
	v19 =	vmul.f32 v57, v61  }
0xb4: {  	v31 =	vld [tilespmem:s20+$0x3E0];
	v30 =	vmul.f32 v58, v61;
	[tilespmem:s20+$0x370] =	vst v63  }
0xb5: {  	v32 =	vld [tilespmem:s20+$0x3F0];
	[tilespmem:s20+$0x380] =	vst v19;
	v19 =	vmul.f32 v60, v61  }
0xb6: {  	v34 =	vld [tilespmem:s20+$0x400];
	v33 =	vmul.f32 v62, v61;
	[tilespmem:s20+$0x390] =	vst v30  }
0xb7: {  	v35 =	vld [tilespmem:s20+$0x410];
	[tilespmem:s20+$0x3A0] =	vst v19;
	v19 =	vmul.f32 v28, v61  }
0xb8: {  	v37 =	vld [tilespmem:s20+$0x420];
	v36 =	vmul.f32 v29, v61;
	[tilespmem:s20+$0x3B0] =	vst v33  }
0xb9: {  	v39 =	vld [tilespmem:s20+$0x430];
	v38 =	vperm.xlane v18, v5;
	[tilespmem:s20+$0x3C0] =	vst v19;
	v19 =	vmul.f32 v31, v61  }
0xba: {  	v41 =	vld [tilespmem:s20+$0x440];
	v40 =	vmul.f32 v32, v61;
	[tilespmem:s20+$0x3D0] =	vst v36  }
0xbb: {  	v45 =	vld [tilespmem:s20+$0x470];
	[tilespmem:s20+$0x3E0] =	vst v19;
	v19 =	vmul.f32 v34, v38  }
0xbc: {  	v43 =	vmul.f32 v35, v38;
	[tilespmem:s20+$0x3F0] =	vst v40;
	v44 =	vld [tilespmem:s20+$0x460]  }
0xbd: {  	v42 =	vld [tilespmem:s20+$0x450];
	[tilespmem:s20+$0x400] =	vst v19;
	v19 =	vmul.f32 v37, v38  }
0xbe: {  	v46 =	vmul.f32 v39, v38;
	[tilespmem:s20+$0x410] =	vst v43;
	v47 =	vld [tilespmem:s20+$0x480]  }
0xbf: {  	v52 =	vld [tilespmem:s20+$0x4B0];
	[tilespmem:s20+$0x420] =	vst v19;
	v19 =	vmul.f32 v41, v38  }
0xc0: {  	[tilespmem:s20+$0x430] =	vst v46;
	v50 =	vld [tilespmem:s20+$0x4A0];
	v53 =	vmul.f32 v45, v38  }
0xc1: {  	v55 =	vld [tilespmem:s20+$0x4D0];
	v51 =	vperm.xlane v18, v6;
	[tilespmem:s20+$0x440] =	vst v19;
	v19 =	vmul.f32 v44, v38  }
0xc2: {  	v49 =	vmul.f32 v42, v38;
	v54 =	vld [tilespmem:s20+$0x4C0];
	[tilespmem:s20+$0x470] =	vst v53  }
0xc3: {  	v58 =	vld [tilespmem:s20+$0x4F0];
	[tilespmem:s20+$0x460] =	vst v19;
	v19 =	vmul.f32 v47, v51  }
0xc4: {  	v59 =	vmul.f32 v52, v51;
	[tilespmem:s20+$0x450] =	vst v49;
	v57 =	vld [tilespmem:s20+$0x4E0]  }
0xc5: {  	v48 =	vld [tilespmem:s20+$0x490];
	[tilespmem:s20+$0x480] =	vst v19;
	v19 =	vmul.f32 v50, v51  }
0xc6: {  	v62 =	vmul.f32 v55, v51;
	[tilespmem:s20+$0x4B0] =	vst v59;
	v60 =	vld [tilespmem:s20+$0x500]  }
0xc7: {  	v40 =	vld [tilespmem:s20+$0x590];
	[tilespmem:s20+$0x4A0] =	vst v19;
	v19 =	vmul.f32 v54, v51  }
0xc8: {  	v63 =	vld [tilespmem:s20+$0x520];
	v32 =	vmul.f32 v58, v51;
	[tilespmem:s20+$0x4D0] =	vst v62  }
0xc9: {  	v30 =	vperm.xlane v18, v7;
	v61 =	vld [tilespmem:s20+$0x510];
	[tilespmem:s20+$0x4C0] =	vst v19;
	v19 =	vmul.f32 v57, v51  }
0xca: {  	v33 =	vld [tilespmem:s20+$0x540];
	v43 =	vperm.xlane v18, v8;
	v56 =	vmul.f32 v48, v51;
	[tilespmem:s20+$0x4F0] =	vst v32  }
0xcb: {  	v53 =	vld [tilespmem:s20+$0x610];
	[tilespmem:s20+$0x4E0] =	vst v19;
	v19 =	vmul.f32 v60, v30  }
0xcc: {  	v36 =	vld [tilespmem:s20+$0x560];
	v48 =	vmul.f32 v40, v43;
	[tilespmem:s20+$0x490] =	vst v56  }
0xcd: {  	v31 =	vld [tilespmem:s20+$0x530];
	[tilespmem:s20+$0x500] =	vst v19;
	v19 =	vmul.f32 v63, v30  }
0xce: {  	v39 =	vld [tilespmem:s20+$0x580];
	[tilespmem:s20+$0x590] =	vst v48;
	v56 =	vperm.xlane v18, v9;
	v35 =	vmul.f32 v61, v30  }
0xcf: {  	v34 =	vld [tilespmem:s20+$0x550];
	[tilespmem:s20+$0x520] =	vst v19;
	v19 =	vmul.f32 v33, v30  }
0xd0: {  	v42 =	vld [tilespmem:s20+$0x5A0];
	v61 =	vmul.f32 v53, v56;
	[tilespmem:s20+$0x510] =	vst v35  }
0xd1: {  	v37 =	vld [tilespmem:s20+$0x570];
	[tilespmem:s20+$0x540] =	vst v19;
	v19 =	vmul.f32 v36, v30  }
0xd2: {  	v46 =	vld [tilespmem:s20+$0x5C0];
	[tilespmem:s20+$0x610] =	vst v61;
	v38 =	vmul.f32 v31, v30  }
0xd3: {  	v47 =	vld [tilespmem:s20+$0x5D0];
	[tilespmem:s20+$0x560] =	vst v19;
	v19 =	vmul.f32 v39, v43  }
0xd4: {  	v49 =	vld [tilespmem:s20+$0x5E0];
	v41 =	vmul.f32 v34, v30;
	[tilespmem:s20+$0x530] =	vst v38  }
0xd5: {  	v38 =	vld [tilespmem:s20+$0x6D0];
	[tilespmem:s20+$0x580] =	vst v19;
	v19 =	vmul.f32 v42, v43  }
0xd6: {  	v52 =	vld [tilespmem:s20+$0x600];
	[tilespmem:s20+$0x550] =	vst v41;
	v45 =	vmul.f32 v37, v30  }
0xd7: {  	v44 =	vld [tilespmem:s20+$0x5B0];
	[tilespmem:s20+$0x5A0] =	vst v19;
	v19 =	vmul.f32 v46, v43  }
0xd8: {  	v55 =	vld [tilespmem:s20+$0x620];
	v34 =	vperm.xlane v18, v10;
	[tilespmem:s20+$0x570] =	vst v45;
	v54 =	vmul.f32 v47, v43  }
0xd9: {  	v50 =	vld [tilespmem:s20+$0x5F0];
	[tilespmem:s20+$0x5C0] =	vst v19;
	v19 =	vmul.f32 v49, v43  }
0xda: {  	v59 =	vld [tilespmem:s20+$0x640];
	v45 =	vmul.f32 v38, v34;
	[tilespmem:s20+$0x5D0] =	vst v54  }
0xdb: {  	v57 =	vld [tilespmem:s20+$0x630];
	[tilespmem:s20+$0x5E0] =	vst v19;
	v19 =	vmul.f32 v52, v56  }
0xdc: {  	v62 =	vld [tilespmem:s20+$0x660];
	v51 =	vmul.f32 v44, v43;
	[tilespmem:s20+$0x6D0] =	vst v45  }
0xdd: {  	v60 =	vld [tilespmem:s20+$0x650];
	[tilespmem:s20+$0x600] =	vst v19;
	v19 =	vmul.f32 v55, v56  }
0xde: {  	v58 =	vmul.f32 v50, v43;
	[tilespmem:s20+$0x5B0] =	vst v51;
	v30 =	vld [tilespmem:s20+$0x680]  }
0xdf: {  	v51 =	vld [tilespmem:s20+$0x750];
	[tilespmem:s20+$0x620] =	vst v19;
	v19 =	vmul.f32 v59, v56  }
0xe0: {  	[tilespmem:s20+$0x5F0] =	vst v58;
	v29 =	vmul.f32 v57, v56;
	v33 =	vld [tilespmem:s20+$0x6A0]  }
0xe1: {  	v63 =	vld [tilespmem:s20+$0x670];
	[tilespmem:s20+$0x640] =	vst v19;
	v19 =	vmul.f32 v62, v56  }
0xe2: {  	v37 =	vld [tilespmem:s20+$0x6C0];
	v47 =	vperm.xlane v18, v11;
	[tilespmem:s20+$0x630] =	vst v29;
	v32 =	vmul.f32 v60, v56  }
0xe3: {  	v61 =	vld [tilespmem:s20+$0x7B0];
	[tilespmem:s20+$0x660] =	vst v19;
	v19 =	vmul.f32 v30, v34  }
0xe4: {  	v40 =	vld [tilespmem:s20+$0x6E0];
	v58 =	vmul.f32 v51, v47;
	[tilespmem:s20+$0x650] =	vst v32  }
0xe5: {  	v31 =	vld [tilespmem:s20+$0x690];
	[tilespmem:s20+$0x680] =	vst v19;
	v19 =	vmul.f32 v33, v34  }
0xe6: {  	v60 =	vperm.xlane v18, v12;
	v36 =	vmul.f32 v63, v56;
	[tilespmem:s20+$0x750] =	vst v58;
	v43 =	vld [tilespmem:s20+$0x700]  }
0xe7: {  	v57 =	vld [tilespmem:s20+$0x790];
	[tilespmem:s20+$0x6A0] =	vst v19;
	v19 =	vmul.f32 v37, v34  }
0xe8: {  	v32 =	vmul.f32 v61, v60;
	[tilespmem:s20+$0x670] =	vst v36;
	v46 =	vld [tilespmem:s20+$0x720]  }
0xe9: {  	v35 =	vld [tilespmem:s20+$0x6B0];
	[tilespmem:s20+$0x6C0] =	vst v19;
	v19 =	vmul.f32 v40, v34  }
0xea: {  	v50 =	vld [tilespmem:s20+$0x740];
	v39 =	vmul.f32 v31, v34;
	[tilespmem:s20+$0x7B0] =	vst v32  }
0xeb: {  	v28 =	vld [tilespmem:s20+$0x7D0];
	[tilespmem:s20+$0x6E0] =	vst v19;
	v19 =	vmul.f32 v43, v47  }
0xec: {  	v53 =	vld [tilespmem:s20+$0x760];
	v29 =	vmul.f32 v57, v60;
	[tilespmem:s20+$0x690] =	vst v39  }
0xed: {  	v31 =	vld [tilespmem:s20+$0x7F0];
	[tilespmem:s20+$0x700] =	vst v19;
	v19 =	vmul.f32 v46, v47  }
0xee: {  	v42 =	vmul.f32 v35, v34;
	[tilespmem:s20+$0x790] =	vst v29;
	v56 =	vld [tilespmem:s20+$0x780]  }
0xef: {  	v41 =	vld [tilespmem:s20+$0x6F0];
	[tilespmem:s20+$0x720] =	vst v19;
	v19 =	vmul.f32 v50, v47  }
0xf0: {  	v35 =	vmul.f32 v28, v60;
	[tilespmem:s20+$0x6B0] =	vst v42;
	v59 =	vld [tilespmem:s20+$0x7A0]  }
0xf1: {  	v44 =	vld [tilespmem:s20+$0x710];
	[tilespmem:s20+$0x740] =	vst v19;
	v19 =	vmul.f32 v53, v47  }
0xf2: {  	v63 =	vld [tilespmem:s20+$0x7C0];
	[tilespmem:s20+$0x7D0] =	vst v35;
	v39 =	vmul.f32 v31, v60  }
0xf3: {  	v48 =	vld [tilespmem:s20+$0x730];
	[tilespmem:s20+$0x760] =	vst v19;
	v19 =	vmul.f32 v56, v60  }
0xf4: {  	v49 =	vmul.f32 v41, v34;
	[tilespmem:s20+$0x7F0] =	vst v39;
	v30 =	vld [tilespmem:s20+$0x7E0]  }
0xf5: {  	v54 =	vld [tilespmem:s20+$0x770];
	[tilespmem:s20+$0x780] =	vst v19;
	v19 =	vmul.f32 v59, v60  }
0xf6: {  	[tilespmem:s20+$0x6F0] =	vst v49;
	v52 =	vmul.f32 v44, v47;
	v33 =	vld [tilespmem:s20+$0x800]  }
0xf7: {  	v38 =	vld [tilespmem:s20+$0x830];
	[tilespmem:s20+$0x7A0] =	vst v19;
	v19 =	vmul.f32 v63, v60  }
0xf8: {  	v36 =	vld [tilespmem:s20+$0x820];
	[tilespmem:s20+$0x710] =	vst v52;
	v55 =	vmul.f32 v48, v47  }
0xf9: {  	v41 =	vld [tilespmem:s20+$0x850];
	v37 =	vperm.xlane v18, v13;
	[tilespmem:s20+$0x7C0] =	vst v19;
	v19 =	vmul.f32 v30, v60  }
0xfa: {  	[tilespmem:s20+$0x730] =	vst v55;
	v62 =	vmul.f32 v54, v47;
	v40 =	vld [tilespmem:s20+$0x840]  }
0xfb: {  	v44 =	vld [tilespmem:s20+$0x870];
	[tilespmem:s20+$0x7E0] =	vst v19;
	v19 =	vmul.f32 v33, v37  }
0xfc: {  	[tilespmem:s20+$0x770] =	vst v62;
	v45 =	vmul.f32 v38, v37;
	v43 =	vld [tilespmem:s20+$0x860]  }
0xfd: {  	v34 =	vld [tilespmem:s20+$0x810];
	[tilespmem:s20+$0x800] =	vst v19;
	v19 =	vmul.f32 v36, v37  }
0xfe: {  	v48 =	vmul.f32 v41, v37;
	[tilespmem:s20+$0x830] =	vst v45;
	v46 =	vld [tilespmem:s20+$0x880]  }
0xff: {  	v51 =	vld [tilespmem:s20+$0x8B0];
	[tilespmem:s20+$0x820] =	vst v19;
	v19 =	vmul.f32 v40, v37  }
0x100: {  	v49 =	vld [tilespmem:s20+$0x8A0];
	v52 =	vmul.f32 v44, v37;
	[tilespmem:s20+$0x850] =	vst v48  }
0x101: {  	v54 =	vld [tilespmem:s20+$0x8D0];
	v50 =	vperm.xlane v18, v14;
	[tilespmem:s20+$0x840] =	vst v19;
	v19 =	vmul.f32 v43, v37  }
0x102: {  	[tilespmem:s20+$0x870] =	vst v52;
	v42 =	vmul.f32 v34, v37;
	v53 =	vld [tilespmem:s20+$0x8C0]  }
0x103: {  	v57 =	vld [tilespmem:s20+$0x8F0];
	[tilespmem:s20+$0x860] =	vst v19;
	v19 =	vmul.f32 v46, v50  }
0x104: {  	[tilespmem:s20+$0x810] =	vst v42;
	v58 =	vmul.f32 v51, v50;
	v56 =	vld [tilespmem:s20+$0x8E0]  }
0x105: {  	v47 =	vld [tilespmem:s20+$0x890];
	[tilespmem:s20+$0x880] =	vst v19;
	v19 =	vmul.f32 v49, v50  }
0x106: {  	v61 =	vmul.f32 v54, v50;
	[tilespmem:s20+$0x8B0] =	vst v58;
	v59 =	vld [tilespmem:s20+$0x900]  }
0x107: {  	v39 =	vld [tilespmem:s20+$0x990];
	[tilespmem:s20+$0x8A0] =	vst v19;
	v19 =	vmul.f32 v53, v50  }
0x108: {  	v62 =	vld [tilespmem:s20+$0x920];
	v31 =	vmul.f32 v57, v50;
	[tilespmem:s20+$0x8D0] =	vst v61  }
0x109: {  	v63 =	vperm.xlane v18, v15;
	v60 =	vld [tilespmem:s20+$0x910];
	[tilespmem:s20+$0x8C0] =	vst v19;
	v19 =	vmul.f32 v56, v50  }
0x10a: {  	v32 =	vld [tilespmem:s20+$0x940];
	v42 =	vperm.xlane v18, v16;
	[tilespmem:s20+$0x8F0] =	vst v31;
	v55 =	vmul.f32 v47, v50  }
0x10b: {  	v33 =	vld [tilespmem:s20+$0x950];
	[tilespmem:s20+$0x8E0] =	vst v19;
	v19 =	vmul.f32 v59, v63  }
0x10c: {  	v35 =	vld [tilespmem:s20+$0x960];
	v47 =	vmul.f32 v39, v42;
	[tilespmem:s20+$0x890] =	vst v55  }
0x10d: {  	v30 =	vld [tilespmem:s20+$0x930];
	[tilespmem:s20+$0x900] =	vst v19;
	v19 =	vmul.f32 v62, v63  }
0x10e: {  	v38 =	vld [tilespmem:s20+$0x980];
	[tilespmem:s20+$0x990] =	vst v47;
	v34 =	vmul.f32 v60, v63  }
0x10f: {  	v36 =	vld [tilespmem:s20+$0x970];
	[tilespmem:s20+$0x920] =	vst v19;
	v19 =	vmul.f32 v32, v63  }
0x110: {  	v41 =	vld [tilespmem:s20+$0x9A0];
	[tilespmem:s20+$0x910] =	vst v34;
	v40 =	vmul.f32 v33, v63  }
0x111: {  	v46 =	vld [tilespmem:s20+$0x9D0];
	[tilespmem:s20+$0x940] =	vst v19;
	v19 =	vmul.f32 v35, v63  }
0x112: {  	v45 =	vld [tilespmem:s20+$0x9C0];
	v37 =	vmul.f32 v30, v63;
	[tilespmem:s20+$0x950] =	vst v40  }
0x113: {  	v43 =	vld [tilespmem:s20+$0x9B0];
	[tilespmem:s20+$0x960] =	vst v19;
	v19 =	vmul.f32 v38, v42  }
0x114: {  	v48 =	vld [tilespmem:s20+$0x9E0];
	v44 =	vmul.f32 v36, v63;
	[tilespmem:s20+$0x930] =	vst v37  }
0x115: {  	v49 =	vld [tilespmem:s20+$0x9F0];
	[tilespmem:s20+$0x980] =	vst v19;
	v19 =	vmul.f32 v41, v42  }
0x116: {  	v51 =	vld [tilespmem:s20+$0xA00];
	[tilespmem:s20+$0x970] =	vst v44;
	v53 =	vmul.f32 v46, v42  }
0x117: {  	v52 =	vld [tilespmem:s20+$0xA10];
	[tilespmem:s20+$0x9A0] =	vst v19;
	v19 =	vmul.f32 v45, v42  }
0x118: {  	v54 =	vld [tilespmem:s20+$0xA20];
	v50 =	vmul.f32 v43, v42;
	[tilespmem:s20+$0x9D0] =	vst v53  }
0x119: {  	v18 =	vperm.xlane v18, v17;
	v55 =	vld [tilespmem:s20+$0xA30];
	[tilespmem:s20+$0x9C0] =	vst v19;
	v19 =	vmul.f32 v48, v42  }
0x11a: {  	v57 =	vld [tilespmem:s20+$0xA40];
	v56 =	vmul.f32 v49, v42;
	[tilespmem:s20+$0x9B0] =	vst v50  }
0x11b: {  	v58 =	vld [tilespmem:s20+$0xA50];
	[tilespmem:s20+$0x9E0] =	vst v19;
	v19 =	vmul.f32 v51, v18  }
0x11c: {  	v60 =	vld [tilespmem:s20+$0xA60];
	v59 =	vmul.f32 v52, v18;
	[tilespmem:s20+$0x9F0] =	vst v56  }
0x11d: {  	v61 =	vld [tilespmem:s20+$0xA70];
	[tilespmem:s20+$0xA00] =	vst v19;
	v19 =	vmul.f32 v54, v18  }
0x11e: {  	[tilespmem:s20+$0xA10] =	vst v59;
	v62 =	vmul.f32 v55, v18  }
0x11f: {  	p1 =	sne.s32 s19, $0x4;
	[tilespmem:s20+$0xA20] =	vst v19;
	v19 =	vmul.f32 v57, v18  }
.Ltmp1:
0x120: {  	[tilespmem:s20+$0xA30] =	vst v62;
	v63 =	vmul.f32 v58, v18;
	(pc) =	sbr.rel @p1 .LBB2_5-.Ltmp1, $4  }
0x121: {  	[tilespmem:s20+$0xA40] =	vst v19;
	v19 =	vmul.f32 v60, v18  }
0x122: {  	[tilespmem:s20+$0xA50] =	vst v63;
	v18 =	vmul.f32 v61, v18  }
0x123: {  	[tilespmem:s20+$0xA60] =	vst v19  }
0x124: {  	s19 =	sadd.s32 $0x1, s19;
	[tilespmem:s20+$0xA70] =	vst v18  }
0x125: {  	[spmem:s3] =	stream.indirect.scatter.add.f32 [tilespmem:s30], [sflag:$0x1], $0x80, s13, s15, $0xb8;
	[tilespmem:$0x16578] =	vst v63  }
0x126: {  	s18 =	sadd.s32 $0x1, s18;
	_ =	swait.ge [sflag:s10], $0x2800  }
0x127: {  	p1 =	sne.s32 s18, $0x7D;
	[sflag:s10] =	ssyncset.done $0x0  }
.Ltmp2:
0x128: {  	[sflag:s10] =	ssyncadd.s32 $0xFFFFD800;
	(pc) =	sbr.rel @p1 .LBB2_4-.Ltmp2, $4  }
0x129: {  	[spmem:s4] =	stream.indirect.scatter.add.f32 [tilespmem:s16], [sflag:$0x1], $0x1, s13, s15, $0xb8;
	[tilespmem:$0x16578] =	vst v63  }
0x12a: {  	_ =	swait.ge [sflag:s10], $0x50  }
0x12b: {  	[sflag:s10] =	ssyncset.done $0x0  }
0x12c: {  	[sflag:s10] =	ssyncadd.s32 $0xFFFFFFB0  }
0x12d: {  	s17 =	sadd.s32 $0x0, s2  }
0x12e: {  	p1 =	sgt.u32 s17, $0x7C  }
0x12f: {  	[bflag:$0x0] =	sbarrier.arrive $0xFFFF;
	s17 =	simm.s32 @!p1 $0x280;
	s18 =	simm.s32 @!p1 $0x2  }
0x130: {  	[tilespmem:s17], [sflag:$0x2] =	stream.linear.gather @!p1 [spmem:s11], $0x2800, $0x38;
	[tilespmem:$0x16578] =	vst v63  }
0x131: {  	_ =	swait.ge @!p1 [sflag:s18], $0x2800  }
0x132: {  	s19 =	simm.s32 @!p1 $0x0;
	[sflag:s18] =	ssyncset.done @!p1 $0x0  }
0x133: {  	s23 =	rddreg [dreg:$0x14];
	[sflag:s18] =	ssyncadd.s32 @!p1 $0xFFFFD800;
	p1 =	por p1, p1  }
0x134: {  	[hbm4b:s23+s19] =	stream.linear.scatter @!p1 [tilespmem:s17], [sflag:$0x2], $0x2800, $0x38;
	[tilespmem:$0x16578] =	vst v63  }
0x135: {  	_ =	swait.ge @!p1 [sflag:s18], $0x2800  }
0x136: {  	[sflag:s18] =	ssyncset.done @!p1 $0x0  }
0x137: {  	s21 =	simm.s32 @!p1 $0x200;
	[sflag:s18] =	ssyncadd.s32 @!p1 $0xFFFFD800  }
0x138: {  	[tilespmem:s21], [sflag:$0x2] =	stream.linear.gather @!p1 [spmem:s12], $0x50, $0x38;
	[tilespmem:$0x16578] =	vst v63  }
0x139: {  	_ =	swait.ge @!p1 [sflag:s18], $0x50  }
0x13a: {  	s20 =	simm.s32 $0x20;
	s28 =	sadd.s32 $0x10, s2;
	[sflag:s18] =	ssyncset.done @!p1 $0x0  }
0x13b: {  	p3 =	sgt.u32 s28, $0x7C;
	s22 =	simm.s32 @!p1 $0x1;
	[sflag:s18] =	ssyncadd.s32 @!p1 $0xFFFFFFB0  }
0x13c: {  	[hbm4b:s29+s19] =	stream.linear.scatter @!p1 [tilespmem:s21], [sflag:$0x1], $0x50, $0x38;
	[tilespmem:$0x16578] =	vst v63  }
0x13d: {  	s17 =	sadd.s32 $0xA0, s29;
	s18 =	sadd.s32 $0x500, s12;
	_ =	swait.ge @!p1 [sflag:s22], $0x50  }
0x13e: {  	s19 =	sadd.s32 $0x5000, s23;
	s21 =	sadd.s32 $0x28000, s11;
	[sflag:s22] =	ssyncset.done @!p1 $0x0  }
.LBB2_8:
0x13f: {  	s23 =	simm.s32 @!p3 $0x280;
	s24 =	simm.s32 @!p3 $0x2;
	[sflag:s22] =	ssyncadd.s32 @!p1 $0xFFFFFFB0  }
0x140: {  	[tilespmem:s23], [sflag:$0x2] =	stream.linear.gather @!p3 [spmem:s21], $0x2800, $0x38;
	[tilespmem:$0x16578] =	vst v63  }
0x141: {  	s25 =	smov.u32 s20;
	s20 =	sadd.s32 $0x10, s20;
	_ =	swait.ge @!p3 [sflag:s24], $0x2800  }
0x142: {  	s26 =	smov.u32 s17;
	p2 =	sne.s32 s20, $0x80;
	[sflag:s24] =	ssyncset.done @!p3 $0x0  }
0x143: {  	s28 =	simm.s32 @!p3 $0x0;
	p1 =	por p3, p3;
	[sflag:s24] =	ssyncadd.s32 @!p3 $0xFFFFD800  }
0x144: {  	[hbm4b:s19+s28] =	stream.linear.scatter @!p1 [tilespmem:s23], [sflag:$0x2], $0x2800, $0x38;
	[tilespmem:$0x16578] =	vst v63  }
0x145: {  	_ =	swait.ge @!p1 [sflag:s24], $0x2800  }
0x146: {  	[sflag:s24] =	ssyncset.done @!p1 $0x0  }
0x147: {  	s23 =	simm.s32 @!p1 $0x200;
	[sflag:s24] =	ssyncadd.s32 @!p1 $0xFFFFD800  }
0x148: {  	[tilespmem:s23], [sflag:$0x2] =	stream.linear.gather @!p1 [spmem:s18], $0x50, $0x38;
	[tilespmem:$0x16578] =	vst v63  }
0x149: {  	_ =	swait.ge @!p1 [sflag:s24], $0x50  }
.Ltmp3:
0x14a: {  	s17 =	sadd.s32 $0xA0, s17;
	[sflag:s24] =	ssyncset.done @!p1 $0x0;
	(pc) =	sbr.rel @p2 .LBB2_8-.Ltmp3, $4  }
0x14b: {  	s22 =	simm.s32 @!p1 $0x1;
	s18 =	sadd.s32 $0x500, s18;
	[sflag:s24] =	ssyncadd.s32 @!p1 $0xFFFFFFB0  }
0x14c: {  	[hbm4b:s26+s28] =	stream.linear.scatter @!p1 [tilespmem:s23], [sflag:$0x1], $0x50, $0x38;
	[tilespmem:$0x16578] =	vst v63  }
0x14d: {  	s19 =	sadd.s32 $0x5000, s19;
	s23 =	sadd.s32 s25, s2;
	_ =	swait.ge @!p1 [sflag:s22], $0x50  }
0x14e: {  	s21 =	sadd.s32 $0x28000, s21;
	p3 =	sgt.u32 s23, $0x7C;
	[sflag:s22] =	ssyncset.done @!p1 $0x0  }
0x14f: {  	s20 =	simm.s32 @!p3 $0x280;
	s23 =	simm.s32 @!p3 $0x2;
	[sflag:s22] =	ssyncadd.s32 @!p1 $0xFFFFFFB0  }
0x150: {  	[tilespmem:s20], [sflag:$0x2] =	stream.linear.gather @!p3 [spmem:s21], $0x2800, $0x38;
	[tilespmem:$0x16578] =	vst v63  }
0x151: {  	_ =	swait.ge @!p3 [sflag:s23], $0x2800  }
0x152: {  	[sflag:s23] =	ssyncset.done @!p3 $0x0  }
0x153: {  	p1 =	por p3, p3;
	s21 =	simm.s32 @!p3 $0x0;
	[sflag:s23] =	ssyncadd.s32 @!p3 $0xFFFFD800  }
0x154: {  	[hbm4b:s19+s21] =	stream.linear.scatter @!p1 [tilespmem:s20], [sflag:$0x2], $0x2800, $0x38;
	[tilespmem:$0x16578] =	vst v63  }
0x155: {  	_ =	swait.ge @!p1 [sflag:s23], $0x2800  }
0x156: {  	[sflag:s23] =	ssyncset.done @!p1 $0x0  }
0x157: {  	s19 =	simm.s32 @!p1 $0x200;
	[sflag:s23] =	ssyncadd.s32 @!p1 $0xFFFFD800  }
0x158: {  	[tilespmem:s19], [sflag:$0x2] =	stream.linear.gather @!p1 [spmem:s18], $0x50, $0x38;
	[tilespmem:$0x16578] =	vst v63  }
0x159: {  	_ =	swait.ge @!p1 [sflag:s23], $0x50  }
0x15a: {  	[sflag:s23] =	ssyncset.done @!p1 $0x0  }
0x15b: {  	s18 =	simm.s32 @!p1 $0x1;
	[sflag:s23] =	ssyncadd.s32 @!p1 $0xFFFFFFB0  }
0x15c: {  	[hbm4b:s17+s21] =	stream.linear.scatter @!p1 [tilespmem:s19], [sflag:$0x1], $0x50, $0x38;
	[tilespmem:$0x16578] =	vst v63  }
0x15d: {  	_ =	swait.ge @!p1 [sflag:s18], $0x50  }
0x15e: {  	s5 =	sadd.s32 $0x1, s5;
	s28 =	rddreg [dreg:$0x5]  }
0x15f: {  	p2 =	sne.s32 s5, s28  }
.Ltmp4:
0x160: {  	_ = 	snop;
	(pc) =	sbr.rel @p2 .LBB2_1-.Ltmp4, $3  }
0x161: {  	_ =	sdelay $0x1  }
0x162: {  	[sflag:s18] =	ssyncset.done @!p1 $0x0  }
0x163: {  	[sflag:s18] =	ssyncadd.s32 @!p1 $0xFFFFFFB0  }
0x164: {  	_ =	sfence.sel $0x180000  }
0x165: {  	[bflag:$0x0] =	sbarrier.arrive $0xFFFF  }
0x166: {  	_ =	strace $0x90000047  }
0x167: {  	[bflag:$0x2] =	sbarrier.arrive $0xFFFF  }
0x168: {  	p0 =	sne.s32 s2, $0x0;
	s0 =	rddreg [dreg:$0x4]  }
0x169: {  	s0 =	sadd.s32 @!p0 $0x100000, s0  }
0x16a: {  	[sflag:s0] =	ssyncadd.tile.s32 @!p0 $0x1;
	_ =	shalt  }
.Lfunc_end2:
_tile_overlayer_lowered:
.L_overlay_start_2:
0x16b: {  	(tag) =	ssettag $0x2  }
0x16c: {  	s0 =	rddreg [dreg:$0x0];
	s2 =	stileid.u32  }
0x16d: {  	s1 =	rddreg [dreg:$0x1];
	p0 =	sne.s32 s2, $0x0  }
0x16e: {  	s3 =	rddreg [dreg:$0x2];
	[bflag:$0x3] =	sbarrier.arrive $0xFFFF;
	s2 =	simm.s32 @!p0 $0x1C01  }
0x16f: {  	[timem:s3], [sflag:s2] =	dma.local @!p0 [hbm:s0], s1  }
0x170: {  	s0 =	simm.s32 @!p0 $0x1  }
0x171: {  	_ =	swait.ge @!p0 [sflag:s0], s1  }
0x172: {  	s1 =	ssub.s32 @!p0 $0x0, s1;
	[sflag:s0] =	ssyncset.done @!p0 $0x0  }
0x173: {  	[sflag:s0] =	ssyncadd.s32 @!p0 s1  }
0x174: {  	[bflag:$0x3] =	sbarrier.arrive $0xFFFF  }
0x175: {  	_ =	shalt  }

</sc_bundles>
